<compile_context>
chip_gen: v7x
topology: tpu7x:2x2x1
jax: 0.10.2.dev20260603
libtpu: 0.0.44.dev20260713+nightly
codegen_flags: <defaults>
</compile_context>

<pallas_src>
import functools

import jax
import jax.numpy as jnp
from jax import lax
from jax.experimental import pallas as pl
from jax.experimental.pallas import tpu as pltpu
from jax.experimental.pallas import tpu_sc as plsc

_TEMP_INV = 2.0
_THRESH = 0.999
_L = 16


_NCH = 8


def _make_kernel(n_rows: int, n_cols: int):
    n_vec = n_cols // _L
    mesh = plsc.VectorSubcoreMesh(core_axis_name="c", subcore_axis_name="s")
    ch = n_cols // _NCH
    ch_vec = ch // _L

    @functools.partial(
        pl.kernel,
        out_type=jax.ShapeDtypeStruct((n_rows, n_cols), jnp.float32),
        mesh=mesh,
        compiler_params=pltpu.CompilerParams(needs_layout_passes=False),
        scratch_types=[
            pltpu.VMEM((n_cols,), jnp.float32),
            pltpu.VMEM((n_cols,), jnp.float32),
            pltpu.SemaphoreType.DMA((_NCH,)),
            pltpu.SemaphoreType.DMA((_NCH,)),
        ],
    )
    def sharpen_kernel(x_hbm, out_hbm, x_v, y_v, in_sem, out_sem):
        cid = lax.axis_index("c")
        sid = lax.axis_index("s")
        wid = sid * 2 + cid

        hin = [
            pltpu.async_copy(
                x_hbm.at[wid, pl.ds(k * ch, ch)],
                x_v.at[pl.ds(k * ch, ch)],
                in_sem.at[k])
            for k in range(_NCH)
        ]

        zeros = jnp.zeros((_L,), jnp.float32)
        last = jnp.full((_L, 1), _L - 1, jnp.int32)
        dnums = lax.GatherDimensionNumbers(
            offset_dims=(), collapsed_slice_dims=(0,), start_index_map=(0,))

        def bcast_last(vec):
            return lax.gather(
                vec, last, dnums, slice_sizes=(1,),
                mode=lax.GatherScatterMode.PROMISE_IN_BOUNDS)

        def bcast_sum(vec):
            return bcast_last(plsc.cumsum(vec))

        def bcast_max(vec):
            return bcast_last(plsc.cummax(vec))

        def pass1(i, carry):
            acc_s0, acc_sall, acc_nb = carry
            v = x_v[pl.ds(i * _L, _L)]
            p = v * v
            above = v > _THRESH
            acc_s0 = acc_s0 + jnp.where(above, 0.0, p)
            acc_sall = acc_sall + p
            acc_nb = acc_nb + jnp.where(above, 1.0, 0.0)
            return acc_s0, acc_sall, acc_nb

        acc = (zeros, zeros, zeros)
        for k in range(_NCH):
            hin[k].wait()
            acc = plsc.parallel_loop(
                k * ch_vec, (k + 1) * ch_vec, unroll=8, carry=acc)(
                    lambda i, carry: pass1(i, carry))
        acc_s0, acc_sall, acc_nb = acc
        s0_vec = bcast_sum(acc_s0)
        sall_vec = bcast_sum(acc_sall)
        nb_vec = bcast_sum(acc_nb)
        sa_vec = sall_vec - s0_vec

        use_fast = jnp.any(s0_vec > 1000.0)

        def approx_sum_inv():
            return (nb_vec - sa_vec / s0_vec) / s0_vec

        def exact_sum_inv():
            def pass2(i, acc):
                v = x_v[pl.ds(i * _L, _L)]
                p = v * v
                above = v > _THRESH
                return acc + jnp.where(above, 1.0 / (s0_vec + p), 0.0)

            return bcast_sum(lax.fori_loop(0, n_vec, pass2, zeros))

        sum_inv_vec = lax.cond(use_fast, approx_sum_inv, exact_sum_inv)

        c_vec = sum_inv_vec / jnp.maximum(nb_vec, 1.0)

        any_above_row = jnp.any(nb_vec > 0.0)

        @pl.when(any_above_row)
        def _():
            def pass3(i):
                v = x_v[pl.ds(i * _L, _L)]
                p = v * v
                above = v > _THRESH
                r = jnp.where(above, p / (s0_vec + p), p * c_vec)
                y_v[pl.ds(i * _L, _L)] = r

            hout = []
            for k in range(_NCH):
                plsc.parallel_loop(
                    k * ch_vec, (k + 1) * ch_vec, unroll=8)(pass3)
                hout.append(pltpu.async_copy(
                    y_v.at[pl.ds(k * ch, ch)],
                    out_hbm.at[wid, pl.ds(k * ch, ch)],
                    out_sem.at[k]))
            for h in hout:
                h.wait()

        @pl.when(jnp.logical_not(any_above_row))
        def _():
            pltpu.sync_copy(x_v, out_hbm.at[wid])

    return sharpen_kernel


@jax.jit
def _sharpen_multi(batch):
    n_rows, n_cols = batch.shape
    return _make_kernel(n_rows, n_cols)(batch)


def kernel(batch, dim):
    return _sharpen_multi(batch)

# --- scband reference (transcript-rebuilt; emitter-appended) ---
"""Pipeline reference for scband-sharpen-multi-74251394613787 (READ-ONLY COPY).

The authoritative reference and input builder live on the scoring server;
editing this copy changes nothing except your own understanding.
"""

import jax, jax.numpy as jnp
import numpy as np

TEMPERATURE = 0.5
THRESHOLD = 0.999


def setup_inputs(seed: int = 0) -> dict:
    key = jax.random.key(seed)
    batch = jax.random.uniform(key, (32, 32768), dtype=jnp.float32)
    return {"batch": batch, "dim": -1}


def _sharpen(x, temperature, axis):
    x = x ** (1.0 / temperature)
    return x / jnp.sum(x, axis=axis, keepdims=True)


def _sharpen_multi_row(dist, temperature, threshold):
    p = dist ** (1.0 / temperature)
    above = dist > threshold
    below = jnp.logical_not(above)
    nb = jnp.sum(above.astype(jnp.float32))
    p_below = jnp.where(below, p, 0.0)
    s0 = jnp.sum(p_below)
    row_sums = s0 + p
    inv_sums = jnp.where(above, 1.0 / row_sums, 0.0)
    nb_safe = jnp.maximum(nb, 1.0)
    mean_vals = p * (jnp.sum(inv_sums) / nb_safe)
    max_below = jnp.max(p_below)
    max_vals = jnp.maximum(max_below, p) / row_sums
    result = jnp.where(above, max_vals, mean_vals)
    return jnp.where(nb > 0.0, result, dist)


def reference(batch, dim):
    # SharpenMulti.forward ignores dim (sharpen_multi dispatches on ndim)
    rows = [_sharpen_multi_row(batch[i], TEMPERATURE, THRESHOLD) for i in range(batch.shape[0])]
    out = jnp.stack(rows, axis=0)
    return out + (dim * 0)

if __name__ == "__main__":
    import jax
    _d = setup_inputs()
    print(jax.jit(kernel)(*tuple(_d.values())))

</pallas_src>

<mosaic_0001>
#map = affine_map<(d0, d1) -> (0, 0)>
module attributes {stable_mosaic.version = 14 : i64} {
  func.func @sharpen_kernel(%arg0: i32, %arg1: i32, %arg2: memref<32x32768xf32, #tpu.memory_space<hbm>>, %arg3: memref<32x32768xf32, #tpu.memory_space<hbm>>, %arg4: memref<32768xf32, #tpu.memory_space<vmem>>, %arg5: memref<32768xf32, #tpu.memory_space<vmem>>, %arg6: memref<8x!tpu.dma_semaphore, #tpu.memory_space<semaphore_mem>>, %arg7: memref<8x!tpu.dma_semaphore, #tpu.memory_space<semaphore_mem>>) attributes {dimension_semantics = [#tpu.dimension_semantics<core_parallel>, #tpu.dimension_semantics<subcore_parallel>], iteration_bounds = array<i64: 2, 16>, scalar_prefetch = 0 : i64, scratch_operands = 4 : i64, tpu.core_type = #tpu.core_type<sc_vector_subcore>, window_params = [{transform_indices = #map}, {transform_indices = #map}]} {
    %mul3A = arith.constant 2 : i32
    %mul3A_0 = arith.muli %arg1, %mul3A : i32
    %add3A = arith.addi %mul3A_0, %arg0 : i32
    %dma_start3A = arith.constant 0 : i32
    %dma_start3A_1 = arith.constant 0 : i32
    %dma_start3A_2 = tpu.memref_slice %arg4[%dma_start3A_1] : memref<32768xf32, #tpu.memory_space<vmem>> -> memref<4096xf32, #tpu.memory_space<vmem>>
    %dma_start3A_3 = arith.constant 0 : i32
    %dma_start3A_4 = tpu.memref_slice %arg2[%add3A, %dma_start3A_3] : memref<32x32768xf32, #tpu.memory_space<hbm>> -> memref<1x4096xf32, #tpu.memory_space<hbm>>
    %dma_start3A_5 = tpu.memref_squeeze %dma_start3A_4 : memref<1x4096xf32, #tpu.memory_space<hbm>> -> memref<4096xf32, #tpu.memory_space<hbm>>
    %dma_start3A_6 = tpu.memref_slice %arg6[%dma_start3A] : memref<8x!tpu.dma_semaphore, #tpu.memory_space<semaphore_mem>> -> memref<1x!tpu.dma_semaphore, #tpu.memory_space<semaphore_mem>>
    %dma_start3A_7 = tpu.memref_squeeze %dma_start3A_6 : memref<1x!tpu.dma_semaphore, #tpu.memory_space<semaphore_mem>> -> memref<!tpu.dma_semaphore, #tpu.memory_space<semaphore_mem>>
    %dma_start3A_8 = arith.constant 0 : i32
    %dma_start3A_9 = tpu.memref_slice %arg4[%dma_start3A_8] : memref<32768xf32, #tpu.memory_space<vmem>> -> memref<4096xf32, #tpu.memory_space<vmem>>
    %dma_start3A_10 = arith.constant 0 : i32
    %dma_start3A_11 = tpu.memref_slice %arg2[%add3A, %dma_start3A_10] : memref<32x32768xf32, #tpu.memory_space<hbm>> -> memref<1x4096xf32, #tpu.memory_space<hbm>>
    %dma_start3A_12 = tpu.memref_squeeze %dma_start3A_11 : memref<1x4096xf32, #tpu.memory_space<hbm>> -> memref<4096xf32, #tpu.memory_space<hbm>>
    tpu.enqueue_dma source(%dma_start3A_12 : memref<4096xf32, #tpu.memory_space<hbm>>) target(%dma_start3A_9 : memref<4096xf32, #tpu.memory_space<vmem>>) target_semaphore(%dma_start3A_7 : memref<!tpu.dma_semaphore, #tpu.memory_space<semaphore_mem>>)
    %dma_start3A_13 = arith.constant 1 : i32
    %dma_start3A_14 = arith.constant 4096 : i32
    %dma_start3A_15 = tpu.memref_slice %arg4[%dma_start3A_14] : memref<32768xf32, #tpu.memory_space<vmem>> -> memref<4096xf32, #tpu.memory_space<vmem>>
    %dma_start3A_16 = arith.constant 4096 : i32
    %dma_start3A_17 = tpu.memref_slice %arg2[%add3A, %dma_start3A_16] : memref<32x32768xf32, #tpu.memory_space<hbm>> -> memref<1x4096xf32, #tpu.memory_space<hbm>>
    %dma_start3A_18 = tpu.memref_squeeze %dma_start3A_17 : memref<1x4096xf32, #tpu.memory_space<hbm>> -> memref<4096xf32, #tpu.memory_space<hbm>>
    %dma_start3A_19 = tpu.memref_slice %arg6[%dma_start3A_13] : memref<8x!tpu.dma_semaphore, #tpu.memory_space<semaphore_mem>> -> memref<1x!tpu.dma_semaphore, #tpu.memory_space<semaphore_mem>>
    %dma_start3A_20 = tpu.memref_squeeze %dma_start3A_19 : memref<1x!tpu.dma_semaphore, #tpu.memory_space<semaphore_mem>> -> memref<!tpu.dma_semaphore, #tpu.memory_space<semaphore_mem>>
    %dma_start3A_21 = arith.constant 4096 : i32
    %dma_start3A_22 = tpu.memref_slice %arg4[%dma_start3A_21] : memref<32768xf32, #tpu.memory_space<vmem>> -> memref<4096xf32, #tpu.memory_space<vmem>>
    %dma_start3A_23 = arith.constant 4096 : i32
    %dma_start3A_24 = tpu.memref_slice %arg2[%add3A, %dma_start3A_23] : memref<32x32768xf32, #tpu.memory_space<hbm>> -> memref<1x4096xf32, #tpu.memory_space<hbm>>
    %dma_start3A_25 = tpu.memref_squeeze %dma_start3A_24 : memref<1x4096xf32, #tpu.memory_space<hbm>> -> memref<4096xf32, #tpu.memory_space<hbm>>
    tpu.enqueue_dma source(%dma_start3A_25 : memref<4096xf32, #tpu.memory_space<hbm>>) target(%dma_start3A_22 : memref<4096xf32, #tpu.memory_space<vmem>>) target_semaphore(%dma_start3A_20 : memref<!tpu.dma_semaphore, #tpu.memory_space<semaphore_mem>>)
    %dma_start3A_26 = arith.constant 2 : i32
    %dma_start3A_27 = arith.constant 8192 : i32
    %dma_start3A_28 = tpu.memref_slice %arg4[%dma_start3A_27] : memref<32768xf32, #tpu.memory_space<vmem>> -> memref<4096xf32, #tpu.memory_space<vmem>>
    %dma_start3A_29 = arith.constant 8192 : i32
    %dma_start3A_30 = tpu.memref_slice %arg2[%add3A, %dma_start3A_29] : memref<32x32768xf32, #tpu.memory_space<hbm>> -> memref<1x4096xf32, #tpu.memory_space<hbm>>
    %dma_start3A_31 = tpu.memref_squeeze %dma_start3A_30 : memref<1x4096xf32, #tpu.memory_space<hbm>> -> memref<4096xf32, #tpu.memory_space<hbm>>
    %dma_start3A_32 = tpu.memref_slice %arg6[%dma_start3A_26] : memref<8x!tpu.dma_semaphore, #tpu.memory_space<semaphore_mem>> -> memref<1x!tpu.dma_semaphore, #tpu.memory_space<semaphore_mem>>
    %dma_start3A_33 = tpu.memref_squeeze %dma_start3A_32 : memref<1x!tpu.dma_semaphore, #tpu.memory_space<semaphore_mem>> -> memref<!tpu.dma_semaphore, #tpu.memory_space<semaphore_mem>>
    %dma_start3A_34 = arith.constant 8192 : i32
    %dma_start3A_35 = tpu.memref_slice %arg4[%dma_start3A_34] : memref<32768xf32, #tpu.memory_space<vmem>> -> memref<4096xf32, #tpu.memory_space<vmem>>
    %dma_start3A_36 = arith.constant 8192 : i32
    %dma_start3A_37 = tpu.memref_slice %arg2[%add3A, %dma_start3A_36] : memref<32x32768xf32, #tpu.memory_space<hbm>> -> memref<1x4096xf32, #tpu.memory_space<hbm>>
    %dma_start3A_38 = tpu.memref_squeeze %dma_start3A_37 : memref<1x4096xf32, #tpu.memory_space<hbm>> -> memref<4096xf32, #tpu.memory_space<hbm>>
    tpu.enqueue_dma source(%dma_start3A_38 : memref<4096xf32, #tpu.memory_space<hbm>>) target(%dma_start3A_35 : memref<4096xf32, #tpu.memory_space<vmem>>) target_semaphore(%dma_start3A_33 : memref<!tpu.dma_semaphore, #tpu.memory_space<semaphore_mem>>)
    %dma_start3A_39 = arith.constant 3 : i32
    %dma_start3A_40 = arith.constant 12288 : i32
    %dma_start3A_41 = tpu.memref_slice %arg4[%dma_start3A_40] : memref<32768xf32, #tpu.memory_space<vmem>> -> memref<4096xf32, #tpu.memory_space<vmem>>
    %dma_start3A_42 = arith.constant 12288 : i32
    %dma_start3A_43 = tpu.memref_slice %arg2[%add3A, %dma_start3A_42] : memref<32x32768xf32, #tpu.memory_space<hbm>> -> memref<1x4096xf32, #tpu.memory_space<hbm>>
    %dma_start3A_44 = tpu.memref_squeeze %dma_start3A_43 : memref<1x4096xf32, #tpu.memory_space<hbm>> -> memref<4096xf32, #tpu.memory_space<hbm>>
    %dma_start3A_45 = tpu.memref_slice %arg6[%dma_start3A_39] : memref<8x!tpu.dma_semaphore, #tpu.memory_space<semaphore_mem>> -> memref<1x!tpu.dma_semaphore, #tpu.memory_space<semaphore_mem>>
    %dma_start3A_46 = tpu.memref_squeeze %dma_start3A_45 : memref<1x!tpu.dma_semaphore, #tpu.memory_space<semaphore_mem>> -> memref<!tpu.dma_semaphore, #tpu.memory_space<semaphore_mem>>
    %dma_start3A_47 = arith.constant 12288 : i32
    %dma_start3A_48 = tpu.memref_slice %arg4[%dma_start3A_47] : memref<32768xf32, #tpu.memory_space<vmem>> -> memref<4096xf32, #tpu.memory_space<vmem>>
    %dma_start3A_49 = arith.constant 12288 : i32
    %dma_start3A_50 = tpu.memref_slice %arg2[%add3A, %dma_start3A_49] : memref<32x32768xf32, #tpu.memory_space<hbm>> -> memref<1x4096xf32, #tpu.memory_space<hbm>>
    %dma_start3A_51 = tpu.memref_squeeze %dma_start3A_50 : memref<1x4096xf32, #tpu.memory_space<hbm>> -> memref<4096xf32, #tpu.memory_space<hbm>>
    tpu.enqueue_dma source(%dma_start3A_51 : memref<4096xf32, #tpu.memory_space<hbm>>) target(%dma_start3A_48 : memref<4096xf32, #tpu.memory_space<vmem>>) target_semaphore(%dma_start3A_46 : memref<!tpu.dma_semaphore, #tpu.memory_space<semaphore_mem>>)
    %dma_start3A_52 = arith.constant 4 : i32
    %dma_start3A_53 = arith.constant 16384 : i32
    %dma_start3A_54 = tpu.memref_slice %arg4[%dma_start3A_53] : memref<32768xf32, #tpu.memory_space<vmem>> -> memref<4096xf32, #tpu.memory_space<vmem>>
    %dma_start3A_55 = arith.constant 16384 : i32
    %dma_start3A_56 = tpu.memref_slice %arg2[%add3A, %dma_start3A_55] : memref<32x32768xf32, #tpu.memory_space<hbm>> -> memref<1x4096xf32, #tpu.memory_space<hbm>>
    %dma_start3A_57 = tpu.memref_squeeze %dma_start3A_56 : memref<1x4096xf32, #tpu.memory_space<hbm>> -> memref<4096xf32, #tpu.memory_space<hbm>>
    %dma_start3A_58 = tpu.memref_slice %arg6[%dma_start3A_52] : memref<8x!tpu.dma_semaphore, #tpu.memory_space<semaphore_mem>> -> memref<1x!tpu.dma_semaphore, #tpu.memory_space<semaphore_mem>>
    %dma_start3A_59 = tpu.memref_squeeze %dma_start3A_58 : memref<1x!tpu.dma_semaphore, #tpu.memory_space<semaphore_mem>> -> memref<!tpu.dma_semaphore, #tpu.memory_space<semaphore_mem>>
    %dma_start3A_60 = arith.constant 16384 : i32
    %dma_start3A_61 = tpu.memref_slice %arg4[%dma_start3A_60] : memref<32768xf32, #tpu.memory_space<vmem>> -> memref<4096xf32, #tpu.memory_space<vmem>>
    %dma_start3A_62 = arith.constant 16384 : i32
    %dma_start3A_63 = tpu.memref_slice %arg2[%add3A, %dma_start3A_62] : memref<32x32768xf32, #tpu.memory_space<hbm>> -> memref<1x4096xf32, #tpu.memory_space<hbm>>
    %dma_start3A_64 = tpu.memref_squeeze %dma_start3A_63 : memref<1x4096xf32, #tpu.memory_space<hbm>> -> memref<4096xf32, #tpu.memory_space<hbm>>
    tpu.enqueue_dma source(%dma_start3A_64 : memref<4096xf32, #tpu.memory_space<hbm>>) target(%dma_start3A_61 : memref<4096xf32, #tpu.memory_space<vmem>>) target_semaphore(%dma_start3A_59 : memref<!tpu.dma_semaphore, #tpu.memory_space<semaphore_mem>>)
    %dma_start3A_65 = arith.constant 5 : i32
    %dma_start3A_66 = arith.constant 20480 : i32
    %dma_start3A_67 = tpu.memref_slice %arg4[%dma_start3A_66] : memref<32768xf32, #tpu.memory_space<vmem>> -> memref<4096xf32, #tpu.memory_space<vmem>>
    %dma_start3A_68 = arith.constant 20480 : i32
    %dma_start3A_69 = tpu.memref_slice %arg2[%add3A, %dma_start3A_68] : memref<32x32768xf32, #tpu.memory_space<hbm>> -> memref<1x4096xf32, #tpu.memory_space<hbm>>
    %dma_start3A_70 = tpu.memref_squeeze %dma_start3A_69 : memref<1x4096xf32, #tpu.memory_space<hbm>> -> memref<4096xf32, #tpu.memory_space<hbm>>
    %dma_start3A_71 = tpu.memref_slice %arg6[%dma_start3A_65] : memref<8x!tpu.dma_semaphore, #tpu.memory_space<semaphore_mem>> -> memref<1x!tpu.dma_semaphore, #tpu.memory_space<semaphore_mem>>
    %dma_start3A_72 = tpu.memref_squeeze %dma_start3A_71 : memref<1x!tpu.dma_semaphore, #tpu.memory_space<semaphore_mem>> -> memref<!tpu.dma_semaphore, #tpu.memory_space<semaphore_mem>>
    %dma_start3A_73 = arith.constant 20480 : i32
    %dma_start3A_74 = tpu.memref_slice %arg4[%dma_start3A_73] : memref<32768xf32, #tpu.memory_space<vmem>> -> memref<4096xf32, #tpu.memory_space<vmem>>
    %dma_start3A_75 = arith.constant 20480 : i32
    %dma_start3A_76 = tpu.memref_slice %arg2[%add3A, %dma_start3A_75] : memref<32x32768xf32, #tpu.memory_space<hbm>> -> memref<1x4096xf32, #tpu.memory_space<hbm>>
    %dma_start3A_77 = tpu.memref_squeeze %dma_start3A_76 : memref<1x4096xf32, #tpu.memory_space<hbm>> -> memref<4096xf32, #tpu.memory_space<hbm>>
    tpu.enqueue_dma source(%dma_start3A_77 : memref<4096xf32, #tpu.memory_space<hbm>>) target(%dma_start3A_74 : memref<4096xf32, #tpu.memory_space<vmem>>) target_semaphore(%dma_start3A_72 : memref<!tpu.dma_semaphore, #tpu.memory_space<semaphore_mem>>)
    %dma_start3A_78 = arith.constant 6 : i32
    %dma_start3A_79 = arith.constant 24576 : i32
    %dma_start3A_80 = tpu.memref_slice %arg4[%dma_start3A_79] : memref<32768xf32, #tpu.memory_space<vmem>> -> memref<4096xf32, #tpu.memory_space<vmem>>
    %dma_start3A_81 = arith.constant 24576 : i32
    %dma_start3A_82 = tpu.memref_slice %arg2[%add3A, %dma_start3A_81] : memref<32x32768xf32, #tpu.memory_space<hbm>> -> memref<1x4096xf32, #tpu.memory_space<hbm>>
    %dma_start3A_83 = tpu.memref_squeeze %dma_start3A_82 : memref<1x4096xf32, #tpu.memory_space<hbm>> -> memref<4096xf32, #tpu.memory_space<hbm>>
    %dma_start3A_84 = tpu.memref_slice %arg6[%dma_start3A_78] : memref<8x!tpu.dma_semaphore, #tpu.memory_space<semaphore_mem>> -> memref<1x!tpu.dma_semaphore, #tpu.memory_space<semaphore_mem>>
    %dma_start3A_85 = tpu.memref_squeeze %dma_start3A_84 : memref<1x!tpu.dma_semaphore, #tpu.memory_space<semaphore_mem>> -> memref<!tpu.dma_semaphore, #tpu.memory_space<semaphore_mem>>
    %dma_start3A_86 = arith.constant 24576 : i32
    %dma_start3A_87 = tpu.memref_slice %arg4[%dma_start3A_86] : memref<32768xf32, #tpu.memory_space<vmem>> -> memref<4096xf32, #tpu.memory_space<vmem>>
    %dma_start3A_88 = arith.constant 24576 : i32
    %dma_start3A_89 = tpu.memref_slice %arg2[%add3A, %dma_start3A_88] : memref<32x32768xf32, #tpu.memory_space<hbm>> -> memref<1x4096xf32, #tpu.memory_space<hbm>>
    %dma_start3A_90 = tpu.memref_squeeze %dma_start3A_89 : memref<1x4096xf32, #tpu.memory_space<hbm>> -> memref<4096xf32, #tpu.memory_space<hbm>>
    tpu.enqueue_dma source(%dma_start3A_90 : memref<4096xf32, #tpu.memory_space<hbm>>) target(%dma_start3A_87 : memref<4096xf32, #tpu.memory_space<vmem>>) target_semaphore(%dma_start3A_85 : memref<!tpu.dma_semaphore, #tpu.memory_space<semaphore_mem>>)
    %dma_start3A_91 = arith.constant 7 : i32
    %dma_start3A_92 = arith.constant 28672 : i32
    %dma_start3A_93 = tpu.memref_slice %arg4[%dma_start3A_92] : memref<32768xf32, #tpu.memory_space<vmem>> -> memref<4096xf32, #tpu.memory_space<vmem>>
    %dma_start3A_94 = arith.constant 28672 : i32
    %dma_start3A_95 = tpu.memref_slice %arg2[%add3A, %dma_start3A_94] : memref<32x32768xf32, #tpu.memory_space<hbm>> -> memref<1x4096xf32, #tpu.memory_space<hbm>>
    %dma_start3A_96 = tpu.memref_squeeze %dma_start3A_95 : memref<1x4096xf32, #tpu.memory_space<hbm>> -> memref<4096xf32, #tpu.memory_space<hbm>>
    %dma_start3A_97 = tpu.memref_slice %arg6[%dma_start3A_91] : memref<8x!tpu.dma_semaphore, #tpu.memory_space<semaphore_mem>> -> memref<1x!tpu.dma_semaphore, #tpu.memory_space<semaphore_mem>>
    %dma_start3A_98 = tpu.memref_squeeze %dma_start3A_97 : memref<1x!tpu.dma_semaphore, #tpu.memory_space<semaphore_mem>> -> memref<!tpu.dma_semaphore, #tpu.memory_space<semaphore_mem>>
    %dma_start3A_99 = arith.constant 28672 : i32
    %dma_start3A_100 = tpu.memref_slice %arg4[%dma_start3A_99] : memref<32768xf32, #tpu.memory_space<vmem>> -> memref<4096xf32, #tpu.memory_space<vmem>>
    %dma_start3A_101 = arith.constant 28672 : i32
    %dma_start3A_102 = tpu.memref_slice %arg2[%add3A, %dma_start3A_101] : memref<32x32768xf32, #tpu.memory_space<hbm>> -> memref<1x4096xf32, #tpu.memory_space<hbm>>
    %dma_start3A_103 = tpu.memref_squeeze %dma_start3A_102 : memref<1x4096xf32, #tpu.memory_space<hbm>> -> memref<4096xf32, #tpu.memory_space<hbm>>
    tpu.enqueue_dma source(%dma_start3A_103 : memref<4096xf32, #tpu.memory_space<hbm>>) target(%dma_start3A_100 : memref<4096xf32, #tpu.memory_space<vmem>>) target_semaphore(%dma_start3A_98 : memref<!tpu.dma_semaphore, #tpu.memory_space<semaphore_mem>>)
    %broadcast_in_dim3A = arith.constant 0.000000e+00 : f32
    %broadcast_in_dim3A_104 = vector.broadcast %broadcast_in_dim3A : f32 to vector<16xf32>
    %broadcast_in_dim3A_105 = arith.constant 15 : i32
    %broadcast_in_dim3A_106 = vector.broadcast %broadcast_in_dim3A_105 : i32 to vector<16x1xi32>
    %dma_wait3A = arith.constant 0 : i32
    %dma_wait3A_107 = arith.constant 0 : i32
    %dma_wait3A_108 = tpu.memref_slice %arg4[%dma_wait3A_107] : memref<32768xf32, #tpu.memory_space<vmem>> -> memref<4096xf32, #tpu.memory_space<vmem>>
    %dma_wait3A_109 = arith.constant 0 : i32
    %dma_wait3A_110 = tpu.memref_slice %arg2[%add3A, %dma_wait3A_109] : memref<32x32768xf32, #tpu.memory_space<hbm>> -> memref<1x4096xf32, #tpu.memory_space<hbm>>
    %dma_wait3A_111 = tpu.memref_squeeze %dma_wait3A_110 : memref<1x4096xf32, #tpu.memory_space<hbm>> -> memref<4096xf32, #tpu.memory_space<hbm>>
    %dma_wait3A_112 = tpu.memref_slice %arg6[%dma_wait3A] : memref<8x!tpu.dma_semaphore, #tpu.memory_space<semaphore_mem>> -> memref<1x!tpu.dma_semaphore, #tpu.memory_space<semaphore_mem>>
    %dma_wait3A_113 = tpu.memref_squeeze %dma_wait3A_112 : memref<1x!tpu.dma_semaphore, #tpu.memory_space<semaphore_mem>> -> memref<!tpu.dma_semaphore, #tpu.memory_space<semaphore_mem>>
    %dma_wait3A_114 = arith.constant 0 : i32
    %dma_wait3A_115 = tpu.memref_slice %arg4[%dma_wait3A_114] : memref<32768xf32, #tpu.memory_space<vmem>> -> memref<4096xf32, #tpu.memory_space<vmem>>
    %dma_wait3A_116 = arith.constant 0 : i32
    %dma_wait3A_117 = tpu.memref_slice %arg2[%add3A, %dma_wait3A_116] : memref<32x32768xf32, #tpu.memory_space<hbm>> -> memref<1x4096xf32, #tpu.memory_space<hbm>>
    %dma_wait3A_118 = tpu.memref_squeeze %dma_wait3A_117 : memref<1x4096xf32, #tpu.memory_space<hbm>> -> memref<4096xf32, #tpu.memory_space<hbm>>
    tpu.wait_dma2 semaphore(%dma_wait3A_113 : memref<!tpu.dma_semaphore, #tpu.memory_space<semaphore_mem>>) src(%dma_wait3A_118 : memref<4096xf32, #tpu.memory_space<hbm>>) dst(%dma_wait3A_115 : memref<4096xf32, #tpu.memory_space<vmem>>)
    %parallel_loop3A = arith.constant 0 : i32
    %parallel_loop3A_119 = arith.constant 256 : i32
    %parallel_loop3A_120 = arith.constant 1 : i32
    %parallel_loop3A_121:3 = scf.for %parallel_loop3A_291 = %parallel_loop3A to %parallel_loop3A_119 step %parallel_loop3A_120 iter_args(%parallel_loop3A_292 = %broadcast_in_dim3A_104, %parallel_loop3A_293 = %broadcast_in_dim3A_104, %parallel_loop3A_294 = %broadcast_in_dim3A_104) -> (vector<16xf32>, vector<16xf32>, vector<16xf32>)  : i32 {
      %parallel_loop3A_295 = arith.constant 16 : i32
      %parallel_loop3A_296 = arith.muli %parallel_loop3A_291, %parallel_loop3A_295 : i32
      %parallel_loop3A_297 = arith.index_cast %parallel_loop3A_296 : i32 to index
      %parallel_loop3A_298 = tpu.vector_load %arg4[%parallel_loop3A_297] {strides = array<i32>} : memref<32768xf32, #tpu.memory_space<vmem>>, vector<16xf32>,
      %parallel_loop3A_299 = arith.mulf %parallel_loop3A_298, %parallel_loop3A_298 : vector<16xf32>
      %parallel_loop3A_300 = arith.constant 9.990000e-01 : f32
      %parallel_loop3A_301 = vector.broadcast %parallel_loop3A_300 : f32 to vector<16xf32>
      %parallel_loop3A_302 = arith.cmpf ogt, %parallel_loop3A_298, %parallel_loop3A_301 : vector<16xf32>
      %parallel_loop3A_303 = arith.constant 0.000000e+00 : f32
      %parallel_loop3A_304 = vector.broadcast %parallel_loop3A_303 : f32 to vector<16xf32>
      %parallel_loop3A_305 = arith.select %parallel_loop3A_302, %parallel_loop3A_304, %parallel_loop3A_299 : vector<16xi1>, vector<16xf32>
      %parallel_loop3A_306 = arith.addf %parallel_loop3A_292, %parallel_loop3A_305 : vector<16xf32>
      %parallel_loop3A_307 = arith.addf %parallel_loop3A_293, %parallel_loop3A_299 : vector<16xf32>
      %parallel_loop3A_308 = arith.constant 1.000000e+00 : f32
      %parallel_loop3A_309 = arith.constant 0.000000e+00 : f32
      %parallel_loop3A_310 = vector.broadcast %parallel_loop3A_308 : f32 to vector<16xf32>
      %parallel_loop3A_311 = vector.broadcast %parallel_loop3A_309 : f32 to vector<16xf32>
      %parallel_loop3A_312 = arith.select %parallel_loop3A_302, %parallel_loop3A_310, %parallel_loop3A_311 : vector<16xi1>, vector<16xf32>
      %parallel_loop3A_313 = arith.addf %parallel_loop3A_294, %parallel_loop3A_312 : vector<16xf32>
      scf.yield %parallel_loop3A_306, %parallel_loop3A_307, %parallel_loop3A_313 : vector<16xf32>, vector<16xf32>, vector<16xf32>
    } {sc.loop_unroll_factor = 8 : i64, sc.parallel_access}
    %dma_wait3A_122 = arith.constant 1 : i32
    %dma_wait3A_123 = arith.constant 4096 : i32
    %dma_wait3A_124 = tpu.memref_slice %arg4[%dma_wait3A_123] : memref<32768xf32, #tpu.memory_space<vmem>> -> memref<4096xf32, #tpu.memory_space<vmem>>
    %dma_wait3A_125 = arith.constant 4096 : i32
    %dma_wait3A_126 = tpu.memref_slice %arg2[%add3A, %dma_wait3A_125] : memref<32x32768xf32, #tpu.memory_space<hbm>> -> memref<1x4096xf32, #tpu.memory_space<hbm>>
    %dma_wait3A_127 = tpu.memref_squeeze %dma_wait3A_126 : memref<1x4096xf32, #tpu.memory_space<hbm>> -> memref<4096xf32, #tpu.memory_space<hbm>>
    %dma_wait3A_128 = tpu.memref_slice %arg6[%dma_wait3A_122] : memref<8x!tpu.dma_semaphore, #tpu.memory_space<semaphore_mem>> -> memref<1x!tpu.dma_semaphore, #tpu.memory_space<semaphore_mem>>
    %dma_wait3A_129 = tpu.memref_squeeze %dma_wait3A_128 : memref<1x!tpu.dma_semaphore, #tpu.memory_space<semaphore_mem>> -> memref<!tpu.dma_semaphore, #tpu.memory_space<semaphore_mem>>
    %dma_wait3A_130 = arith.constant 4096 : i32
    %dma_wait3A_131 = tpu.memref_slice %arg4[%dma_wait3A_130] : memref<32768xf32, #tpu.memory_space<vmem>> -> memref<4096xf32, #tpu.memory_space<vmem>>
    %dma_wait3A_132 = arith.constant 4096 : i32
    %dma_wait3A_133 = tpu.memref_slice %arg2[%add3A, %dma_wait3A_132] : memref<32x32768xf32, #tpu.memory_space<hbm>> -> memref<1x4096xf32, #tpu.memory_space<hbm>>
    %dma_wait3A_134 = tpu.memref_squeeze %dma_wait3A_133 : memref<1x4096xf32, #tpu.memory_space<hbm>> -> memref<4096xf32, #tpu.memory_space<hbm>>
    tpu.wait_dma2 semaphore(%dma_wait3A_129 : memref<!tpu.dma_semaphore, #tpu.memory_space<semaphore_mem>>) src(%dma_wait3A_134 : memref<4096xf32, #tpu.memory_space<hbm>>) dst(%dma_wait3A_131 : memref<4096xf32, #tpu.memory_space<vmem>>)
    %parallel_loop3A_135 = arith.constant 256 : i32
    %parallel_loop3A_136 = arith.constant 512 : i32
    %parallel_loop3A_137 = arith.constant 1 : i32
    %parallel_loop3A_138:3 = scf.for %parallel_loop3A_291 = %parallel_loop3A_135 to %parallel_loop3A_136 step %parallel_loop3A_137 iter_args(%parallel_loop3A_292 = %parallel_loop3A_121#0, %parallel_loop3A_293 = %parallel_loop3A_121#1, %parallel_loop3A_294 = %parallel_loop3A_121#2) -> (vector<16xf32>, vector<16xf32>, vector<16xf32>)  : i32 {
      %parallel_loop3A_295 = arith.constant 16 : i32
      %parallel_loop3A_296 = arith.muli %parallel_loop3A_291, %parallel_loop3A_295 : i32
      %parallel_loop3A_297 = arith.index_cast %parallel_loop3A_296 : i32 to index
      %parallel_loop3A_298 = tpu.vector_load %arg4[%parallel_loop3A_297] {strides = array<i32>} : memref<32768xf32, #tpu.memory_space<vmem>>, vector<16xf32>,
      %parallel_loop3A_299 = arith.mulf %parallel_loop3A_298, %parallel_loop3A_298 : vector<16xf32>
      %parallel_loop3A_300 = arith.constant 9.990000e-01 : f32
      %parallel_loop3A_301 = vector.broadcast %parallel_loop3A_300 : f32 to vector<16xf32>
      %parallel_loop3A_302 = arith.cmpf ogt, %parallel_loop3A_298, %parallel_loop3A_301 : vector<16xf32>
      %parallel_loop3A_303 = arith.constant 0.000000e+00 : f32
      %parallel_loop3A_304 = vector.broadcast %parallel_loop3A_303 : f32 to vector<16xf32>
      %parallel_loop3A_305 = arith.select %parallel_loop3A_302, %parallel_loop3A_304, %parallel_loop3A_299 : vector<16xi1>, vector<16xf32>
      %parallel_loop3A_306 = arith.addf %parallel_loop3A_292, %parallel_loop3A_305 : vector<16xf32>
      %parallel_loop3A_307 = arith.addf %parallel_loop3A_293, %parallel_loop3A_299 : vector<16xf32>
      %parallel_loop3A_308 = arith.constant 1.000000e+00 : f32
      %parallel_loop3A_309 = arith.constant 0.000000e+00 : f32
      %parallel_loop3A_310 = vector.broadcast %parallel_loop3A_308 : f32 to vector<16xf32>
      %parallel_loop3A_311 = vector.broadcast %parallel_loop3A_309 : f32 to vector<16xf32>
      %parallel_loop3A_312 = arith.select %parallel_loop3A_302, %parallel_loop3A_310, %parallel_loop3A_311 : vector<16xi1>, vector<16xf32>
      %parallel_loop3A_313 = arith.addf %parallel_loop3A_294, %parallel_loop3A_312 : vector<16xf32>
      scf.yield %parallel_loop3A_306, %parallel_loop3A_307, %parallel_loop3A_313 : vector<16xf32>, vector<16xf32>, vector<16xf32>
    } {sc.loop_unroll_factor = 8 : i64, sc.parallel_access}
    %dma_wait3A_139 = arith.constant 2 : i32
    %dma_wait3A_140 = arith.constant 8192 : i32
    %dma_wait3A_141 = tpu.memref_slice %arg4[%dma_wait3A_140] : memref<32768xf32, #tpu.memory_space<vmem>> -> memref<4096xf32, #tpu.memory_space<vmem>>
    %dma_wait3A_142 = arith.constant 8192 : i32
    %dma_wait3A_143 = tpu.memref_slice %arg2[%add3A, %dma_wait3A_142] : memref<32x32768xf32, #tpu.memory_space<hbm>> -> memref<1x4096xf32, #tpu.memory_space<hbm>>
    %dma_wait3A_144 = tpu.memref_squeeze %dma_wait3A_143 : memref<1x4096xf32, #tpu.memory_space<hbm>> -> memref<4096xf32, #tpu.memory_space<hbm>>
    %dma_wait3A_145 = tpu.memref_slice %arg6[%dma_wait3A_139] : memref<8x!tpu.dma_semaphore, #tpu.memory_space<semaphore_mem>> -> memref<1x!tpu.dma_semaphore, #tpu.memory_space<semaphore_mem>>
    %dma_wait3A_146 = tpu.memref_squeeze %dma_wait3A_145 : memref<1x!tpu.dma_semaphore, #tpu.memory_space<semaphore_mem>> -> memref<!tpu.dma_semaphore, #tpu.memory_space<semaphore_mem>>
    %dma_wait3A_147 = arith.constant 8192 : i32
    %dma_wait3A_148 = tpu.memref_slice %arg4[%dma_wait3A_147] : memref<32768xf32, #tpu.memory_space<vmem>> -> memref<4096xf32, #tpu.memory_space<vmem>>
    %dma_wait3A_149 = arith.constant 8192 : i32
    %dma_wait3A_150 = tpu.memref_slice %arg2[%add3A, %dma_wait3A_149] : memref<32x32768xf32, #tpu.memory_space<hbm>> -> memref<1x4096xf32, #tpu.memory_space<hbm>>
    %dma_wait3A_151 = tpu.memref_squeeze %dma_wait3A_150 : memref<1x4096xf32, #tpu.memory_space<hbm>> -> memref<4096xf32, #tpu.memory_space<hbm>>
    tpu.wait_dma2 semaphore(%dma_wait3A_146 : memref<!tpu.dma_semaphore, #tpu.memory_space<semaphore_mem>>) src(%dma_wait3A_151 : memref<4096xf32, #tpu.memory_space<hbm>>) dst(%dma_wait3A_148 : memref<4096xf32, #tpu.memory_space<vmem>>)
    %parallel_loop3A_152 = arith.constant 512 : i32
    %parallel_loop3A_153 = arith.constant 768 : i32
    %parallel_loop3A_154 = arith.constant 1 : i32
    %parallel_loop3A_155:3 = scf.for %parallel_loop3A_291 = %parallel_loop3A_152 to %parallel_loop3A_153 step %parallel_loop3A_154 iter_args(%parallel_loop3A_292 = %parallel_loop3A_138#0, %parallel_loop3A_293 = %parallel_loop3A_138#1, %parallel_loop3A_294 = %parallel_loop3A_138#2) -> (vector<16xf32>, vector<16xf32>, vector<16xf32>)  : i32 {
      %parallel_loop3A_295 = arith.constant 16 : i32
      %parallel_loop3A_296 = arith.muli %parallel_loop3A_291, %parallel_loop3A_295 : i32
      %parallel_loop3A_297 = arith.index_cast %parallel_loop3A_296 : i32 to index
      %parallel_loop3A_298 = tpu.vector_load %arg4[%parallel_loop3A_297] {strides = array<i32>} : memref<32768xf32, #tpu.memory_space<vmem>>, vector<16xf32>,
      %parallel_loop3A_299 = arith.mulf %parallel_loop3A_298, %parallel_loop3A_298 : vector<16xf32>
      %parallel_loop3A_300 = arith.constant 9.990000e-01 : f32
      %parallel_loop3A_301 = vector.broadcast %parallel_loop3A_300 : f32 to vector<16xf32>
      %parallel_loop3A_302 = arith.cmpf ogt, %parallel_loop3A_298, %parallel_loop3A_301 : vector<16xf32>
      %parallel_loop3A_303 = arith.constant 0.000000e+00 : f32
      %parallel_loop3A_304 = vector.broadcast %parallel_loop3A_303 : f32 to vector<16xf32>
      %parallel_loop3A_305 = arith.select %parallel_loop3A_302, %parallel_loop3A_304, %parallel_loop3A_299 : vector<16xi1>, vector<16xf32>
      %parallel_loop3A_306 = arith.addf %parallel_loop3A_292, %parallel_loop3A_305 : vector<16xf32>
      %parallel_loop3A_307 = arith.addf %parallel_loop3A_293, %parallel_loop3A_299 : vector<16xf32>
      %parallel_loop3A_308 = arith.constant 1.000000e+00 : f32
      %parallel_loop3A_309 = arith.constant 0.000000e+00 : f32
      %parallel_loop3A_310 = vector.broadcast %parallel_loop3A_308 : f32 to vector<16xf32>
      %parallel_loop3A_311 = vector.broadcast %parallel_loop3A_309 : f32 to vector<16xf32>
      %parallel_loop3A_312 = arith.select %parallel_loop3A_302, %parallel_loop3A_310, %parallel_loop3A_311 : vector<16xi1>, vector<16xf32>
      %parallel_loop3A_313 = arith.addf %parallel_loop3A_294, %parallel_loop3A_312 : vector<16xf32>
      scf.yield %parallel_loop3A_306, %parallel_loop3A_307, %parallel_loop3A_313 : vector<16xf32>, vector<16xf32>, vector<16xf32>
    } {sc.loop_unroll_factor = 8 : i64, sc.parallel_access}
    %dma_wait3A_156 = arith.constant 3 : i32
    %dma_wait3A_157 = arith.constant 12288 : i32
    %dma_wait3A_158 = tpu.memref_slice %arg4[%dma_wait3A_157] : memref<32768xf32, #tpu.memory_space<vmem>> -> memref<4096xf32, #tpu.memory_space<vmem>>
    %dma_wait3A_159 = arith.constant 12288 : i32
    %dma_wait3A_160 = tpu.memref_slice %arg2[%add3A, %dma_wait3A_159] : memref<32x32768xf32, #tpu.memory_space<hbm>> -> memref<1x4096xf32, #tpu.memory_space<hbm>>
    %dma_wait3A_161 = tpu.memref_squeeze %dma_wait3A_160 : memref<1x4096xf32, #tpu.memory_space<hbm>> -> memref<4096xf32, #tpu.memory_space<hbm>>
    %dma_wait3A_162 = tpu.memref_slice %arg6[%dma_wait3A_156] : memref<8x!tpu.dma_semaphore, #tpu.memory_space<semaphore_mem>> -> memref<1x!tpu.dma_semaphore, #tpu.memory_space<semaphore_mem>>
    %dma_wait3A_163 = tpu.memref_squeeze %dma_wait3A_162 : memref<1x!tpu.dma_semaphore, #tpu.memory_space<semaphore_mem>> -> memref<!tpu.dma_semaphore, #tpu.memory_space<semaphore_mem>>
    %dma_wait3A_164 = arith.constant 12288 : i32
    %dma_wait3A_165 = tpu.memref_slice %arg4[%dma_wait3A_164] : memref<32768xf32, #tpu.memory_space<vmem>> -> memref<4096xf32, #tpu.memory_space<vmem>>
    %dma_wait3A_166 = arith.constant 12288 : i32
    %dma_wait3A_167 = tpu.memref_slice %arg2[%add3A, %dma_wait3A_166] : memref<32x32768xf32, #tpu.memory_space<hbm>> -> memref<1x4096xf32, #tpu.memory_space<hbm>>
    %dma_wait3A_168 = tpu.memref_squeeze %dma_wait3A_167 : memref<1x4096xf32, #tpu.memory_space<hbm>> -> memref<4096xf32, #tpu.memory_space<hbm>>
    tpu.wait_dma2 semaphore(%dma_wait3A_163 : memref<!tpu.dma_semaphore, #tpu.memory_space<semaphore_mem>>) src(%dma_wait3A_168 : memref<4096xf32, #tpu.memory_space<hbm>>) dst(%dma_wait3A_165 : memref<4096xf32, #tpu.memory_space<vmem>>)
    %parallel_loop3A_169 = arith.constant 768 : i32
    %parallel_loop3A_170 = arith.constant 1024 : i32
    %parallel_loop3A_171 = arith.constant 1 : i32
    %parallel_loop3A_172:3 = scf.for %parallel_loop3A_291 = %parallel_loop3A_169 to %parallel_loop3A_170 step %parallel_loop3A_171 iter_args(%parallel_loop3A_292 = %parallel_loop3A_155#0, %parallel_loop3A_293 = %parallel_loop3A_155#1, %parallel_loop3A_294 = %parallel_loop3A_155#2) -> (vector<16xf32>, vector<16xf32>, vector<16xf32>)  : i32 {
      %parallel_loop3A_295 = arith.constant 16 : i32
      %parallel_loop3A_296 = arith.muli %parallel_loop3A_291, %parallel_loop3A_295 : i32
      %parallel_loop3A_297 = arith.index_cast %parallel_loop3A_296 : i32 to index
      %parallel_loop3A_298 = tpu.vector_load %arg4[%parallel_loop3A_297] {strides = array<i32>} : memref<32768xf32, #tpu.memory_space<vmem>>, vector<16xf32>,
      %parallel_loop3A_299 = arith.mulf %parallel_loop3A_298, %parallel_loop3A_298 : vector<16xf32>
      %parallel_loop3A_300 = arith.constant 9.990000e-01 : f32
      %parallel_loop3A_301 = vector.broadcast %parallel_loop3A_300 : f32 to vector<16xf32>
      %parallel_loop3A_302 = arith.cmpf ogt, %parallel_loop3A_298, %parallel_loop3A_301 : vector<16xf32>
      %parallel_loop3A_303 = arith.constant 0.000000e+00 : f32
      %parallel_loop3A_304 = vector.broadcast %parallel_loop3A_303 : f32 to vector<16xf32>
      %parallel_loop3A_305 = arith.select %parallel_loop3A_302, %parallel_loop3A_304, %parallel_loop3A_299 : vector<16xi1>, vector<16xf32>
      %parallel_loop3A_306 = arith.addf %parallel_loop3A_292, %parallel_loop3A_305 : vector<16xf32>
      %parallel_loop3A_307 = arith.addf %parallel_loop3A_293, %parallel_loop3A_299 : vector<16xf32>
      %parallel_loop3A_308 = arith.constant 1.000000e+00 : f32
      %parallel_loop3A_309 = arith.constant 0.000000e+00 : f32
      %parallel_loop3A_310 = vector.broadcast %parallel_loop3A_308 : f32 to vector<16xf32>
      %parallel_loop3A_311 = vector.broadcast %parallel_loop3A_309 : f32 to vector<16xf32>
      %parallel_loop3A_312 = arith.select %parallel_loop3A_302, %parallel_loop3A_310, %parallel_loop3A_311 : vector<16xi1>, vector<16xf32>
      %parallel_loop3A_313 = arith.addf %parallel_loop3A_294, %parallel_loop3A_312 : vector<16xf32>
      scf.yield %parallel_loop3A_306, %parallel_loop3A_307, %parallel_loop3A_313 : vector<16xf32>, vector<16xf32>, vector<16xf32>
    } {sc.loop_unroll_factor = 8 : i64, sc.parallel_access}
    %dma_wait3A_173 = arith.constant 4 : i32
    %dma_wait3A_174 = arith.constant 16384 : i32
    %dma_wait3A_175 = tpu.memref_slice %arg4[%dma_wait3A_174] : memref<32768xf32, #tpu.memory_space<vmem>> -> memref<4096xf32, #tpu.memory_space<vmem>>
    %dma_wait3A_176 = arith.constant 16384 : i32
    %dma_wait3A_177 = tpu.memref_slice %arg2[%add3A, %dma_wait3A_176] : memref<32x32768xf32, #tpu.memory_space<hbm>> -> memref<1x4096xf32, #tpu.memory_space<hbm>>
    %dma_wait3A_178 = tpu.memref_squeeze %dma_wait3A_177 : memref<1x4096xf32, #tpu.memory_space<hbm>> -> memref<4096xf32, #tpu.memory_space<hbm>>
    %dma_wait3A_179 = tpu.memref_slice %arg6[%dma_wait3A_173] : memref<8x!tpu.dma_semaphore, #tpu.memory_space<semaphore_mem>> -> memref<1x!tpu.dma_semaphore, #tpu.memory_space<semaphore_mem>>
    %dma_wait3A_180 = tpu.memref_squeeze %dma_wait3A_179 : memref<1x!tpu.dma_semaphore, #tpu.memory_space<semaphore_mem>> -> memref<!tpu.dma_semaphore, #tpu.memory_space<semaphore_mem>>
    %dma_wait3A_181 = arith.constant 16384 : i32
    %dma_wait3A_182 = tpu.memref_slice %arg4[%dma_wait3A_181] : memref<32768xf32, #tpu.memory_space<vmem>> -> memref<4096xf32, #tpu.memory_space<vmem>>
    %dma_wait3A_183 = arith.constant 16384 : i32
    %dma_wait3A_184 = tpu.memref_slice %arg2[%add3A, %dma_wait3A_183] : memref<32x32768xf32, #tpu.memory_space<hbm>> -> memref<1x4096xf32, #tpu.memory_space<hbm>>
    %dma_wait3A_185 = tpu.memref_squeeze %dma_wait3A_184 : memref<1x4096xf32, #tpu.memory_space<hbm>> -> memref<4096xf32, #tpu.memory_space<hbm>>
    tpu.wait_dma2 semaphore(%dma_wait3A_180 : memref<!tpu.dma_semaphore, #tpu.memory_space<semaphore_mem>>) src(%dma_wait3A_185 : memref<4096xf32, #tpu.memory_space<hbm>>) dst(%dma_wait3A_182 : memref<4096xf32, #tpu.memory_space<vmem>>)
    %parallel_loop3A_186 = arith.constant 1024 : i32
    %parallel_loop3A_187 = arith.constant 1280 : i32
    %parallel_loop3A_188 = arith.constant 1 : i32
    %parallel_loop3A_189:3 = scf.for %parallel_loop3A_291 = %parallel_loop3A_186 to %parallel_loop3A_187 step %parallel_loop3A_188 iter_args(%parallel_loop3A_292 = %parallel_loop3A_172#0, %parallel_loop3A_293 = %parallel_loop3A_172#1, %parallel_loop3A_294 = %parallel_loop3A_172#2) -> (vector<16xf32>, vector<16xf32>, vector<16xf32>)  : i32 {
      %parallel_loop3A_295 = arith.constant 16 : i32
      %parallel_loop3A_296 = arith.muli %parallel_loop3A_291, %parallel_loop3A_295 : i32
      %parallel_loop3A_297 = arith.index_cast %parallel_loop3A_296 : i32 to index
      %parallel_loop3A_298 = tpu.vector_load %arg4[%parallel_loop3A_297] {strides = array<i32>} : memref<32768xf32, #tpu.memory_space<vmem>>, vector<16xf32>,
      %parallel_loop3A_299 = arith.mulf %parallel_loop3A_298, %parallel_loop3A_298 : vector<16xf32>
      %parallel_loop3A_300 = arith.constant 9.990000e-01 : f32
      %parallel_loop3A_301 = vector.broadcast %parallel_loop3A_300 : f32 to vector<16xf32>
      %parallel_loop3A_302 = arith.cmpf ogt, %parallel_loop3A_298, %parallel_loop3A_301 : vector<16xf32>
      %parallel_loop3A_303 = arith.constant 0.000000e+00 : f32
      %parallel_loop3A_304 = vector.broadcast %parallel_loop3A_303 : f32 to vector<16xf32>
      %parallel_loop3A_305 = arith.select %parallel_loop3A_302, %parallel_loop3A_304, %parallel_loop3A_299 : vector<16xi1>, vector<16xf32>
      %parallel_loop3A_306 = arith.addf %parallel_loop3A_292, %parallel_loop3A_305 : vector<16xf32>
      %parallel_loop3A_307 = arith.addf %parallel_loop3A_293, %parallel_loop3A_299 : vector<16xf32>
      %parallel_loop3A_308 = arith.constant 1.000000e+00 : f32
      %parallel_loop3A_309 = arith.constant 0.000000e+00 : f32
      %parallel_loop3A_310 = vector.broadcast %parallel_loop3A_308 : f32 to vector<16xf32>
      %parallel_loop3A_311 = vector.broadcast %parallel_loop3A_309 : f32 to vector<16xf32>
      %parallel_loop3A_312 = arith.select %parallel_loop3A_302, %parallel_loop3A_310, %parallel_loop3A_311 : vector<16xi1>, vector<16xf32>
      %parallel_loop3A_313 = arith.addf %parallel_loop3A_294, %parallel_loop3A_312 : vector<16xf32>
      scf.yield %parallel_loop3A_306, %parallel_loop3A_307, %parallel_loop3A_313 : vector<16xf32>, vector<16xf32>, vector<16xf32>
    } {sc.loop_unroll_factor = 8 : i64, sc.parallel_access}
    %dma_wait3A_190 = arith.constant 5 : i32
    %dma_wait3A_191 = arith.constant 20480 : i32
    %dma_wait3A_192 = tpu.memref_slice %arg4[%dma_wait3A_191] : memref<32768xf32, #tpu.memory_space<vmem>> -> memref<4096xf32, #tpu.memory_space<vmem>>
    %dma_wait3A_193 = arith.constant 20480 : i32
    %dma_wait3A_194 = tpu.memref_slice %arg2[%add3A, %dma_wait3A_193] : memref<32x32768xf32, #tpu.memory_space<hbm>> -> memref<1x4096xf32, #tpu.memory_space<hbm>>
    %dma_wait3A_195 = tpu.memref_squeeze %dma_wait3A_194 : memref<1x4096xf32, #tpu.memory_space<hbm>> -> memref<4096xf32, #tpu.memory_space<hbm>>
    %dma_wait3A_196 = tpu.memref_slice %arg6[%dma_wait3A_190] : memref<8x!tpu.dma_semaphore, #tpu.memory_space<semaphore_mem>> -> memref<1x!tpu.dma_semaphore, #tpu.memory_space<semaphore_mem>>
    %dma_wait3A_197 = tpu.memref_squeeze %dma_wait3A_196 : memref<1x!tpu.dma_semaphore, #tpu.memory_space<semaphore_mem>> -> memref<!tpu.dma_semaphore, #tpu.memory_space<semaphore_mem>>
    %dma_wait3A_198 = arith.constant 20480 : i32
    %dma_wait3A_199 = tpu.memref_slice %arg4[%dma_wait3A_198] : memref<32768xf32, #tpu.memory_space<vmem>> -> memref<4096xf32, #tpu.memory_space<vmem>>
    %dma_wait3A_200 = arith.constant 20480 : i32
    %dma_wait3A_201 = tpu.memref_slice %arg2[%add3A, %dma_wait3A_200] : memref<32x32768xf32, #tpu.memory_space<hbm>> -> memref<1x4096xf32, #tpu.memory_space<hbm>>
    %dma_wait3A_202 = tpu.memref_squeeze %dma_wait3A_201 : memref<1x4096xf32, #tpu.memory_space<hbm>> -> memref<4096xf32, #tpu.memory_space<hbm>>
    tpu.wait_dma2 semaphore(%dma_wait3A_197 : memref<!tpu.dma_semaphore, #tpu.memory_space<semaphore_mem>>) src(%dma_wait3A_202 : memref<4096xf32, #tpu.memory_space<hbm>>) dst(%dma_wait3A_199 : memref<4096xf32, #tpu.memory_space<vmem>>)
    %parallel_loop3A_203 = arith.constant 1280 : i32
    %parallel_loop3A_204 = arith.constant 1536 : i32
    %parallel_loop3A_205 = arith.constant 1 : i32
    %parallel_loop3A_206:3 = scf.for %parallel_loop3A_291 = %parallel_loop3A_203 to %parallel_loop3A_204 step %parallel_loop3A_205 iter_args(%parallel_loop3A_292 = %parallel_loop3A_189#0, %parallel_loop3A_293 = %parallel_loop3A_189#1, %parallel_loop3A_294 = %parallel_loop3A_189#2) -> (vector<16xf32>, vector<16xf32>, vector<16xf32>)  : i32 {
      %parallel_loop3A_295 = arith.constant 16 : i32
      %parallel_loop3A_296 = arith.muli %parallel_loop3A_291, %parallel_loop3A_295 : i32
      %parallel_loop3A_297 = arith.index_cast %parallel_loop3A_296 : i32 to index
      %parallel_loop3A_298 = tpu.vector_load %arg4[%parallel_loop3A_297] {strides = array<i32>} : memref<32768xf32, #tpu.memory_space<vmem>>, vector<16xf32>,
      %parallel_loop3A_299 = arith.mulf %parallel_loop3A_298, %parallel_loop3A_298 : vector<16xf32>
      %parallel_loop3A_300 = arith.constant 9.990000e-01 : f32
      %parallel_loop3A_301 = vector.broadcast %parallel_loop3A_300 : f32 to vector<16xf32>
      %parallel_loop3A_302 = arith.cmpf ogt, %parallel_loop3A_298, %parallel_loop3A_301 : vector<16xf32>
      %parallel_loop3A_303 = arith.constant 0.000000e+00 : f32
      %parallel_loop3A_304 = vector.broadcast %parallel_loop3A_303 : f32 to vector<16xf32>
      %parallel_loop3A_305 = arith.select %parallel_loop3A_302, %parallel_loop3A_304, %parallel_loop3A_299 : vector<16xi1>, vector<16xf32>
      %parallel_loop3A_306 = arith.addf %parallel_loop3A_292, %parallel_loop3A_305 : vector<16xf32>
      %parallel_loop3A_307 = arith.addf %parallel_loop3A_293, %parallel_loop3A_299 : vector<16xf32>
      %parallel_loop3A_308 = arith.constant 1.000000e+00 : f32
      %parallel_loop3A_309 = arith.constant 0.000000e+00 : f32
      %parallel_loop3A_310 = vector.broadcast %parallel_loop3A_308 : f32 to vector<16xf32>
      %parallel_loop3A_311 = vector.broadcast %parallel_loop3A_309 : f32 to vector<16xf32>
      %parallel_loop3A_312 = arith.select %parallel_loop3A_302, %parallel_loop3A_310, %parallel_loop3A_311 : vector<16xi1>, vector<16xf32>
      %parallel_loop3A_313 = arith.addf %parallel_loop3A_294, %parallel_loop3A_312 : vector<16xf32>
      scf.yield %parallel_loop3A_306, %parallel_loop3A_307, %parallel_loop3A_313 : vector<16xf32>, vector<16xf32>, vector<16xf32>
    } {sc.loop_unroll_factor = 8 : i64, sc.parallel_access}
    %dma_wait3A_207 = arith.constant 6 : i32
    %dma_wait3A_208 = arith.constant 24576 : i32
    %dma_wait3A_209 = tpu.memref_slice %arg4[%dma_wait3A_208] : memref<32768xf32, #tpu.memory_space<vmem>> -> memref<4096xf32, #tpu.memory_space<vmem>>
    %dma_wait3A_210 = arith.constant 24576 : i32
    %dma_wait3A_211 = tpu.memref_slice %arg2[%add3A, %dma_wait3A_210] : memref<32x32768xf32, #tpu.memory_space<hbm>> -> memref<1x4096xf32, #tpu.memory_space<hbm>>
    %dma_wait3A_212 = tpu.memref_squeeze %dma_wait3A_211 : memref<1x4096xf32, #tpu.memory_space<hbm>> -> memref<4096xf32, #tpu.memory_space<hbm>>
    %dma_wait3A_213 = tpu.memref_slice %arg6[%dma_wait3A_207] : memref<8x!tpu.dma_semaphore, #tpu.memory_space<semaphore_mem>> -> memref<1x!tpu.dma_semaphore, #tpu.memory_space<semaphore_mem>>
    %dma_wait3A_214 = tpu.memref_squeeze %dma_wait3A_213 : memref<1x!tpu.dma_semaphore, #tpu.memory_space<semaphore_mem>> -> memref<!tpu.dma_semaphore, #tpu.memory_space<semaphore_mem>>
    %dma_wait3A_215 = arith.constant 24576 : i32
    %dma_wait3A_216 = tpu.memref_slice %arg4[%dma_wait3A_215] : memref<32768xf32, #tpu.memory_space<vmem>> -> memref<4096xf32, #tpu.memory_space<vmem>>
    %dma_wait3A_217 = arith.constant 24576 : i32
    %dma_wait3A_218 = tpu.memref_slice %arg2[%add3A, %dma_wait3A_217] : memref<32x32768xf32, #tpu.memory_space<hbm>> -> memref<1x4096xf32, #tpu.memory_space<hbm>>
    %dma_wait3A_219 = tpu.memref_squeeze %dma_wait3A_218 : memref<1x4096xf32, #tpu.memory_space<hbm>> -> memref<4096xf32, #tpu.memory_space<hbm>>
    tpu.wait_dma2 semaphore(%dma_wait3A_214 : memref<!tpu.dma_semaphore, #tpu.memory_space<semaphore_mem>>) src(%dma_wait3A_219 : memref<4096xf32, #tpu.memory_space<hbm>>) dst(%dma_wait3A_216 : memref<4096xf32, #tpu.memory_space<vmem>>)
    %parallel_loop3A_220 = arith.constant 1536 : i32
    %parallel_loop3A_221 = arith.constant 1792 : i32
    %parallel_loop3A_222 = arith.constant 1 : i32
    %parallel_loop3A_223:3 = scf.for %parallel_loop3A_291 = %parallel_loop3A_220 to %parallel_loop3A_221 step %parallel_loop3A_222 iter_args(%parallel_loop3A_292 = %parallel_loop3A_206#0, %parallel_loop3A_293 = %parallel_loop3A_206#1, %parallel_loop3A_294 = %parallel_loop3A_206#2) -> (vector<16xf32>, vector<16xf32>, vector<16xf32>)  : i32 {
      %parallel_loop3A_295 = arith.constant 16 : i32
      %parallel_loop3A_296 = arith.muli %parallel_loop3A_291, %parallel_loop3A_295 : i32
      %parallel_loop3A_297 = arith.index_cast %parallel_loop3A_296 : i32 to index
      %parallel_loop3A_298 = tpu.vector_load %arg4[%parallel_loop3A_297] {strides = array<i32>} : memref<32768xf32, #tpu.memory_space<vmem>>, vector<16xf32>,
      %parallel_loop3A_299 = arith.mulf %parallel_loop3A_298, %parallel_loop3A_298 : vector<16xf32>
      %parallel_loop3A_300 = arith.constant 9.990000e-01 : f32
      %parallel_loop3A_301 = vector.broadcast %parallel_loop3A_300 : f32 to vector<16xf32>
      %parallel_loop3A_302 = arith.cmpf ogt, %parallel_loop3A_298, %parallel_loop3A_301 : vector<16xf32>
      %parallel_loop3A_303 = arith.constant 0.000000e+00 : f32
      %parallel_loop3A_304 = vector.broadcast %parallel_loop3A_303 : f32 to vector<16xf32>
      %parallel_loop3A_305 = arith.select %parallel_loop3A_302, %parallel_loop3A_304, %parallel_loop3A_299 : vector<16xi1>, vector<16xf32>
      %parallel_loop3A_306 = arith.addf %parallel_loop3A_292, %parallel_loop3A_305 : vector<16xf32>
      %parallel_loop3A_307 = arith.addf %parallel_loop3A_293, %parallel_loop3A_299 : vector<16xf32>
      %parallel_loop3A_308 = arith.constant 1.000000e+00 : f32
      %parallel_loop3A_309 = arith.constant 0.000000e+00 : f32
      %parallel_loop3A_310 = vector.broadcast %parallel_loop3A_308 : f32 to vector<16xf32>
      %parallel_loop3A_311 = vector.broadcast %parallel_loop3A_309 : f32 to vector<16xf32>
      %parallel_loop3A_312 = arith.select %parallel_loop3A_302, %parallel_loop3A_310, %parallel_loop3A_311 : vector<16xi1>, vector<16xf32>
      %parallel_loop3A_313 = arith.addf %parallel_loop3A_294, %parallel_loop3A_312 : vector<16xf32>
      scf.yield %parallel_loop3A_306, %parallel_loop3A_307, %parallel_loop3A_313 : vector<16xf32>, vector<16xf32>, vector<16xf32>
    } {sc.loop_unroll_factor = 8 : i64, sc.parallel_access}
    %dma_wait3A_224 = arith.constant 7 : i32
    %dma_wait3A_225 = arith.constant 28672 : i32
    %dma_wait3A_226 = tpu.memref_slice %arg4[%dma_wait3A_225] : memref<32768xf32, #tpu.memory_space<vmem>> -> memref<4096xf32, #tpu.memory_space<vmem>>
    %dma_wait3A_227 = arith.constant 28672 : i32
    %dma_wait3A_228 = tpu.memref_slice %arg2[%add3A, %dma_wait3A_227] : memref<32x32768xf32, #tpu.memory_space<hbm>> -> memref<1x4096xf32, #tpu.memory_space<hbm>>
    %dma_wait3A_229 = tpu.memref_squeeze %dma_wait3A_228 : memref<1x4096xf32, #tpu.memory_space<hbm>> -> memref<4096xf32, #tpu.memory_space<hbm>>
    %dma_wait3A_230 = tpu.memref_slice %arg6[%dma_wait3A_224] : memref<8x!tpu.dma_semaphore, #tpu.memory_space<semaphore_mem>> -> memref<1x!tpu.dma_semaphore, #tpu.memory_space<semaphore_mem>>
    %dma_wait3A_231 = tpu.memref_squeeze %dma_wait3A_230 : memref<1x!tpu.dma_semaphore, #tpu.memory_space<semaphore_mem>> -> memref<!tpu.dma_semaphore, #tpu.memory_space<semaphore_mem>>
    %dma_wait3A_232 = arith.constant 28672 : i32
    %dma_wait3A_233 = tpu.memref_slice %arg4[%dma_wait3A_232] : memref<32768xf32, #tpu.memory_space<vmem>> -> memref<4096xf32, #tpu.memory_space<vmem>>
    %dma_wait3A_234 = arith.constant 28672 : i32
    %dma_wait3A_235 = tpu.memref_slice %arg2[%add3A, %dma_wait3A_234] : memref<32x32768xf32, #tpu.memory_space<hbm>> -> memref<1x4096xf32, #tpu.memory_space<hbm>>
    %dma_wait3A_236 = tpu.memref_squeeze %dma_wait3A_235 : memref<1x4096xf32, #tpu.memory_space<hbm>> -> memref<4096xf32, #tpu.memory_space<hbm>>
    tpu.wait_dma2 semaphore(%dma_wait3A_231 : memref<!tpu.dma_semaphore, #tpu.memory_space<semaphore_mem>>) src(%dma_wait3A_236 : memref<4096xf32, #tpu.memory_space<hbm>>) dst(%dma_wait3A_233 : memref<4096xf32, #tpu.memory_space<vmem>>)
    %parallel_loop3A_237 = arith.constant 1792 : i32
    %parallel_loop3A_238 = arith.constant 2048 : i32
    %parallel_loop3A_239 = arith.constant 1 : i32
    %parallel_loop3A_240:3 = scf.for %parallel_loop3A_291 = %parallel_loop3A_237 to %parallel_loop3A_238 step %parallel_loop3A_239 iter_args(%parallel_loop3A_292 = %parallel_loop3A_223#0, %parallel_loop3A_293 = %parallel_loop3A_223#1, %parallel_loop3A_294 = %parallel_loop3A_223#2) -> (vector<16xf32>, vector<16xf32>, vector<16xf32>)  : i32 {
      %parallel_loop3A_295 = arith.constant 16 : i32
      %parallel_loop3A_296 = arith.muli %parallel_loop3A_291, %parallel_loop3A_295 : i32
      %parallel_loop3A_297 = arith.index_cast %parallel_loop3A_296 : i32 to index
      %parallel_loop3A_298 = tpu.vector_load %arg4[%parallel_loop3A_297] {strides = array<i32>} : memref<32768xf32, #tpu.memory_space<vmem>>, vector<16xf32>,
      %parallel_loop3A_299 = arith.mulf %parallel_loop3A_298, %parallel_loop3A_298 : vector<16xf32>
      %parallel_loop3A_300 = arith.constant 9.990000e-01 : f32
      %parallel_loop3A_301 = vector.broadcast %parallel_loop3A_300 : f32 to vector<16xf32>
      %parallel_loop3A_302 = arith.cmpf ogt, %parallel_loop3A_298, %parallel_loop3A_301 : vector<16xf32>
      %parallel_loop3A_303 = arith.constant 0.000000e+00 : f32
      %parallel_loop3A_304 = vector.broadcast %parallel_loop3A_303 : f32 to vector<16xf32>
      %parallel_loop3A_305 = arith.select %parallel_loop3A_302, %parallel_loop3A_304, %parallel_loop3A_299 : vector<16xi1>, vector<16xf32>
      %parallel_loop3A_306 = arith.addf %parallel_loop3A_292, %parallel_loop3A_305 : vector<16xf32>
      %parallel_loop3A_307 = arith.addf %parallel_loop3A_293, %parallel_loop3A_299 : vector<16xf32>
      %parallel_loop3A_308 = arith.constant 1.000000e+00 : f32
      %parallel_loop3A_309 = arith.constant 0.000000e+00 : f32
      %parallel_loop3A_310 = vector.broadcast %parallel_loop3A_308 : f32 to vector<16xf32>
      %parallel_loop3A_311 = vector.broadcast %parallel_loop3A_309 : f32 to vector<16xf32>
      %parallel_loop3A_312 = arith.select %parallel_loop3A_302, %parallel_loop3A_310, %parallel_loop3A_311 : vector<16xi1>, vector<16xf32>
      %parallel_loop3A_313 = arith.addf %parallel_loop3A_294, %parallel_loop3A_312 : vector<16xf32>
      scf.yield %parallel_loop3A_306, %parallel_loop3A_307, %parallel_loop3A_313 : vector<16xf32>, vector<16xf32>, vector<16xf32>
    } {sc.loop_unroll_factor = 8 : i64, sc.parallel_access}
    %broadcast_in_dim3A_241 = arith.constant true
    %broadcast_in_dim3A_242 = vector.broadcast %broadcast_in_dim3A_241 : i1 to vector<16xi1>
    %masked_cumsum3A = tpu.scan <sum>, %parallel_loop3A_240#0 masked %broadcast_in_dim3A_242 : vector<16xf32>, vector<16xi1> -> vector<16xf32>
    %gather3A = vector.shape_cast %broadcast_in_dim3A_106 : vector<16x1xi32> to vector<16xi32>
    %gather3A_243 = tpu.dynamic_gather %masked_cumsum3A[%gather3A] in [0] : vector<16xf32>, vector<16xi32> -> vector<16xf32>
    %broadcast_in_dim3A_244 = arith.constant true
    %broadcast_in_dim3A_245 = vector.broadcast %broadcast_in_dim3A_244 : i1 to vector<16xi1>
    %masked_cumsum3A_246 = tpu.scan <sum>, %parallel_loop3A_240#1 masked %broadcast_in_dim3A_245 : vector<16xf32>, vector<16xi1> -> vector<16xf32>
    %gather3A_247 = vector.shape_cast %broadcast_in_dim3A_106 : vector<16x1xi32> to vector<16xi32>
    %gather3A_248 = tpu.dynamic_gather %masked_cumsum3A_246[%gather3A_247] in [0] : vector<16xf32>, vector<16xi32> -> vector<16xf32>
    %broadcast_in_dim3A_249 = arith.constant true
    %broadcast_in_dim3A_250 = vector.broadcast %broadcast_in_dim3A_249 : i1 to vector<16xi1>
    %masked_cumsum3A_251 = tpu.scan <sum>, %parallel_loop3A_240#2 masked %broadcast_in_dim3A_250 : vector<16xf32>, vector<16xi1> -> vector<16xf32>
    %gather3A_252 = vector.shape_cast %broadcast_in_dim3A_106 : vector<16x1xi32> to vector<16xi32>
    %gather3A_253 = tpu.dynamic_gather %masked_cumsum3A_251[%gather3A_252] in [0] : vector<16xf32>, vector<16xi32> -> vector<16xf32>
    %sub3A = arith.subf %gather3A_248, %gather3A_243 : vector<16xf32>
    %gt3A = arith.constant 1.000000e+03 : f32
    %gt3A_254 = vector.broadcast %gt3A : f32 to vector<16xf32>
    %gt3A_255 = arith.cmpf ogt, %gather3A_243, %gt3A_254 : vector<16xf32>
    %reduce_or3A = arith.constant 1.000000e+00 : f32
    %reduce_or3A_256 = arith.constant 0.000000e+00 : f32
    %reduce_or3A_257 = vector.broadcast %reduce_or3A : f32 to vector<16xf32>
    %reduce_or3A_258 = vector.broadcast %reduce_or3A_256 : f32 to vector<16xf32>
    %reduce_or3A_259 = arith.select %gt3A_255, %reduce_or3A_257, %reduce_or3A_258 : vector<16xi1>, vector<16xf32>
    %reduce_or3A_260 = arith.constant true
    %reduce_or3A_261 = vector.broadcast %reduce_or3A_260 : i1 to vector<16xi1>
    %reduce_or3A_262 = tpu.scan <max>, %reduce_or3A_259 masked %reduce_or3A_261 : vector<16xf32>, vector<16xi1> -> vector<16xf32>
    %reduce_or3A_263 = vector.extract %reduce_or3A_262[15] : f32 from vector<16xf32>
    %reduce_or3A_264 = arith.constant 0.000000e+00 : f32
    %reduce_or3A_265 = arith.cmpf ogt, %reduce_or3A_263, %reduce_or3A_264 : f32
    %convert_element_type3A = arith.extui %reduce_or3A_265 : i1 to i32
    %cond3A = arith.constant 0 : i32
    %cond3A_266 = arith.cmpi ne, %convert_element_type3A, %cond3A : i32
    %cond3A_267 = scf.if %cond3A_266 -> (vector<16xf32>) {
      %div3A_291 = arith.divf %sub3A, %gather3A_243 : vector<16xf32>
      %sub3A_292 = arith.subf %gather3A_253, %div3A_291 : vector<16xf32>
      %div3A_293 = arith.divf %sub3A_292, %gather3A_243 : vector<16xf32>
      scf.yield %div3A_293 : vector<16xf32>
    } else {
      %scan3A = arith.constant 0 : i32
      %scan3A_291 = arith.constant 2048 : i32
      %scan3A_292 = arith.addi %scan3A, %scan3A_291 : i32
      %scan3A_293 = arith.constant 1 : i32
      %scan3A_294 = scf.for %scan3A_301 = %scan3A to %scan3A_292 step %scan3A_293 iter_args(%scan3A_302 = %broadcast_in_dim3A_104) -> (vector<16xf32>)  : i32 {
        %mul3A_303 = arith.constant 16 : i32
        %mul3A_304 = arith.muli %scan3A_301, %mul3A_303 : i32
        %get3A = arith.index_cast %mul3A_304 : i32 to index
        %get3A_305 = tpu.vector_load %arg4[%get3A] {strides = array<i32>} : memref<32768xf32, #tpu.memory_space<vmem>>, vector<16xf32>,
        %mul3A_306 = arith.mulf %get3A_305, %get3A_305 : vector<16xf32>
        %gt3A_307 = arith.constant 9.990000e-01 : f32
        %gt3A_308 = vector.broadcast %gt3A_307 : f32 to vector<16xf32>
        %gt3A_309 = arith.cmpf ogt, %get3A_305, %gt3A_308 : vector<16xf32>
        %add3A_310 = arith.addf %gather3A_243, %mul3A_306 : vector<16xf32>
        %div3A_311 = arith.constant 1.000000e+00 : f32
        %div3A_312 = vector.broadcast %div3A_311 : f32 to vector<16xf32>
        %div3A_313 = arith.divf %div3A_312, %add3A_310 : vector<16xf32>
        %jit3A = arith.constant 0.000000e+00 : f32
        %broadcast_in_dim3A_314 = vector.broadcast %jit3A : f32 to vector<16xf32>
        %select_n3A = arith.select %gt3A_309, %div3A_313, %broadcast_in_dim3A_314 : vector<16xi1>, vector<16xf32>
        %add3A_315 = arith.addf %scan3A_302, %select_n3A : vector<16xf32>
        scf.yield %add3A_315 : vector<16xf32>
      }
      %scan3A_295 = arith.constant 2048 : i32
      %broadcast_in_dim3A_296 = arith.constant true
      %broadcast_in_dim3A_297 = vector.broadcast %broadcast_in_dim3A_296 : i1 to vector<16xi1>
      %masked_cumsum3A_298 = tpu.scan <sum>, %scan3A_294 masked %broadcast_in_dim3A_297 : vector<16xf32>, vector<16xi1> -> vector<16xf32>
      %gather3A_299 = vector.shape_cast %broadcast_in_dim3A_106 : vector<16x1xi32> to vector<16xi32>
      %gather3A_300 = tpu.dynamic_gather %masked_cumsum3A_298[%gather3A_299] in [0] : vector<16xf32>, vector<16xi32> -> vector<16xf32>
      scf.yield %gather3A_300 : vector<16xf32>
    }
    %max3A = arith.constant 1.000000e+00 : f32
    %max3A_268 = vector.broadcast %max3A : f32 to vector<16xf32>
    %max3A_269 = arith.maximumf %gather3A_253, %max3A_268 : vector<16xf32>
    %div3A = arith.divf %cond3A_267, %max3A_269 : vector<16xf32>
    %gt3A_270 = arith.constant 0.000000e+00 : f32
    %gt3A_271 = vector.broadcast %gt3A_270 : f32 to vector<16xf32>
    %gt3A_272 = arith.cmpf ogt, %gather3A_253, %gt3A_271 : vector<16xf32>
    %reduce_or3A_273 = arith.constant 1.000000e+00 : f32
    %reduce_or3A_274 = arith.constant 0.000000e+00 : f32
    %reduce_or3A_275 = vector.broadcast %reduce_or3A_273 : f32 to vector<16xf32>
    %reduce_or3A_276 = vector.broadcast %reduce_or3A_274 : f32 to vector<16xf32>
    %reduce_or3A_277 = arith.select %gt3A_272, %reduce_or3A_275, %reduce_or3A_276 : vector<16xi1>, vector<16xf32>
    %reduce_or3A_278 = arith.constant true
    %reduce_or3A_279 = vector.broadcast %reduce_or3A_278 : i1 to vector<16xi1>
    %reduce_or3A_280 = tpu.scan <max>, %reduce_or3A_277 masked %reduce_or3A_279 : vector<16xf32>, vector<16xi1> -> vector<16xf32>
    %reduce_or3A_281 = vector.extract %reduce_or3A_280[15] : f32 from vector<16xf32>
    %reduce_or3A_282 = arith.constant 0.000000e+00 : f32
    %reduce_or3A_283 = arith.cmpf ogt, %reduce_or3A_281, %reduce_or3A_282 : f32
    %convert_element_type3A_284 = arith.extui %reduce_or3A_283 : i1 to i32
    %cond3A_285 = arith.constant 0 : i32
    %cond3A_286 = arith.cmpi ne, %convert_element_type3A_284, %cond3A_285 : i32
    scf.if %cond3A_286 {
      %parallel_loop3A_291 = arith.constant 0 : i32
      %parallel_loop3A_292 = arith.constant 256 : i32
      %parallel_loop3A_293 = arith.constant 1 : i32
      scf.for %parallel_loop3A_523 = %parallel_loop3A_291 to %parallel_loop3A_292 step %parallel_loop3A_293  : i32 {
        %parallel_loop3A_524 = arith.constant 16 : i32
        %parallel_loop3A_525 = arith.muli %parallel_loop3A_523, %parallel_loop3A_524 : i32
        %parallel_loop3A_526 = arith.index_cast %parallel_loop3A_525 : i32 to index
        %parallel_loop3A_527 = tpu.vector_load %arg4[%parallel_loop3A_526] {strides = array<i32>} : memref<32768xf32, #tpu.memory_space<vmem>>, vector<16xf32>,
        %parallel_loop3A_528 = arith.mulf %parallel_loop3A_527, %parallel_loop3A_527 : vector<16xf32>
        %parallel_loop3A_529 = arith.constant 9.990000e-01 : f32
        %parallel_loop3A_530 = vector.broadcast %parallel_loop3A_529 : f32 to vector<16xf32>
        %parallel_loop3A_531 = arith.cmpf ogt, %parallel_loop3A_527, %parallel_loop3A_530 : vector<16xf32>
        %parallel_loop3A_532 = arith.addf %gather3A_243, %parallel_loop3A_528 : vector<16xf32>
        %parallel_loop3A_533 = arith.divf %parallel_loop3A_528, %parallel_loop3A_532 : vector<16xf32>
        %parallel_loop3A_534 = arith.mulf %parallel_loop3A_528, %div3A : vector<16xf32>
        %parallel_loop3A_535 = arith.select %parallel_loop3A_531, %parallel_loop3A_533, %parallel_loop3A_534 : vector<16xi1>, vector<16xf32>
        %parallel_loop3A_536 = arith.constant 16 : i32
        %parallel_loop3A_537 = arith.muli %parallel_loop3A_523, %parallel_loop3A_536 : i32
        %parallel_loop3A_538 = arith.index_cast %parallel_loop3A_537 : i32 to index
        %parallel_loop3A_539 = tpu.vector_load %arg5[%parallel_loop3A_538] {strides = array<i32>} : memref<32768xf32, #tpu.memory_space<vmem>>, vector<16xf32>,
        tpu.vector_store %arg5[%parallel_loop3A_538], %parallel_loop3A_535 {strides = array<i32>} : memref<32768xf32, #tpu.memory_space<vmem>>, vector<16xf32>,
      } {sc.loop_unroll_factor = 8 : i64, sc.parallel_access}
      %dma_start3A_294 = arith.constant 0 : i32
      %dma_start3A_295 = arith.constant 0 : i32
      %dma_start3A_296 = tpu.memref_slice %arg5[%dma_start3A_295] : memref<32768xf32, #tpu.memory_space<vmem>> -> memref<4096xf32, #tpu.memory_space<vmem>>
      %dma_start3A_297 = arith.constant 0 : i32
      %dma_start3A_298 = tpu.memref_slice %arg3[%add3A, %dma_start3A_297] : memref<32x32768xf32, #tpu.memory_space<hbm>> -> memref<1x4096xf32, #tpu.memory_space<hbm>>
      %dma_start3A_299 = tpu.memref_squeeze %dma_start3A_298 : memref<1x4096xf32, #tpu.memory_space<hbm>> -> memref<4096xf32, #tpu.memory_space<hbm>>
      %dma_start3A_300 = tpu.memref_slice %arg7[%dma_start3A_294] : memref<8x!tpu.dma_semaphore, #tpu.memory_space<semaphore_mem>> -> memref<1x!tpu.dma_semaphore, #tpu.memory_space<semaphore_mem>>
      %dma_start3A_301 = tpu.memref_squeeze %dma_start3A_300 : memref<1x!tpu.dma_semaphore, #tpu.memory_space<semaphore_mem>> -> memref<!tpu.dma_semaphore, #tpu.memory_space<semaphore_mem>>
      %dma_start3A_302 = arith.constant 0 : i32
      %dma_start3A_303 = tpu.memref_slice %arg3[%add3A, %dma_start3A_302] : memref<32x32768xf32, #tpu.memory_space<hbm>> -> memref<1x4096xf32, #tpu.memory_space<hbm>>
      %dma_start3A_304 = tpu.memref_squeeze %dma_start3A_303 : memref<1x4096xf32, #tpu.memory_space<hbm>> -> memref<4096xf32, #tpu.memory_space<hbm>>
      %dma_start3A_305 = arith.constant 0 : i32
      %dma_start3A_306 = tpu.memref_slice %arg5[%dma_start3A_305] : memref<32768xf32, #tpu.memory_space<vmem>> -> memref<4096xf32, #tpu.memory_space<vmem>>
      tpu.enqueue_dma source(%dma_start3A_306 : memref<4096xf32, #tpu.memory_space<vmem>>) target(%dma_start3A_304 : memref<4096xf32, #tpu.memory_space<hbm>>) target_semaphore(%dma_start3A_301 : memref<!tpu.dma_semaphore, #tpu.memory_space<semaphore_mem>>)
      %parallel_loop3A_307 = arith.constant 256 : i32
      %parallel_loop3A_308 = arith.constant 512 : i32
      %parallel_loop3A_309 = arith.constant 1 : i32
      scf.for %parallel_loop3A_523 = %parallel_loop3A_307 to %parallel_loop3A_308 step %parallel_loop3A_309  : i32 {
        %parallel_loop3A_524 = arith.constant 16 : i32
        %parallel_loop3A_525 = arith.muli %parallel_loop3A_523, %parallel_loop3A_524 : i32
        %parallel_loop3A_526 = arith.index_cast %parallel_loop3A_525 : i32 to index
        %parallel_loop3A_527 = tpu.vector_load %arg4[%parallel_loop3A_526] {strides = array<i32>} : memref<32768xf32, #tpu.memory_space<vmem>>, vector<16xf32>,
        %parallel_loop3A_528 = arith.mulf %parallel_loop3A_527, %parallel_loop3A_527 : vector<16xf32>
        %parallel_loop3A_529 = arith.constant 9.990000e-01 : f32
        %parallel_loop3A_530 = vector.broadcast %parallel_loop3A_529 : f32 to vector<16xf32>
        %parallel_loop3A_531 = arith.cmpf ogt, %parallel_loop3A_527, %parallel_loop3A_530 : vector<16xf32>
        %parallel_loop3A_532 = arith.addf %gather3A_243, %parallel_loop3A_528 : vector<16xf32>
        %parallel_loop3A_533 = arith.divf %parallel_loop3A_528, %parallel_loop3A_532 : vector<16xf32>
        %parallel_loop3A_534 = arith.mulf %parallel_loop3A_528, %div3A : vector<16xf32>
        %parallel_loop3A_535 = arith.select %parallel_loop3A_531, %parallel_loop3A_533, %parallel_loop3A_534 : vector<16xi1>, vector<16xf32>
        %parallel_loop3A_536 = arith.constant 16 : i32
        %parallel_loop3A_537 = arith.muli %parallel_loop3A_523, %parallel_loop3A_536 : i32
        %parallel_loop3A_538 = arith.index_cast %parallel_loop3A_537 : i32 to index
        %parallel_loop3A_539 = tpu.vector_load %arg5[%parallel_loop3A_538] {strides = array<i32>} : memref<32768xf32, #tpu.memory_space<vmem>>, vector<16xf32>,
        tpu.vector_store %arg5[%parallel_loop3A_538], %parallel_loop3A_535 {strides = array<i32>} : memref<32768xf32, #tpu.memory_space<vmem>>, vector<16xf32>,
      } {sc.loop_unroll_factor = 8 : i64, sc.parallel_access}
      %dma_start3A_310 = arith.constant 1 : i32
      %dma_start3A_311 = arith.constant 4096 : i32
      %dma_start3A_312 = tpu.memref_slice %arg5[%dma_start3A_311] : memref<32768xf32, #tpu.memory_space<vmem>> -> memref<4096xf32, #tpu.memory_space<vmem>>
      %dma_start3A_313 = arith.constant 4096 : i32
      %dma_start3A_314 = tpu.memref_slice %arg3[%add3A, %dma_start3A_313] : memref<32x32768xf32, #tpu.memory_space<hbm>> -> memref<1x4096xf32, #tpu.memory_space<hbm>>
      %dma_start3A_315 = tpu.memref_squeeze %dma_start3A_314 : memref<1x4096xf32, #tpu.memory_space<hbm>> -> memref<4096xf32, #tpu.memory_space<hbm>>
      %dma_start3A_316 = tpu.memref_slice %arg7[%dma_start3A_310] : memref<8x!tpu.dma_semaphore, #tpu.memory_space<semaphore_mem>> -> memref<1x!tpu.dma_semaphore, #tpu.memory_space<semaphore_mem>>
      %dma_start3A_317 = tpu.memref_squeeze %dma_start3A_316 : memref<1x!tpu.dma_semaphore, #tpu.memory_space<semaphore_mem>> -> memref<!tpu.dma_semaphore, #tpu.memory_space<semaphore_mem>>
      %dma_start3A_318 = arith.constant 4096 : i32
      %dma_start3A_319 = tpu.memref_slice %arg3[%add3A, %dma_start3A_318] : memref<32x32768xf32, #tpu.memory_space<hbm>> -> memref<1x4096xf32, #tpu.memory_space<hbm>>
      %dma_start3A_320 = tpu.memref_squeeze %dma_start3A_319 : memref<1x4096xf32, #tpu.memory_space<hbm>> -> memref<4096xf32, #tpu.memory_space<hbm>>
      %dma_start3A_321 = arith.constant 4096 : i32
      %dma_start3A_322 = tpu.memref_slice %arg5[%dma_start3A_321] : memref<32768xf32, #tpu.memory_space<vmem>> -> memref<4096xf32, #tpu.memory_space<vmem>>
      tpu.enqueue_dma source(%dma_start3A_322 : memref<4096xf32, #tpu.memory_space<vmem>>) target(%dma_start3A_320 : memref<4096xf32, #tpu.memory_space<hbm>>) target_semaphore(%dma_start3A_317 : memref<!tpu.dma_semaphore, #tpu.memory_space<semaphore_mem>>)
      %parallel_loop3A_323 = arith.constant 512 : i32
      %parallel_loop3A_324 = arith.constant 768 : i32
      %parallel_loop3A_325 = arith.constant 1 : i32
      scf.for %parallel_loop3A_523 = %parallel_loop3A_323 to %parallel_loop3A_324 step %parallel_loop3A_325  : i32 {
        %parallel_loop3A_524 = arith.constant 16 : i32
        %parallel_loop3A_525 = arith.muli %parallel_loop3A_523, %parallel_loop3A_524 : i32
        %parallel_loop3A_526 = arith.index_cast %parallel_loop3A_525 : i32 to index
        %parallel_loop3A_527 = tpu.vector_load %arg4[%parallel_loop3A_526] {strides = array<i32>} : memref<32768xf32, #tpu.memory_space<vmem>>, vector<16xf32>,
        %parallel_loop3A_528 = arith.mulf %parallel_loop3A_527, %parallel_loop3A_527 : vector<16xf32>
        %parallel_loop3A_529 = arith.constant 9.990000e-01 : f32
        %parallel_loop3A_530 = vector.broadcast %parallel_loop3A_529 : f32 to vector<16xf32>
        %parallel_loop3A_531 = arith.cmpf ogt, %parallel_loop3A_527, %parallel_loop3A_530 : vector<16xf32>
        %parallel_loop3A_532 = arith.addf %gather3A_243, %parallel_loop3A_528 : vector<16xf32>
        %parallel_loop3A_533 = arith.divf %parallel_loop3A_528, %parallel_loop3A_532 : vector<16xf32>
        %parallel_loop3A_534 = arith.mulf %parallel_loop3A_528, %div3A : vector<16xf32>
        %parallel_loop3A_535 = arith.select %parallel_loop3A_531, %parallel_loop3A_533, %parallel_loop3A_534 : vector<16xi1>, vector<16xf32>
        %parallel_loop3A_536 = arith.constant 16 : i32
        %parallel_loop3A_537 = arith.muli %parallel_loop3A_523, %parallel_loop3A_536 : i32
        %parallel_loop3A_538 = arith.index_cast %parallel_loop3A_537 : i32 to index
        %parallel_loop3A_539 = tpu.vector_load %arg5[%parallel_loop3A_538] {strides = array<i32>} : memref<32768xf32, #tpu.memory_space<vmem>>, vector<16xf32>,
        tpu.vector_store %arg5[%parallel_loop3A_538], %parallel_loop3A_535 {strides = array<i32>} : memref<32768xf32, #tpu.memory_space<vmem>>, vector<16xf32>,
      } {sc.loop_unroll_factor = 8 : i64, sc.parallel_access}
      %dma_start3A_326 = arith.constant 2 : i32
      %dma_start3A_327 = arith.constant 8192 : i32
      %dma_start3A_328 = tpu.memref_slice %arg5[%dma_start3A_327] : memref<32768xf32, #tpu.memory_space<vmem>> -> memref<4096xf32, #tpu.memory_space<vmem>>
      %dma_start3A_329 = arith.constant 8192 : i32
      %dma_start3A_330 = tpu.memref_slice %arg3[%add3A, %dma_start3A_329] : memref<32x32768xf32, #tpu.memory_space<hbm>> -> memref<1x4096xf32, #tpu.memory_space<hbm>>
      %dma_start3A_331 = tpu.memref_squeeze %dma_start3A_330 : memref<1x4096xf32, #tpu.memory_space<hbm>> -> memref<4096xf32, #tpu.memory_space<hbm>>
      %dma_start3A_332 = tpu.memref_slice %arg7[%dma_start3A_326] : memref<8x!tpu.dma_semaphore, #tpu.memory_space<semaphore_mem>> -> memref<1x!tpu.dma_semaphore, #tpu.memory_space<semaphore_mem>>
      %dma_start3A_333 = tpu.memref_squeeze %dma_start3A_332 : memref<1x!tpu.dma_semaphore, #tpu.memory_space<semaphore_mem>> -> memref<!tpu.dma_semaphore, #tpu.memory_space<semaphore_mem>>
      %dma_start3A_334 = arith.constant 8192 : i32
      %dma_start3A_335 = tpu.memref_slice %arg3[%add3A, %dma_start3A_334] : memref<32x32768xf32, #tpu.memory_space<hbm>> -> memref<1x4096xf32, #tpu.memory_space<hbm>>
      %dma_start3A_336 = tpu.memref_squeeze %dma_start3A_335 : memref<1x4096xf32, #tpu.memory_space<hbm>> -> memref<4096xf32, #tpu.memory_space<hbm>>
      %dma_start3A_337 = arith.constant 8192 : i32
      %dma_start3A_338 = tpu.memref_slice %arg5[%dma_start3A_337] : memref<32768xf32, #tpu.memory_space<vmem>> -> memref<4096xf32, #tpu.memory_space<vmem>>
      tpu.enqueue_dma source(%dma_start3A_338 : memref<4096xf32, #tpu.memory_space<vmem>>) target(%dma_start3A_336 : memref<4096xf32, #tpu.memory_space<hbm>>) target_semaphore(%dma_start3A_333 : memref<!tpu.dma_semaphore, #tpu.memory_space<semaphore_mem>>)
      %parallel_loop3A_339 = arith.constant 768 : i32
      %parallel_loop3A_340 = arith.constant 1024 : i32
      %parallel_loop3A_341 = arith.constant 1 : i32
      scf.for %parallel_loop3A_523 = %parallel_loop3A_339 to %parallel_loop3A_340 step %parallel_loop3A_341  : i32 {
        %parallel_loop3A_524 = arith.constant 16 : i32
        %parallel_loop3A_525 = arith.muli %parallel_loop3A_523, %parallel_loop3A_524 : i32
        %parallel_loop3A_526 = arith.index_cast %parallel_loop3A_525 : i32 to index
        %parallel_loop3A_527 = tpu.vector_load %arg4[%parallel_loop3A_526] {strides = array<i32>} : memref<32768xf32, #tpu.memory_space<vmem>>, vector<16xf32>,
        %parallel_loop3A_528 = arith.mulf %parallel_loop3A_527, %parallel_loop3A_527 : vector<16xf32>
        %parallel_loop3A_529 = arith.constant 9.990000e-01 : f32
        %parallel_loop3A_530 = vector.broadcast %parallel_loop3A_529 : f32 to vector<16xf32>
        %parallel_loop3A_531 = arith.cmpf ogt, %parallel_loop3A_527, %parallel_loop3A_530 : vector<16xf32>
        %parallel_loop3A_532 = arith.addf %gather3A_243, %parallel_loop3A_528 : vector<16xf32>
        %parallel_loop3A_533 = arith.divf %parallel_loop3A_528, %parallel_loop3A_532 : vector<16xf32>
        %parallel_loop3A_534 = arith.mulf %parallel_loop3A_528, %div3A : vector<16xf32>
        %parallel_loop3A_535 = arith.select %parallel_loop3A_531, %parallel_loop3A_533, %parallel_loop3A_534 : vector<16xi1>, vector<16xf32>
        %parallel_loop3A_536 = arith.constant 16 : i32
        %parallel_loop3A_537 = arith.muli %parallel_loop3A_523, %parallel_loop3A_536 : i32
        %parallel_loop3A_538 = arith.index_cast %parallel_loop3A_537 : i32 to index
        %parallel_loop3A_539 = tpu.vector_load %arg5[%parallel_loop3A_538] {strides = array<i32>} : memref<32768xf32, #tpu.memory_space<vmem>>, vector<16xf32>,
        tpu.vector_store %arg5[%parallel_loop3A_538], %parallel_loop3A_535 {strides = array<i32>} : memref<32768xf32, #tpu.memory_space<vmem>>, vector<16xf32>,
      } {sc.loop_unroll_factor = 8 : i64, sc.parallel_access}
      %dma_start3A_342 = arith.constant 3 : i32
      %dma_start3A_343 = arith.constant 12288 : i32
      %dma_start3A_344 = tpu.memref_slice %arg5[%dma_start3A_343] : memref<32768xf32, #tpu.memory_space<vmem>> -> memref<4096xf32, #tpu.memory_space<vmem>>
      %dma_start3A_345 = arith.constant 12288 : i32
      %dma_start3A_346 = tpu.memref_slice %arg3[%add3A, %dma_start3A_345] : memref<32x32768xf32, #tpu.memory_space<hbm>> -> memref<1x4096xf32, #tpu.memory_space<hbm>>
      %dma_start3A_347 = tpu.memref_squeeze %dma_start3A_346 : memref<1x4096xf32, #tpu.memory_space<hbm>> -> memref<4096xf32, #tpu.memory_space<hbm>>
      %dma_start3A_348 = tpu.memref_slice %arg7[%dma_start3A_342] : memref<8x!tpu.dma_semaphore, #tpu.memory_space<semaphore_mem>> -> memref<1x!tpu.dma_semaphore, #tpu.memory_space<semaphore_mem>>
      %dma_start3A_349 = tpu.memref_squeeze %dma_start3A_348 : memref<1x!tpu.dma_semaphore, #tpu.memory_space<semaphore_mem>> -> memref<!tpu.dma_semaphore, #tpu.memory_space<semaphore_mem>>
      %dma_start3A_350 = arith.constant 12288 : i32
      %dma_start3A_351 = tpu.memref_slice %arg3[%add3A, %dma_start3A_350] : memref<32x32768xf32, #tpu.memory_space<hbm>> -> memref<1x4096xf32, #tpu.memory_space<hbm>>
      %dma_start3A_352 = tpu.memref_squeeze %dma_start3A_351 : memref<1x4096xf32, #tpu.memory_space<hbm>> -> memref<4096xf32, #tpu.memory_space<hbm>>
      %dma_start3A_353 = arith.constant 12288 : i32
      %dma_start3A_354 = tpu.memref_slice %arg5[%dma_start3A_353] : memref<32768xf32, #tpu.memory_space<vmem>> -> memref<4096xf32, #tpu.memory_space<vmem>>
      tpu.enqueue_dma source(%dma_start3A_354 : memref<4096xf32, #tpu.memory_space<vmem>>) target(%dma_start3A_352 : memref<4096xf32, #tpu.memory_space<hbm>>) target_semaphore(%dma_start3A_349 : memref<!tpu.dma_semaphore, #tpu.memory_space<semaphore_mem>>)
      %parallel_loop3A_355 = arith.constant 1024 : i32
      %parallel_loop3A_356 = arith.constant 1280 : i32
      %parallel_loop3A_357 = arith.constant 1 : i32
      scf.for %parallel_loop3A_523 = %parallel_loop3A_355 to %parallel_loop3A_356 step %parallel_loop3A_357  : i32 {
        %parallel_loop3A_524 = arith.constant 16 : i32
        %parallel_loop3A_525 = arith.muli %parallel_loop3A_523, %parallel_loop3A_524 : i32
        %parallel_loop3A_526 = arith.index_cast %parallel_loop3A_525 : i32 to index
        %parallel_loop3A_527 = tpu.vector_load %arg4[%parallel_loop3A_526] {strides = array<i32>} : memref<32768xf32, #tpu.memory_space<vmem>>, vector<16xf32>,
        %parallel_loop3A_528 = arith.mulf %parallel_loop3A_527, %parallel_loop3A_527 : vector<16xf32>
        %parallel_loop3A_529 = arith.constant 9.990000e-01 : f32
        %parallel_loop3A_530 = vector.broadcast %parallel_loop3A_529 : f32 to vector<16xf32>
        %parallel_loop3A_531 = arith.cmpf ogt, %parallel_loop3A_527, %parallel_loop3A_530 : vector<16xf32>
        %parallel_loop3A_532 = arith.addf %gather3A_243, %parallel_loop3A_528 : vector<16xf32>
        %parallel_loop3A_533 = arith.divf %parallel_loop3A_528, %parallel_loop3A_532 : vector<16xf32>
        %parallel_loop3A_534 = arith.mulf %parallel_loop3A_528, %div3A : vector<16xf32>
        %parallel_loop3A_535 = arith.select %parallel_loop3A_531, %parallel_loop3A_533, %parallel_loop3A_534 : vector<16xi1>, vector<16xf32>
        %parallel_loop3A_536 = arith.constant 16 : i32
        %parallel_loop3A_537 = arith.muli %parallel_loop3A_523, %parallel_loop3A_536 : i32
        %parallel_loop3A_538 = arith.index_cast %parallel_loop3A_537 : i32 to index
        %parallel_loop3A_539 = tpu.vector_load %arg5[%parallel_loop3A_538] {strides = array<i32>} : memref<32768xf32, #tpu.memory_space<vmem>>, vector<16xf32>,
        tpu.vector_store %arg5[%parallel_loop3A_538], %parallel_loop3A_535 {strides = array<i32>} : memref<32768xf32, #tpu.memory_space<vmem>>, vector<16xf32>,
      } {sc.loop_unroll_factor = 8 : i64, sc.parallel_access}
      %dma_start3A_358 = arith.constant 4 : i32
      %dma_start3A_359 = arith.constant 16384 : i32
      %dma_start3A_360 = tpu.memref_slice %arg5[%dma_start3A_359] : memref<32768xf32, #tpu.memory_space<vmem>> -> memref<4096xf32, #tpu.memory_space<vmem>>
      %dma_start3A_361 = arith.constant 16384 : i32
      %dma_start3A_362 = tpu.memref_slice %arg3[%add3A, %dma_start3A_361] : memref<32x32768xf32, #tpu.memory_space<hbm>> -> memref<1x4096xf32, #tpu.memory_space<hbm>>
      %dma_start3A_363 = tpu.memref_squeeze %dma_start3A_362 : memref<1x4096xf32, #tpu.memory_space<hbm>> -> memref<4096xf32, #tpu.memory_space<hbm>>
      %dma_start3A_364 = tpu.memref_slice %arg7[%dma_start3A_358] : memref<8x!tpu.dma_semaphore, #tpu.memory_space<semaphore_mem>> -> memref<1x!tpu.dma_semaphore, #tpu.memory_space<semaphore_mem>>
      %dma_start3A_365 = tpu.memref_squeeze %dma_start3A_364 : memref<1x!tpu.dma_semaphore, #tpu.memory_space<semaphore_mem>> -> memref<!tpu.dma_semaphore, #tpu.memory_space<semaphore_mem>>
      %dma_start3A_366 = arith.constant 16384 : i32
      %dma_start3A_367 = tpu.memref_slice %arg3[%add3A, %dma_start3A_366] : memref<32x32768xf32, #tpu.memory_space<hbm>> -> memref<1x4096xf32, #tpu.memory_space<hbm>>
      %dma_start3A_368 = tpu.memref_squeeze %dma_start3A_367 : memref<1x4096xf32, #tpu.memory_space<hbm>> -> memref<4096xf32, #tpu.memory_space<hbm>>
      %dma_start3A_369 = arith.constant 16384 : i32
      %dma_start3A_370 = tpu.memref_slice %arg5[%dma_start3A_369] : memref<32768xf32, #tpu.memory_space<vmem>> -> memref<4096xf32, #tpu.memory_space<vmem>>
      tpu.enqueue_dma source(%dma_start3A_370 : memref<4096xf32, #tpu.memory_space<vmem>>) target(%dma_start3A_368 : memref<4096xf32, #tpu.memory_space<hbm>>) target_semaphore(%dma_start3A_365 : memref<!tpu.dma_semaphore, #tpu.memory_space<semaphore_mem>>)
      %parallel_loop3A_371 = arith.constant 1280 : i32
      %parallel_loop3A_372 = arith.constant 1536 : i32
      %parallel_loop3A_373 = arith.constant 1 : i32
      scf.for %parallel_loop3A_523 = %parallel_loop3A_371 to %parallel_loop3A_372 step %parallel_loop3A_373  : i32 {
        %parallel_loop3A_524 = arith.constant 16 : i32
        %parallel_loop3A_525 = arith.muli %parallel_loop3A_523, %parallel_loop3A_524 : i32
        %parallel_loop3A_526 = arith.index_cast %parallel_loop3A_525 : i32 to index
        %parallel_loop3A_527 = tpu.vector_load %arg4[%parallel_loop3A_526] {strides = array<i32>} : memref<32768xf32, #tpu.memory_space<vmem>>, vector<16xf32>,
        %parallel_loop3A_528 = arith.mulf %parallel_loop3A_527, %parallel_loop3A_527 : vector<16xf32>
        %parallel_loop3A_529 = arith.constant 9.990000e-01 : f32
        %parallel_loop3A_530 = vector.broadcast %parallel_loop3A_529 : f32 to vector<16xf32>
        %parallel_loop3A_531 = arith.cmpf ogt, %parallel_loop3A_527, %parallel_loop3A_530 : vector<16xf32>
        %parallel_loop3A_532 = arith.addf %gather3A_243, %parallel_loop3A_528 : vector<16xf32>
        %parallel_loop3A_533 = arith.divf %parallel_loop3A_528, %parallel_loop3A_532 : vector<16xf32>
        %parallel_loop3A_534 = arith.mulf %parallel_loop3A_528, %div3A : vector<16xf32>
        %parallel_loop3A_535 = arith.select %parallel_loop3A_531, %parallel_loop3A_533, %parallel_loop3A_534 : vector<16xi1>, vector<16xf32>
        %parallel_loop3A_536 = arith.constant 16 : i32
        %parallel_loop3A_537 = arith.muli %parallel_loop3A_523, %parallel_loop3A_536 : i32
        %parallel_loop3A_538 = arith.index_cast %parallel_loop3A_537 : i32 to index
        %parallel_loop3A_539 = tpu.vector_load %arg5[%parallel_loop3A_538] {strides = array<i32>} : memref<32768xf32, #tpu.memory_space<vmem>>, vector<16xf32>,
        tpu.vector_store %arg5[%parallel_loop3A_538], %parallel_loop3A_535 {strides = array<i32>} : memref<32768xf32, #tpu.memory_space<vmem>>, vector<16xf32>,
      } {sc.loop_unroll_factor = 8 : i64, sc.parallel_access}
      %dma_start3A_374 = arith.constant 5 : i32
      %dma_start3A_375 = arith.constant 20480 : i32
      %dma_start3A_376 = tpu.memref_slice %arg5[%dma_start3A_375] : memref<32768xf32, #tpu.memory_space<vmem>> -> memref<4096xf32, #tpu.memory_space<vmem>>
      %dma_start3A_377 = arith.constant 20480 : i32
      %dma_start3A_378 = tpu.memref_slice %arg3[%add3A, %dma_start3A_377] : memref<32x32768xf32, #tpu.memory_space<hbm>> -> memref<1x4096xf32, #tpu.memory_space<hbm>>
      %dma_start3A_379 = tpu.memref_squeeze %dma_start3A_378 : memref<1x4096xf32, #tpu.memory_space<hbm>> -> memref<4096xf32, #tpu.memory_space<hbm>>
      %dma_start3A_380 = tpu.memref_slice %arg7[%dma_start3A_374] : memref<8x!tpu.dma_semaphore, #tpu.memory_space<semaphore_mem>> -> memref<1x!tpu.dma_semaphore, #tpu.memory_space<semaphore_mem>>
      %dma_start3A_381 = tpu.memref_squeeze %dma_start3A_380 : memref<1x!tpu.dma_semaphore, #tpu.memory_space<semaphore_mem>> -> memref<!tpu.dma_semaphore, #tpu.memory_space<semaphore_mem>>
      %dma_start3A_382 = arith.constant 20480 : i32
      %dma_start3A_383 = tpu.memref_slice %arg3[%add3A, %dma_start3A_382] : memref<32x32768xf32, #tpu.memory_space<hbm>> -> memref<1x4096xf32, #tpu.memory_space<hbm>>
      %dma_start3A_384 = tpu.memref_squeeze %dma_start3A_383 : memref<1x4096xf32, #tpu.memory_space<hbm>> -> memref<4096xf32, #tpu.memory_space<hbm>>
      %dma_start3A_385 = arith.constant 20480 : i32
      %dma_start3A_386 = tpu.memref_slice %arg5[%dma_start3A_385] : memref<32768xf32, #tpu.memory_space<vmem>> -> memref<4096xf32, #tpu.memory_space<vmem>>
      tpu.enqueue_dma source(%dma_start3A_386 : memref<4096xf32, #tpu.memory_space<vmem>>) target(%dma_start3A_384 : memref<4096xf32, #tpu.memory_space<hbm>>) target_semaphore(%dma_start3A_381 : memref<!tpu.dma_semaphore, #tpu.memory_space<semaphore_mem>>)
      %parallel_loop3A_387 = arith.constant 1536 : i32
      %parallel_loop3A_388 = arith.constant 1792 : i32
      %parallel_loop3A_389 = arith.constant 1 : i32
      scf.for %parallel_loop3A_523 = %parallel_loop3A_387 to %parallel_loop3A_388 step %parallel_loop3A_389  : i32 {
        %parallel_loop3A_524 = arith.constant 16 : i32
        %parallel_loop3A_525 = arith.muli %parallel_loop3A_523, %parallel_loop3A_524 : i32
        %parallel_loop3A_526 = arith.index_cast %parallel_loop3A_525 : i32 to index
        %parallel_loop3A_527 = tpu.vector_load %arg4[%parallel_loop3A_526] {strides = array<i32>} : memref<32768xf32, #tpu.memory_space<vmem>>, vector<16xf32>,
        %parallel_loop3A_528 = arith.mulf %parallel_loop3A_527, %parallel_loop3A_527 : vector<16xf32>
        %parallel_loop3A_529 = arith.constant 9.990000e-01 : f32
        %parallel_loop3A_530 = vector.broadcast %parallel_loop3A_529 : f32 to vector<16xf32>
        %parallel_loop3A_531 = arith.cmpf ogt, %parallel_loop3A_527, %parallel_loop3A_530 : vector<16xf32>
        %parallel_loop3A_532 = arith.addf %gather3A_243, %parallel_loop3A_528 : vector<16xf32>
        %parallel_loop3A_533 = arith.divf %parallel_loop3A_528, %parallel_loop3A_532 : vector<16xf32>
        %parallel_loop3A_534 = arith.mulf %parallel_loop3A_528, %div3A : vector<16xf32>
        %parallel_loop3A_535 = arith.select %parallel_loop3A_531, %parallel_loop3A_533, %parallel_loop3A_534 : vector<16xi1>, vector<16xf32>
        %parallel_loop3A_536 = arith.constant 16 : i32
        %parallel_loop3A_537 = arith.muli %parallel_loop3A_523, %parallel_loop3A_536 : i32
        %parallel_loop3A_538 = arith.index_cast %parallel_loop3A_537 : i32 to index
        %parallel_loop3A_539 = tpu.vector_load %arg5[%parallel_loop3A_538] {strides = array<i32>} : memref<32768xf32, #tpu.memory_space<vmem>>, vector<16xf32>,
        tpu.vector_store %arg5[%parallel_loop3A_538], %parallel_loop3A_535 {strides = array<i32>} : memref<32768xf32, #tpu.memory_space<vmem>>, vector<16xf32>,
      } {sc.loop_unroll_factor = 8 : i64, sc.parallel_access}
      %dma_start3A_390 = arith.constant 6 : i32
      %dma_start3A_391 = arith.constant 24576 : i32
      %dma_start3A_392 = tpu.memref_slice %arg5[%dma_start3A_391] : memref<32768xf32, #tpu.memory_space<vmem>> -> memref<4096xf32, #tpu.memory_space<vmem>>
      %dma_start3A_393 = arith.constant 24576 : i32
      %dma_start3A_394 = tpu.memref_slice %arg3[%add3A, %dma_start3A_393] : memref<32x32768xf32, #tpu.memory_space<hbm>> -> memref<1x4096xf32, #tpu.memory_space<hbm>>
      %dma_start3A_395 = tpu.memref_squeeze %dma_start3A_394 : memref<1x4096xf32, #tpu.memory_space<hbm>> -> memref<4096xf32, #tpu.memory_space<hbm>>
      %dma_start3A_396 = tpu.memref_slice %arg7[%dma_start3A_390] : memref<8x!tpu.dma_semaphore, #tpu.memory_space<semaphore_mem>> -> memref<1x!tpu.dma_semaphore, #tpu.memory_space<semaphore_mem>>
      %dma_start3A_397 = tpu.memref_squeeze %dma_start3A_396 : memref<1x!tpu.dma_semaphore, #tpu.memory_space<semaphore_mem>> -> memref<!tpu.dma_semaphore, #tpu.memory_space<semaphore_mem>>
      %dma_start3A_398 = arith.constant 24576 : i32
      %dma_start3A_399 = tpu.memref_slice %arg3[%add3A, %dma_start3A_398] : memref<32x32768xf32, #tpu.memory_space<hbm>> -> memref<1x4096xf32, #tpu.memory_space<hbm>>
      %dma_start3A_400 = tpu.memref_squeeze %dma_start3A_399 : memref<1x4096xf32, #tpu.memory_space<hbm>> -> memref<4096xf32, #tpu.memory_space<hbm>>
      %dma_start3A_401 = arith.constant 24576 : i32
      %dma_start3A_402 = tpu.memref_slice %arg5[%dma_start3A_401] : memref<32768xf32, #tpu.memory_space<vmem>> -> memref<4096xf32, #tpu.memory_space<vmem>>
      tpu.enqueue_dma source(%dma_start3A_402 : memref<4096xf32, #tpu.memory_space<vmem>>) target(%dma_start3A_400 : memref<4096xf32, #tpu.memory_space<hbm>>) target_semaphore(%dma_start3A_397 : memref<!tpu.dma_semaphore, #tpu.memory_space<semaphore_mem>>)
      %parallel_loop3A_403 = arith.constant 1792 : i32
      %parallel_loop3A_404 = arith.constant 2048 : i32
      %parallel_loop3A_405 = arith.constant 1 : i32
      scf.for %parallel_loop3A_523 = %parallel_loop3A_403 to %parallel_loop3A_404 step %parallel_loop3A_405  : i32 {
        %parallel_loop3A_524 = arith.constant 16 : i32
        %parallel_loop3A_525 = arith.muli %parallel_loop3A_523, %parallel_loop3A_524 : i32
        %parallel_loop3A_526 = arith.index_cast %parallel_loop3A_525 : i32 to index
        %parallel_loop3A_527 = tpu.vector_load %arg4[%parallel_loop3A_526] {strides = array<i32>} : memref<32768xf32, #tpu.memory_space<vmem>>, vector<16xf32>,
        %parallel_loop3A_528 = arith.mulf %parallel_loop3A_527, %parallel_loop3A_527 : vector<16xf32>
        %parallel_loop3A_529 = arith.constant 9.990000e-01 : f32
        %parallel_loop3A_530 = vector.broadcast %parallel_loop3A_529 : f32 to vector<16xf32>
        %parallel_loop3A_531 = arith.cmpf ogt, %parallel_loop3A_527, %parallel_loop3A_530 : vector<16xf32>
        %parallel_loop3A_532 = arith.addf %gather3A_243, %parallel_loop3A_528 : vector<16xf32>
        %parallel_loop3A_533 = arith.divf %parallel_loop3A_528, %parallel_loop3A_532 : vector<16xf32>
        %parallel_loop3A_534 = arith.mulf %parallel_loop3A_528, %div3A : vector<16xf32>
        %parallel_loop3A_535 = arith.select %parallel_loop3A_531, %parallel_loop3A_533, %parallel_loop3A_534 : vector<16xi1>, vector<16xf32>
        %parallel_loop3A_536 = arith.constant 16 : i32
        %parallel_loop3A_537 = arith.muli %parallel_loop3A_523, %parallel_loop3A_536 : i32
        %parallel_loop3A_538 = arith.index_cast %parallel_loop3A_537 : i32 to index
        %parallel_loop3A_539 = tpu.vector_load %arg5[%parallel_loop3A_538] {strides = array<i32>} : memref<32768xf32, #tpu.memory_space<vmem>>, vector<16xf32>,
        tpu.vector_store %arg5[%parallel_loop3A_538], %parallel_loop3A_535 {strides = array<i32>} : memref<32768xf32, #tpu.memory_space<vmem>>, vector<16xf32>,
      } {sc.loop_unroll_factor = 8 : i64, sc.parallel_access}
      %dma_start3A_406 = arith.constant 7 : i32
      %dma_start3A_407 = arith.constant 28672 : i32
      %dma_start3A_408 = tpu.memref_slice %arg5[%dma_start3A_407] : memref<32768xf32, #tpu.memory_space<vmem>> -> memref<4096xf32, #tpu.memory_space<vmem>>
      %dma_start3A_409 = arith.constant 28672 : i32
      %dma_start3A_410 = tpu.memref_slice %arg3[%add3A, %dma_start3A_409] : memref<32x32768xf32, #tpu.memory_space<hbm>> -> memref<1x4096xf32, #tpu.memory_space<hbm>>
      %dma_start3A_411 = tpu.memref_squeeze %dma_start3A_410 : memref<1x4096xf32, #tpu.memory_space<hbm>> -> memref<4096xf32, #tpu.memory_space<hbm>>
      %dma_start3A_412 = tpu.memref_slice %arg7[%dma_start3A_406] : memref<8x!tpu.dma_semaphore, #tpu.memory_space<semaphore_mem>> -> memref<1x!tpu.dma_semaphore, #tpu.memory_space<semaphore_mem>>
      %dma_start3A_413 = tpu.memref_squeeze %dma_start3A_412 : memref<1x!tpu.dma_semaphore, #tpu.memory_space<semaphore_mem>> -> memref<!tpu.dma_semaphore, #tpu.memory_space<semaphore_mem>>
      %dma_start3A_414 = arith.constant 28672 : i32
      %dma_start3A_415 = tpu.memref_slice %arg3[%add3A, %dma_start3A_414] : memref<32x32768xf32, #tpu.memory_space<hbm>> -> memref<1x4096xf32, #tpu.memory_space<hbm>>
      %dma_start3A_416 = tpu.memref_squeeze %dma_start3A_415 : memref<1x4096xf32, #tpu.memory_space<hbm>> -> memref<4096xf32, #tpu.memory_space<hbm>>
      %dma_start3A_417 = arith.constant 28672 : i32
      %dma_start3A_418 = tpu.memref_slice %arg5[%dma_start3A_417] : memref<32768xf32, #tpu.memory_space<vmem>> -> memref<4096xf32, #tpu.memory_space<vmem>>
      tpu.enqueue_dma source(%dma_start3A_418 : memref<4096xf32, #tpu.memory_space<vmem>>) target(%dma_start3A_416 : memref<4096xf32, #tpu.memory_space<hbm>>) target_semaphore(%dma_start3A_413 : memref<!tpu.dma_semaphore, #tpu.memory_space<semaphore_mem>>)
      %dma_wait3A_419 = arith.constant 0 : i32
      %dma_wait3A_420 = arith.constant 0 : i32
      %dma_wait3A_421 = tpu.memref_slice %arg5[%dma_wait3A_420] : memref<32768xf32, #tpu.memory_space<vmem>> -> memref<4096xf32, #tpu.memory_space<vmem>>
      %dma_wait3A_422 = arith.constant 0 : i32
      %dma_wait3A_423 = tpu.memref_slice %arg3[%add3A, %dma_wait3A_422] : memref<32x32768xf32, #tpu.memory_space<hbm>> -> memref<1x4096xf32, #tpu.memory_space<hbm>>
      %dma_wait3A_424 = tpu.memref_squeeze %dma_wait3A_423 : memref<1x4096xf32, #tpu.memory_space<hbm>> -> memref<4096xf32, #tpu.memory_space<hbm>>
      %dma_wait3A_425 = tpu.memref_slice %arg7[%dma_wait3A_419] : memref<8x!tpu.dma_semaphore, #tpu.memory_space<semaphore_mem>> -> memref<1x!tpu.dma_semaphore, #tpu.memory_space<semaphore_mem>>
      %dma_wait3A_426 = tpu.memref_squeeze %dma_wait3A_425 : memref<1x!tpu.dma_semaphore, #tpu.memory_space<semaphore_mem>> -> memref<!tpu.dma_semaphore, #tpu.memory_space<semaphore_mem>>
      %dma_wait3A_427 = arith.constant 0 : i32
      %dma_wait3A_428 = tpu.memref_slice %arg3[%add3A, %dma_wait3A_427] : memref<32x32768xf32, #tpu.memory_space<hbm>> -> memref<1x4096xf32, #tpu.memory_space<hbm>>
      %dma_wait3A_429 = tpu.memref_squeeze %dma_wait3A_428 : memref<1x4096xf32, #tpu.memory_space<hbm>> -> memref<4096xf32, #tpu.memory_space<hbm>>
      %dma_wait3A_430 = arith.constant 0 : i32
      %dma_wait3A_431 = tpu.memref_slice %arg5[%dma_wait3A_430] : memref<32768xf32, #tpu.memory_space<vmem>> -> memref<4096xf32, #tpu.memory_space<vmem>>
      tpu.wait_dma2 semaphore(%dma_wait3A_426 : memref<!tpu.dma_semaphore, #tpu.memory_space<semaphore_mem>>) src(%dma_wait3A_431 : memref<4096xf32, #tpu.memory_space<vmem>>) dst(%dma_wait3A_429 : memref<4096xf32, #tpu.memory_space<hbm>>)
      %dma_wait3A_432 = arith.constant 1 : i32
      %dma_wait3A_433 = arith.constant 4096 : i32
      %dma_wait3A_434 = tpu.memref_slice %arg5[%dma_wait3A_433] : memref<32768xf32, #tpu.memory_space<vmem>> -> memref<4096xf32, #tpu.memory_space<vmem>>
      %dma_wait3A_435 = arith.constant 4096 : i32
      %dma_wait3A_436 = tpu.memref_slice %arg3[%add3A, %dma_wait3A_435] : memref<32x32768xf32, #tpu.memory_space<hbm>> -> memref<1x4096xf32, #tpu.memory_space<hbm>>
      %dma_wait3A_437 = tpu.memref_squeeze %dma_wait3A_436 : memref<1x4096xf32, #tpu.memory_space<hbm>> -> memref<4096xf32, #tpu.memory_space<hbm>>
      %dma_wait3A_438 = tpu.memref_slice %arg7[%dma_wait3A_432] : memref<8x!tpu.dma_semaphore, #tpu.memory_space<semaphore_mem>> -> memref<1x!tpu.dma_semaphore, #tpu.memory_space<semaphore_mem>>
      %dma_wait3A_439 = tpu.memref_squeeze %dma_wait3A_438 : memref<1x!tpu.dma_semaphore, #tpu.memory_space<semaphore_mem>> -> memref<!tpu.dma_semaphore, #tpu.memory_space<semaphore_mem>>
      %dma_wait3A_440 = arith.constant 4096 : i32
      %dma_wait3A_441 = tpu.memref_slice %arg3[%add3A, %dma_wait3A_440] : memref<32x32768xf32, #tpu.memory_space<hbm>> -> memref<1x4096xf32, #tpu.memory_space<hbm>>
      %dma_wait3A_442 = tpu.memref_squeeze %dma_wait3A_441 : memref<1x4096xf32, #tpu.memory_space<hbm>> -> memref<4096xf32, #tpu.memory_space<hbm>>
      %dma_wait3A_443 = arith.constant 4096 : i32
      %dma_wait3A_444 = tpu.memref_slice %arg5[%dma_wait3A_443] : memref<32768xf32, #tpu.memory_space<vmem>> -> memref<4096xf32, #tpu.memory_space<vmem>>
      tpu.wait_dma2 semaphore(%dma_wait3A_439 : memref<!tpu.dma_semaphore, #tpu.memory_space<semaphore_mem>>) src(%dma_wait3A_444 : memref<4096xf32, #tpu.memory_space<vmem>>) dst(%dma_wait3A_442 : memref<4096xf32, #tpu.memory_space<hbm>>)
      %dma_wait3A_445 = arith.constant 2 : i32
      %dma_wait3A_446 = arith.constant 8192 : i32
      %dma_wait3A_447 = tpu.memref_slice %arg5[%dma_wait3A_446] : memref<32768xf32, #tpu.memory_space<vmem>> -> memref<4096xf32, #tpu.memory_space<vmem>>
      %dma_wait3A_448 = arith.constant 8192 : i32
      %dma_wait3A_449 = tpu.memref_slice %arg3[%add3A, %dma_wait3A_448] : memref<32x32768xf32, #tpu.memory_space<hbm>> -> memref<1x4096xf32, #tpu.memory_space<hbm>>
      %dma_wait3A_450 = tpu.memref_squeeze %dma_wait3A_449 : memref<1x4096xf32, #tpu.memory_space<hbm>> -> memref<4096xf32, #tpu.memory_space<hbm>>
      %dma_wait3A_451 = tpu.memref_slice %arg7[%dma_wait3A_445] : memref<8x!tpu.dma_semaphore, #tpu.memory_space<semaphore_mem>> -> memref<1x!tpu.dma_semaphore, #tpu.memory_space<semaphore_mem>>
      %dma_wait3A_452 = tpu.memref_squeeze %dma_wait3A_451 : memref<1x!tpu.dma_semaphore, #tpu.memory_space<semaphore_mem>> -> memref<!tpu.dma_semaphore, #tpu.memory_space<semaphore_mem>>
      %dma_wait3A_453 = arith.constant 8192 : i32
      %dma_wait3A_454 = tpu.memref_slice %arg3[%add3A, %dma_wait3A_453] : memref<32x32768xf32, #tpu.memory_space<hbm>> -> memref<1x4096xf32, #tpu.memory_space<hbm>>
      %dma_wait3A_455 = tpu.memref_squeeze %dma_wait3A_454 : memref<1x4096xf32, #tpu.memory_space<hbm>> -> memref<4096xf32, #tpu.memory_space<hbm>>
      %dma_wait3A_456 = arith.constant 8192 : i32
      %dma_wait3A_457 = tpu.memref_slice %arg5[%dma_wait3A_456] : memref<32768xf32, #tpu.memory_space<vmem>> -> memref<4096xf32, #tpu.memory_space<vmem>>
      tpu.wait_dma2 semaphore(%dma_wait3A_452 : memref<!tpu.dma_semaphore, #tpu.memory_space<semaphore_mem>>) src(%dma_wait3A_457 : memref<4096xf32, #tpu.memory_space<vmem>>) dst(%dma_wait3A_455 : memref<4096xf32, #tpu.memory_space<hbm>>)
      %dma_wait3A_458 = arith.constant 3 : i32
      %dma_wait3A_459 = arith.constant 12288 : i32
      %dma_wait3A_460 = tpu.memref_slice %arg5[%dma_wait3A_459] : memref<32768xf32, #tpu.memory_space<vmem>> -> memref<4096xf32, #tpu.memory_space<vmem>>
      %dma_wait3A_461 = arith.constant 12288 : i32
      %dma_wait3A_462 = tpu.memref_slice %arg3[%add3A, %dma_wait3A_461] : memref<32x32768xf32, #tpu.memory_space<hbm>> -> memref<1x4096xf32, #tpu.memory_space<hbm>>
      %dma_wait3A_463 = tpu.memref_squeeze %dma_wait3A_462 : memref<1x4096xf32, #tpu.memory_space<hbm>> -> memref<4096xf32, #tpu.memory_space<hbm>>
      %dma_wait3A_464 = tpu.memref_slice %arg7[%dma_wait3A_458] : memref<8x!tpu.dma_semaphore, #tpu.memory_space<semaphore_mem>> -> memref<1x!tpu.dma_semaphore, #tpu.memory_space<semaphore_mem>>
      %dma_wait3A_465 = tpu.memref_squeeze %dma_wait3A_464 : memref<1x!tpu.dma_semaphore, #tpu.memory_space<semaphore_mem>> -> memref<!tpu.dma_semaphore, #tpu.memory_space<semaphore_mem>>
      %dma_wait3A_466 = arith.constant 12288 : i32
      %dma_wait3A_467 = tpu.memref_slice %arg3[%add3A, %dma_wait3A_466] : memref<32x32768xf32, #tpu.memory_space<hbm>> -> memref<1x4096xf32, #tpu.memory_space<hbm>>
      %dma_wait3A_468 = tpu.memref_squeeze %dma_wait3A_467 : memref<1x4096xf32, #tpu.memory_space<hbm>> -> memref<4096xf32, #tpu.memory_space<hbm>>
      %dma_wait3A_469 = arith.constant 12288 : i32
      %dma_wait3A_470 = tpu.memref_slice %arg5[%dma_wait3A_469] : memref<32768xf32, #tpu.memory_space<vmem>> -> memref<4096xf32, #tpu.memory_space<vmem>>
      tpu.wait_dma2 semaphore(%dma_wait3A_465 : memref<!tpu.dma_semaphore, #tpu.memory_space<semaphore_mem>>) src(%dma_wait3A_470 : memref<4096xf32, #tpu.memory_space<vmem>>) dst(%dma_wait3A_468 : memref<4096xf32, #tpu.memory_space<hbm>>)
      %dma_wait3A_471 = arith.constant 4 : i32
      %dma_wait3A_472 = arith.constant 16384 : i32
      %dma_wait3A_473 = tpu.memref_slice %arg5[%dma_wait3A_472] : memref<32768xf32, #tpu.memory_space<vmem>> -> memref<4096xf32, #tpu.memory_space<vmem>>
      %dma_wait3A_474 = arith.constant 16384 : i32
      %dma_wait3A_475 = tpu.memref_slice %arg3[%add3A, %dma_wait3A_474] : memref<32x32768xf32, #tpu.memory_space<hbm>> -> memref<1x4096xf32, #tpu.memory_space<hbm>>
      %dma_wait3A_476 = tpu.memref_squeeze %dma_wait3A_475 : memref<1x4096xf32, #tpu.memory_space<hbm>> -> memref<4096xf32, #tpu.memory_space<hbm>>
      %dma_wait3A_477 = tpu.memref_slice %arg7[%dma_wait3A_471] : memref<8x!tpu.dma_semaphore, #tpu.memory_space<semaphore_mem>> -> memref<1x!tpu.dma_semaphore, #tpu.memory_space<semaphore_mem>>
      %dma_wait3A_478 = tpu.memref_squeeze %dma_wait3A_477 : memref<1x!tpu.dma_semaphore, #tpu.memory_space<semaphore_mem>> -> memref<!tpu.dma_semaphore, #tpu.memory_space<semaphore_mem>>
      %dma_wait3A_479 = arith.constant 16384 : i32
      %dma_wait3A_480 = tpu.memref_slice %arg3[%add3A, %dma_wait3A_479] : memref<32x32768xf32, #tpu.memory_space<hbm>> -> memref<1x4096xf32, #tpu.memory_space<hbm>>
      %dma_wait3A_481 = tpu.memref_squeeze %dma_wait3A_480 : memref<1x4096xf32, #tpu.memory_space<hbm>> -> memref<4096xf32, #tpu.memory_space<hbm>>
      %dma_wait3A_482 = arith.constant 16384 : i32
      %dma_wait3A_483 = tpu.memref_slice %arg5[%dma_wait3A_482] : memref<32768xf32, #tpu.memory_space<vmem>> -> memref<4096xf32, #tpu.memory_space<vmem>>
      tpu.wait_dma2 semaphore(%dma_wait3A_478 : memref<!tpu.dma_semaphore, #tpu.memory_space<semaphore_mem>>) src(%dma_wait3A_483 : memref<4096xf32, #tpu.memory_space<vmem>>) dst(%dma_wait3A_481 : memref<4096xf32, #tpu.memory_space<hbm>>)
      %dma_wait3A_484 = arith.constant 5 : i32
      %dma_wait3A_485 = arith.constant 20480 : i32
      %dma_wait3A_486 = tpu.memref_slice %arg5[%dma_wait3A_485] : memref<32768xf32, #tpu.memory_space<vmem>> -> memref<4096xf32, #tpu.memory_space<vmem>>
      %dma_wait3A_487 = arith.constant 20480 : i32
      %dma_wait3A_488 = tpu.memref_slice %arg3[%add3A, %dma_wait3A_487] : memref<32x32768xf32, #tpu.memory_space<hbm>> -> memref<1x4096xf32, #tpu.memory_space<hbm>>
      %dma_wait3A_489 = tpu.memref_squeeze %dma_wait3A_488 : memref<1x4096xf32, #tpu.memory_space<hbm>> -> memref<4096xf32, #tpu.memory_space<hbm>>
      %dma_wait3A_490 = tpu.memref_slice %arg7[%dma_wait3A_484] : memref<8x!tpu.dma_semaphore, #tpu.memory_space<semaphore_mem>> -> memref<1x!tpu.dma_semaphore, #tpu.memory_space<semaphore_mem>>
      %dma_wait3A_491 = tpu.memref_squeeze %dma_wait3A_490 : memref<1x!tpu.dma_semaphore, #tpu.memory_space<semaphore_mem>> -> memref<!tpu.dma_semaphore, #tpu.memory_space<semaphore_mem>>
      %dma_wait3A_492 = arith.constant 20480 : i32
      %dma_wait3A_493 = tpu.memref_slice %arg3[%add3A, %dma_wait3A_492] : memref<32x32768xf32, #tpu.memory_space<hbm>> -> memref<1x4096xf32, #tpu.memory_space<hbm>>
      %dma_wait3A_494 = tpu.memref_squeeze %dma_wait3A_493 : memref<1x4096xf32, #tpu.memory_space<hbm>> -> memref<4096xf32, #tpu.memory_space<hbm>>
      %dma_wait3A_495 = arith.constant 20480 : i32
      %dma_wait3A_496 = tpu.memref_slice %arg5[%dma_wait3A_495] : memref<32768xf32, #tpu.memory_space<vmem>> -> memref<4096xf32, #tpu.memory_space<vmem>>
      tpu.wait_dma2 semaphore(%dma_wait3A_491 : memref<!tpu.dma_semaphore, #tpu.memory_space<semaphore_mem>>) src(%dma_wait3A_496 : memref<4096xf32, #tpu.memory_space<vmem>>) dst(%dma_wait3A_494 : memref<4096xf32, #tpu.memory_space<hbm>>)
      %dma_wait3A_497 = arith.constant 6 : i32
      %dma_wait3A_498 = arith.constant 24576 : i32
      %dma_wait3A_499 = tpu.memref_slice %arg5[%dma_wait3A_498] : memref<32768xf32, #tpu.memory_space<vmem>> -> memref<4096xf32, #tpu.memory_space<vmem>>
      %dma_wait3A_500 = arith.constant 24576 : i32
      %dma_wait3A_501 = tpu.memref_slice %arg3[%add3A, %dma_wait3A_500] : memref<32x32768xf32, #tpu.memory_space<hbm>> -> memref<1x4096xf32, #tpu.memory_space<hbm>>
      %dma_wait3A_502 = tpu.memref_squeeze %dma_wait3A_501 : memref<1x4096xf32, #tpu.memory_space<hbm>> -> memref<4096xf32, #tpu.memory_space<hbm>>
      %dma_wait3A_503 = tpu.memref_slice %arg7[%dma_wait3A_497] : memref<8x!tpu.dma_semaphore, #tpu.memory_space<semaphore_mem>> -> memref<1x!tpu.dma_semaphore, #tpu.memory_space<semaphore_mem>>
      %dma_wait3A_504 = tpu.memref_squeeze %dma_wait3A_503 : memref<1x!tpu.dma_semaphore, #tpu.memory_space<semaphore_mem>> -> memref<!tpu.dma_semaphore, #tpu.memory_space<semaphore_mem>>
      %dma_wait3A_505 = arith.constant 24576 : i32
      %dma_wait3A_506 = tpu.memref_slice %arg3[%add3A, %dma_wait3A_505] : memref<32x32768xf32, #tpu.memory_space<hbm>> -> memref<1x4096xf32, #tpu.memory_space<hbm>>
      %dma_wait3A_507 = tpu.memref_squeeze %dma_wait3A_506 : memref<1x4096xf32, #tpu.memory_space<hbm>> -> memref<4096xf32, #tpu.memory_space<hbm>>
      %dma_wait3A_508 = arith.constant 24576 : i32
      %dma_wait3A_509 = tpu.memref_slice %arg5[%dma_wait3A_508] : memref<32768xf32, #tpu.memory_space<vmem>> -> memref<4096xf32, #tpu.memory_space<vmem>>
      tpu.wait_dma2 semaphore(%dma_wait3A_504 : memref<!tpu.dma_semaphore, #tpu.memory_space<semaphore_mem>>) src(%dma_wait3A_509 : memref<4096xf32, #tpu.memory_space<vmem>>) dst(%dma_wait3A_507 : memref<4096xf32, #tpu.memory_space<hbm>>)
      %dma_wait3A_510 = arith.constant 7 : i32
      %dma_wait3A_511 = arith.constant 28672 : i32
      %dma_wait3A_512 = tpu.memref_slice %arg5[%dma_wait3A_511] : memref<32768xf32, #tpu.memory_space<vmem>> -> memref<4096xf32, #tpu.memory_space<vmem>>
      %dma_wait3A_513 = arith.constant 28672 : i32
      %dma_wait3A_514 = tpu.memref_slice %arg3[%add3A, %dma_wait3A_513] : memref<32x32768xf32, #tpu.memory_space<hbm>> -> memref<1x4096xf32, #tpu.memory_space<hbm>>
      %dma_wait3A_515 = tpu.memref_squeeze %dma_wait3A_514 : memref<1x4096xf32, #tpu.memory_space<hbm>> -> memref<4096xf32, #tpu.memory_space<hbm>>
      %dma_wait3A_516 = tpu.memref_slice %arg7[%dma_wait3A_510] : memref<8x!tpu.dma_semaphore, #tpu.memory_space<semaphore_mem>> -> memref<1x!tpu.dma_semaphore, #tpu.memory_space<semaphore_mem>>
      %dma_wait3A_517 = tpu.memref_squeeze %dma_wait3A_516 : memref<1x!tpu.dma_semaphore, #tpu.memory_space<semaphore_mem>> -> memref<!tpu.dma_semaphore, #tpu.memory_space<semaphore_mem>>
      %dma_wait3A_518 = arith.constant 28672 : i32
      %dma_wait3A_519 = tpu.memref_slice %arg3[%add3A, %dma_wait3A_518] : memref<32x32768xf32, #tpu.memory_space<hbm>> -> memref<1x4096xf32, #tpu.memory_space<hbm>>
      %dma_wait3A_520 = tpu.memref_squeeze %dma_wait3A_519 : memref<1x4096xf32, #tpu.memory_space<hbm>> -> memref<4096xf32, #tpu.memory_space<hbm>>
      %dma_wait3A_521 = arith.constant 28672 : i32
      %dma_wait3A_522 = tpu.memref_slice %arg5[%dma_wait3A_521] : memref<32768xf32, #tpu.memory_space<vmem>> -> memref<4096xf32, #tpu.memory_space<vmem>>
      tpu.wait_dma2 semaphore(%dma_wait3A_517 : memref<!tpu.dma_semaphore, #tpu.memory_space<semaphore_mem>>) src(%dma_wait3A_522 : memref<4096xf32, #tpu.memory_space<vmem>>) dst(%dma_wait3A_520 : memref<4096xf32, #tpu.memory_space<hbm>>)
    } else {
    }
    %not3A = arith.constant true
    %not3A_287 = arith.xori %reduce_or3A_283, %not3A : i1
    %convert_element_type3A_288 = arith.extui %not3A_287 : i1 to i32
    %cond3A_289 = arith.constant 0 : i32
    %cond3A_290 = arith.cmpi ne, %convert_element_type3A_288, %cond3A_289 : i32
    scf.if %cond3A_290 {
      "tpu.region"() ({
        %run_scoped3A = tpu.sem_alloc : memref<!tpu.dma_semaphore, #tpu.memory_space<semaphore_mem>>
        %dma_start3A_291 = arith.constant 0 : i32
        %dma_start3A_292 = tpu.memref_slice %arg3[%add3A, %dma_start3A_291] : memref<32x32768xf32, #tpu.memory_space<hbm>> -> memref<1x32768xf32, #tpu.memory_space<hbm>>
        %dma_start3A_293 = tpu.memref_squeeze %dma_start3A_292 : memref<1x32768xf32, #tpu.memory_space<hbm>> -> memref<32768xf32, #tpu.memory_space<hbm>>
        %dma_start3A_294 = arith.constant 0 : i32
        %dma_start3A_295 = tpu.memref_slice %arg3[%add3A, %dma_start3A_294] : memref<32x32768xf32, #tpu.memory_space<hbm>> -> memref<1x32768xf32, #tpu.memory_space<hbm>>
        %dma_start3A_296 = tpu.memref_squeeze %dma_start3A_295 : memref<1x32768xf32, #tpu.memory_space<hbm>> -> memref<32768xf32, #tpu.memory_space<hbm>>
        tpu.enqueue_dma source(%arg4 : memref<32768xf32, #tpu.memory_space<vmem>>) target(%dma_start3A_296 : memref<32768xf32, #tpu.memory_space<hbm>>) target_semaphore(%run_scoped3A : memref<!tpu.dma_semaphore, #tpu.memory_space<semaphore_mem>>)
        %dma_wait3A_297 = arith.constant 0 : i32
        %dma_wait3A_298 = tpu.memref_slice %arg3[%add3A, %dma_wait3A_297] : memref<32x32768xf32, #tpu.memory_space<hbm>> -> memref<1x32768xf32, #tpu.memory_space<hbm>>
        %dma_wait3A_299 = tpu.memref_squeeze %dma_wait3A_298 : memref<1x32768xf32, #tpu.memory_space<hbm>> -> memref<32768xf32, #tpu.memory_space<hbm>>
        %dma_wait3A_300 = arith.constant 0 : i32
        %dma_wait3A_301 = tpu.memref_slice %arg3[%add3A, %dma_wait3A_300] : memref<32x32768xf32, #tpu.memory_space<hbm>> -> memref<1x32768xf32, #tpu.memory_space<hbm>>
        %dma_wait3A_302 = tpu.memref_squeeze %dma_wait3A_301 : memref<1x32768xf32, #tpu.memory_space<hbm>> -> memref<32768xf32, #tpu.memory_space<hbm>>
        tpu.wait_dma2 semaphore(%run_scoped3A : memref<!tpu.dma_semaphore, #tpu.memory_space<semaphore_mem>>) src(%arg4 : memref<32768xf32, #tpu.memory_space<vmem>>) dst(%dma_wait3A_302 : memref<32768xf32, #tpu.memory_space<hbm>>)
        tpu.yield
      }) : () -> ()
    } else {
    }
    return
  }
}

</mosaic_0001>

<sc_bundles>
// kernel: _sharpen_multi.3.cloned.1.call-start
scs
__scs_entry_jumppad:
0x0: {  	(pc) =	sbr.rel $0x88, $3  }
0x1: {  	(tag) =	ssettag $0x0;
	lr =	simm.s32 $0x1  }
0x2: {  	[smem:$0x3FA0] =	sst lr;
	_ =	strace $0xD0000000  }
0x3: {  	_ = 	snop  }
0x4: {  	_ = 	snop  }
0x5: {  	_ = 	snop  }
0x6: {  	_ = 	snop  }
0x7: {  	_ = 	snop  }
__scs_overlays_trampoline_lowered:
0x8: {  	[smem:$0x3FAF] =	sst s0  }
0x9: {  	[smem:$0x3FB0] =	sst s1  }
0xa: {  	[smem:$0x3FB1] =	sst s2  }
0xb: {  	[smem:$0x3FB2] =	sst s3  }
0xc: {  	[smem:$0x3FB3] =	sst s4  }
0xd: {  	[smem:$0x3FB4] =	sst s5  }
0xe: {  	[smem:$0x3FB5] =	sst s6  }
0xf: {  	[smem:$0x3FB6] =	sst s7  }
0x10: {  	[smem:$0x3FB7] =	sst s8  }
0x11: {  	[smem:$0x3FB8] =	sst s9;
	s0 =	simm.s32 @!p0 $0x0  }
0x12: {  	s1 =	sld [smem:$0x3F9E];
	s0 =	simm.s32 @p0 $0x1  }
0x13: {  	[smem:$0x3FB9] =	sst s0;
	s0 =	simm.s32 @!p1 $0x0  }
0x14: {  	s2 =	sld [smem:$0x3F9D];
	s0 =	simm.s32 @p1 $0x1  }
0x15: {  	[smem:$0x3FBA] =	sst s0;
	s0 =	simm.s32 @!p2 $0x0  }
0x16: {  	s3 =	sld [smem:$0x3FDB];
	s0 =	simm.s32 @p2 $0x1  }
0x17: {  	s4 =	simm.s32 $0x1BF5;
	[smem:$0x3FBC] =	sst s0  }
0x18: {  	s0 =	sld [smem:$0x3F9F];
	_ =	swait.ge [sflag:s4], $0x0  }
0x19: {  	s7 =	sld [smem:$0x3FA0]  }
0x1a: {  	s8 =	sadd.s32 $0xFFFFE003, lr  }
0x1b: {  	s9 =	sadd.s32 $0xFFFFFEF7, lr;
	s5 =	simm.s32 $0xFFFFFFFF;
	p2 =	slt.u32 s8, $0xFFFFF086  }
0x1c: {  	p1 =	slt.u32 s9, $0xF7A;
	s5 =	simm.s32 @!p2 $0x0  }
0x1d: {  	s5 =	simm.s32 @p1 $0x1;
	p0 =	seq.s32 s7, s2  }
0x1e: {  	s7 =	smul.u32 @!p0 $0xF7A, s2;
	p2 =	seq.s32 @!p0 s5, $0x0  }
0x1f: {  	s9 =	smul.u32 $0xF7A, s1;
	s8 =	simm.s32 @!p0 $0x1BF5;
	p2 =	por !p2, p0  }
0x20: {  	[sflag:s8] =	ssyncset.s32 @!p0 $0xFFFFF086;
	s6 =	sadd.s32 @!p0 s3, s7;
	s7 =	simm.s32 @!p0 $0x108  }
0x21: {  	s3 =	sadd.s32 s3, s9;
	s6 =	sadd.s32 @!p0 $0x88, s6;
	s7 =	simm.s32 @p2 $0x1082  }
0x22: {  	[simem:s7], [sflag:s8] =	dma.local @!p0 [hbm:s6], $0xF7A  }
0x23: {  	s9 =	sor.u32 $0xD0000000, s2;
	s6 =	simm.s32 $0x108;
	_ =	swait.ge @!p0 [sflag:s8], $0x0  }
0x24: {  	s3 =	sadd.s32 $0x88, s3;
	s6 =	simm.s32 @!p1 $0x1082;
	[sflag:s4] =	ssyncset.s32 $0xFFFFF086  }
0x25: {  	[simem:s6], [sflag:s4] =	dma.local [hbm:s3], $0xF7A  }
0x26: {  	[smem:$0x3FA0] =	sst s1;
	(tag) =	ssettag s2;
	_ =	strace s9  }
0x27: {  	s1 =	sld [smem:$0x3FB0]  }
0x28: {  	s2 =	sld [smem:$0x3FB1]  }
0x29: {  	s4 =	sld [smem:$0x3FB3]  }
0x2a: {  	p0 =	seq.s32 s5, $0x0;
	s5 =	sld [smem:$0x3FB4]  }
0x2b: {  	s6 =	sld [smem:$0x3FB5]  }
0x2c: {  	s7 =	sld [smem:$0x3FB6]  }
0x2d: {  	s3 =	simm.s32 $0x108;
	s8 =	sld [smem:$0x3FB7]  }
0x2e: {  	s3 =	simm.s32 @!p0 $0x1082;
	s9 =	sld [smem:$0x3FB8]  }
0x2f: {  	lr =	sadd.s32 s0, s3;
	s0 =	sld [smem:$0x3FAF]  }
0x30: {  	s3 =	sld [smem:$0x3FB2]  }
0x31: {  	[smem:$0x3FBB] =	sst s10  }
0x32: {  	s10 =	sld [smem:$0x3FB9];
	_ =	sdelay $0x3  }
0x33: {  	p0 =	seq.s32 s10, $0x1;
	s10 =	sld [smem:$0x3FBB];
	_ =	sdelay $0x3  }
0x34: {  	[smem:$0x3FBB] =	sst s10  }
0x35: {  	s10 =	sld [smem:$0x3FBA];
	_ =	sdelay $0x3  }
0x36: {  	p1 =	seq.s32 s10, $0x1;
	s10 =	sld [smem:$0x3FBB];
	_ =	sdelay $0x3  }
0x37: {  	[smem:$0x3FBB] =	sst s10  }
0x38: {  	s10 =	sld [smem:$0x3FBC]  }
0x39: {  	_ = 	snop;
	(pc) =	sbr.ind lr, $3  }
0x3a: {  	_ = 	snop  }
0x3b: {  	_ = 	snop  }
0x3c: {  	p2 =	seq.s32 s10, $0x1;
	s10 =	sld [smem:$0x3FBB]  }
0x3d: {  	_ =	shalt  }
0x3e: {  	_ =	shalt  }
0x3f: {  	_ =	shalt  }
0x40: {  	_ =	shalt  }
0x41: {  	_ =	shalt  }
0x42: {  	_ =	shalt  }
0x43: {  	_ =	shalt  }
0x44: {  	_ =	shalt  }
0x45: {  	_ =	shalt  }
0x46: {  	_ =	shalt  }
0x47: {  	_ =	shalt  }
0x48: {  	_ =	shalt  }
0x49: {  	_ =	shalt  }
0x4a: {  	_ =	shalt  }
0x4b: {  	_ =	shalt  }
0x4c: {  	_ =	shalt  }
0x4d: {  	_ =	shalt  }
0x4e: {  	_ =	shalt  }
0x4f: {  	_ =	shalt  }
0x50: {  	_ =	shalt  }
0x51: {  	_ =	shalt  }
0x52: {  	_ =	shalt  }
0x53: {  	_ =	shalt  }
0x54: {  	_ =	shalt  }
0x55: {  	_ =	shalt  }
0x56: {  	_ =	shalt  }
0x57: {  	_ =	shalt  }
0x58: {  	_ =	shalt  }
0x59: {  	_ =	shalt  }
0x5a: {  	_ =	shalt  }
0x5b: {  	_ =	shalt  }
0x5c: {  	_ =	shalt  }
0x5d: {  	_ =	shalt  }
0x5e: {  	_ =	shalt  }
0x5f: {  	_ =	shalt  }
0x60: {  	_ =	shalt  }
0x61: {  	_ =	shalt  }
0x62: {  	_ =	shalt  }
0x63: {  	_ =	shalt  }
0x64: {  	_ =	shalt  }
0x65: {  	_ =	shalt  }
0x66: {  	_ =	shalt  }
0x67: {  	_ =	shalt  }
0x68: {  	_ =	shalt  }
0x69: {  	_ =	shalt  }
0x6a: {  	_ =	shalt  }
0x6b: {  	_ =	shalt  }
0x6c: {  	_ =	shalt  }
0x6d: {  	_ =	shalt  }
0x6e: {  	_ =	shalt  }
0x6f: {  	_ =	shalt  }
0x70: {  	_ =	shalt  }
0x71: {  	_ =	shalt  }
0x72: {  	_ =	shalt  }
0x73: {  	_ =	shalt  }
0x74: {  	_ =	shalt  }
0x75: {  	_ =	shalt  }
0x76: {  	_ =	shalt  }
0x77: {  	_ =	shalt  }
0x78: {  	_ =	shalt  }
0x79: {  	_ =	shalt  }
0x7a: {  	_ =	shalt  }
0x7b: {  	_ =	shalt  }
0x7c: {  	_ =	shalt  }
0x7d: {  	_ =	shalt  }
0x7e: {  	_ =	shalt  }
0x7f: {  	_ =	shalt  }
0x80: {  	_ =	shalt  }
0x81: {  	_ =	shalt  }
0x82: {  	_ =	shalt  }
0x83: {  	_ =	shalt  }
0x84: {  	_ =	shalt  }
0x85: {  	_ =	shalt  }
0x86: {  	_ =	shalt  }
0x87: {  	_ =	shalt  }
.Lfunc_end0:
.L_simem_size_0:
called_computation_lowered:
.L_overlay_start_0:
0x88: {  	s2 =	sld [smem:$0x3FD9]  }
0x89: {  	s3 =	sld [smem:$0x3FFE];
	_ =	sdelay $0x1  }
0x8a: {  	s1 =	srdreg.scid  }
0x8b: {  	s0 =	sand.u32 $0x1, s1  }
0x8c: {  	s18 =	sshll.u32 s0, $0xA;
	s2 =	sadd.s32 s3, s2  }
0x8d: {  	s2 =	sadd.s32 s2, s18  }
0x8e: {  	[smem:$0x3FC7] =	sst s2  }
0x8f: {  	_ = 	snop  }
0x90: {  	s2 =	sld [smem:$0x3FC9]  }
0x91: {  	s19 =	sld [smem:$0x3FD0];
	(tm) =	ssettm $0x1  }
0x92: {  	s4 =	sld [smem:$0x3FFB];
	_ =	sdelay $0x3  }
0x93: {  	_ =	strace s4  }
0x94: {  	s4 =	sld [smem:$0x3FFC];
	_ =	sdelay $0x3  }
0x95: {  	_ =	strace s4  }
0x96: {  	s4 =	sld [smem:$0x3FFD];
	_ =	sdelay $0x3  }
0x97: {  	_ =	strace s4  }
0x98: {  	_ =	strace $0x8FFFFFFF  }
0x99: {  	s20 =	sld [smem:$0x3FDB];
	_ =	sdelay $0x1  }
0x9a: {  	s5 =	simm.s32 $_scs_section_size  }
0x9b: {  	s6 =	simm.s32 $_size__tile_overlayer_lowered;
	s7 =	simm.s32 $_tile_overlayer_lowered  }
0x9c: {  	s23 =	simm.s32 $0x1BFF;
	s22 =	sshll.u32 s7, $0x1;
	s4 =	sadd.s32 s5, s20  }
0x9d: {  	s8 =	simm.s32 $0x0;
	s21 =	sshll.u32 s6, $0x1;
	s6 =	sadd.s32 s22, s4  }
0x9e: {  	[timem:s8], [sflag:s23] =	dma.local [hbm:s6], s21  }
0x9f: {  	_ =	swait.ge [sflag:s23], s21  }
0xa0: {  	s5 =	ssub.s32 $0x0, s21;
	[sflag:s23] =	ssyncset.done $0x0  }
0xa1: {  	[sflag:s23] =	ssyncadd.s32 s5;
	_ =	sdelay $0x1  }
0xa2: {  	s24 =	simm.s32 $0x1B8B  }
0xa3: {  	_ =	swait.ge [sflag:s24], $0x1  }
0xa4: {  	[sflag:s24] =	ssyncset.done $0x0  }
0xa5: {  	s25 =	simm.s32 $0x1B8E;
	[sflag:s24] =	ssyncadd.s32 $0xFFFFFFFF  }
0xa6: {  	s26 =	simm.s32 $execute0_lowered;
	[smem:$0x3FD2] =	sst s25  }
0xa7: {  	s5 =	sshll.u32 s26, $0x1;
	_ =	strace $0x80000046;
	[dreg:$0x1] =	wrdreg $0xFFFFFFFF  }
0xa8: {  	s28 =	simm.s32 $_size_execute0_lowered;
	s4 =	sadd.s32 s4, s5;
	[dreg:$0x0] =	wrdreg $0x0  }
0xa9: {  	s5 =	sshll.u32 s28, $0x1;
	[dreg:$0x2] =	wrdreg s4  }
0xaa: {  	[dreg:$0x3] =	wrdreg s5  }
0xab: {  	[dreg:$0x4] =	wrdreg $0xC0  }
0xac: {  	_ =	task [dreg:s8], $0x5FFFF  }
0xad: {  	[dreg:$0x1] =	wrdreg $0xFFFFFFFF  }
0xae: {  	[dreg:$0x0] =	wrdreg $0x60  }
0xaf: {  	[dreg:$0x2] =	wrdreg s2  }
0xb0: {  	[dreg:$0x3] =	wrdreg s19  }
0xb1: {  	[dreg:$0x4] =	wrdreg $0x9  }
0xb2: {  	_ =	task.clear_ibuf [dreg:s8], $0x5FFFF;
	_ =	strace $0x90000046  }
0xb3: {  	s29 =	simm.s32 $0x9;
	_ =	strace $0x80000048  }
0xb4: {  	_ =	swait.ge [sflag:s29], $0x1  }
0xb5: {  	[sflag:s29] =	ssyncadd.s32 $0xFFFFFFFF  }
0xb6: {  	_ =	strace $0x90000048  }
0xb7: {  	_ =	sfence  }
0xb8: {  	s30 =	sld [smem:$0x0];
	_ =	sdelay $0x2  }
0xb9: {  	s31 =	sshll.u32 s1, $0xD;
	s1 =	sshrl.u32 s1, $0x2  }
0xba: {  	s3 =	sand.u32 $0x4000, s31;
	s1 =	sadd.s32 s1, s30  }
0xbb: {  	s0 =	sor.u32 s3, s0;
	s1 =	sshll.u32 s1, $0x11  }
0xbc: {  	s0 =	sor.u32 s1, s0  }
0xbd: {  	s0 =	sadd.s32 $0x8F2B, s0  }
0xbe: {  	[sflag:s0] =	ssyncadd.remote.s32 $0x1  }
0xbf: {  	_ =	sfence.sel $0xFFFF  }
0xc0: {  	[dreg:$0x0] =	wrdreg $0xFFFFFFFF;
	(pc) =	sbr.abs _section_cstart, $3  }
0xc1: {  	[dreg:$0x1] =	wrdreg $0xFFFFFFFF  }
0xc2: {  	_ =	task.clear_ibuf [dreg:s8], $0x2FFFF;
	_ =	strace $0x9FFFFFFF  }
0xc3: {  	(tm) =	ssettm $0x7FFFFFFF  }
tec
execute0_lowered:
.L_overlay_start_1:
0x0: {  	(tag) =	ssettag $0x1  }
0x1: {  	s0 =	srdreg.scid;
	s10 =	rddreg [dreg:$0x0]  }
0x2: {  	s1 =	stileid.u32;
	s12 =	rddreg [dreg:$0x1];
	s2 =	simm.s32 $0x0  }
0x3: {  	s20 =	simm.s32 $0x80;
	s21 =	simm.s32 $0x400;
	s28 =	simm.s32 $0x2000  }
0x4: {  	s29 =	simm.s32 $0x3000;
	s30 =	simm.s32 $0x1;
	s31 =	simm.s32 $0x2  }
0x5: {  	s0 =	sand.u32 $0x1, s0;
	s1 =	sshll.u32 s1, $0x1;
	[smem:$0x7FF] =	sst s2  }
0x6: {  	s1 =	sor.u32 s0, s1;
	s0 =	ssub.s32 $0x2, s0;
	_ =	strace $0x80000047  }
0x7: {  	s8 =	sshll.u32 s1, $0xF;
	s1 =	sshll.u32 s1, $0x7;
	s4 =	sshrl.u32 s0, $0x1  }
0x8: {  	s3 =	sor.u32 s1, s8;
	s0 =	ssub.s32 s0, s4;
	s1 =	sand.u32 $0x380, s1  }
0x9: {  	s3 =	sand.u32 $0xC0380, s3;
	s1 =	sor.u32 s8, s1;
	s19 =	smax.u32 s0, $0x1  }
0xa: {  	s0 =	simm.s32 $0x4;
	s11 =	sshrl.u32 s3, $0x3;
	s1 =	sshrl.u32 s1, $0x3  }
0xb: {  	s13 =	sor.u32 $0x1000, s11;
	s3 =	sadd.s32 s10, s11;
	s14 =	sor.u32 $0x2000, s11  }
0xc: {  	s15 =	sor.u32 $0x3000, s11;
	s16 =	sor.u32 $0x4000, s11;
	s17 =	sor.u32 $0x5000, s11  }
0xd: {  	s18 =	sor.u32 $0x6000, s11;
	s1 =	sor.u32 $0x7000, s1;
	s11 =	sadd.s32 s12, s11  }
0xe: {  	s4 =	sadd.s32 s10, s13;
	s5 =	sadd.s32 s10, s14;
	s6 =	sadd.s32 s10, s15  }
0xf: {  	s7 =	sadd.s32 s10, s16;
	s8 =	sadd.s32 s10, s17;
	s13 =	sadd.s32 s12, s13  }
0x10: {  	s9 =	sadd.s32 s10, s18;
	s22 =	sadd.s32 s12, s14;
	[dreg:$0x3] =	wrdreg s13  }
0x11: {  	s10 =	sadd.s32 s10, s1;
	s23 =	sadd.s32 s12, s15;
	[dreg:$0x4] =	wrdreg s22  }
0x12: {  	s24 =	sadd.s32 s12, s16;
	s25 =	sadd.s32 s12, s17;
	[dreg:$0x5] =	wrdreg s23  }
0x13: {  	s26 =	sadd.s32 s12, s18;
	s1 =	sadd.s32 s12, s1;
	[dreg:$0x6] =	wrdreg s24  }
.Ltmp0:
0x14: {  	s14 =	simm.s32 $0xD;
	[dreg:$0x7] =	wrdreg s25;
	(pc) =	sbr.rel .LBB2_1-.Ltmp0, $4  }
0x15: {  	s15 =	simm.s32 $0xE;
	s16 =	simm.s32 $0xF;
	[dreg:$0x8] =	wrdreg s26  }
0x16: {  	s17 =	simm.s32 $0x10;
	s18 =	simm.s32 $0x0;
	[dreg:$0x9] =	wrdreg s1  }
0x17: {  	s13 =	simm.s32 $0x1000;
	s1 =	simm.s32 $0x3;
	s22 =	simm.s32 $0x5  }
0x18: {  	v0 =	vimm.f32 $0.0e+00;
	v1 =	vimm.s32 $0xF;
	s23 =	simm.s32 $0x6;
	s24 =	simm.s32 $0x7;
	s25 =	simm.s32 $0x8  }
.LBB2_40:
0x19: {  	[hbm4b:s11+s20] =	stream.strided.scatter [tilespmem:s2], [sflag:$0x11], $0x8000, s21, s20, $0x38;
	[tilespmem:$0x10000] =	vst v63  }
0x1a: {  	s12 =	simm.s32 $0x11  }
0x1b: {  	_ =	swait.ge [sflag:s12], $0x8000  }
0x1c: {  	[sflag:s12] =	ssyncset.done $0x0  }
0x1d: {  	[sflag:s12] =	ssyncadd.s32 $0xFFFF8000  }
.LBB2_41:
0x1e: {  	s18 =	sadd.s32 $0x1, s18  }
0x1f: {  	p0 =	sne.s32 s18, s19  }
.Ltmp1:
0x20: {  	_ = 	snop;
	(pc) =	sbr.rel @!p0 .LBB2_42-.Ltmp1, $1  }
0x21: {  	_ =	sdelay $0x3  }
.LBB2_1:
0x22: {  	[tilespmem:s2], [sflag:$0x1] =	stream.strided.gather [hbm4b:s3+s20], $0x1000, s21, s20, $0x38;
	[tilespmem:$0x10000] =	vst v63  }
0x23: {  	_ = 	snop  }
0x24: {  	[tilespmem:s13], [sflag:$0x2] =	stream.strided.gather [hbm4b:s4+s20], $0x1000, s21, s20, $0x38;
	[tilespmem:$0x10000] =	vst v63  }
0x25: {  	_ = 	snop  }
0x26: {  	[tilespmem:s28], [sflag:$0x3] =	stream.strided.gather [hbm4b:s5+s20], $0x1000, s21, s20, $0x38;
	[tilespmem:$0x10000] =	vst v63  }
0x27: {  	_ = 	snop  }
0x28: {  	[tilespmem:s29], [sflag:$0x4] =	stream.strided.gather [hbm4b:s6+s20], $0x1000, s21, s20, $0x38;
	[tilespmem:$0x10000] =	vst v63  }
0x29: {  	s12 =	simm.s32 $0x4000  }
0x2a: {  	[tilespmem:s12], [sflag:$0x5] =	stream.strided.gather [hbm4b:s7+s20], $0x1000, s21, s20, $0x38;
	[tilespmem:$0x10000] =	vst v63  }
0x2b: {  	s26 =	simm.s32 $0x5000  }
0x2c: {  	[tilespmem:s26], [sflag:$0x6] =	stream.strided.gather [hbm4b:s8+s20], $0x1000, s21, s20, $0x38;
	[tilespmem:$0x10000] =	vst v63  }
0x2d: {  	s26 =	simm.s32 $0x6000  }
0x2e: {  	[tilespmem:s26], [sflag:$0x7] =	stream.strided.gather [hbm4b:s9+s20], $0x1000, s21, s20, $0x38;
	[tilespmem:$0x10000] =	vst v63  }
0x2f: {  	s26 =	simm.s32 $0x7000  }
0x30: {  	[tilespmem:s26], [sflag:$0x8] =	stream.strided.gather [hbm4b:s10+s20], $0x1000, s21, s20, $0x38;
	[tilespmem:$0x10000] =	vst v63  }
0x31: {  	_ =	swait.ge [sflag:s30], $0x1000  }
0x32: {  	[sflag:s30] =	ssyncset.done $0x0  }
0x33: {  	s26 =	simm.s32 $0x40;
	[sflag:s30] =	ssyncadd.s32 $0xFFFFF000  }
0x34: {  	v3 =	vld [tilespmem:s26+$0x30]  }
0x35: {  	v8 =	vld [tilespmem:s26+$0x20]  }
0x36: {  	v6 =	vld [tilespmem:s26+$0x10]  }
0x37: {  	v2 =	vld [tilespmem:s26+$0x0]  }
0x38: {  	v11 =	vld [tilespmem:s26+$0xFFFFFFF0]  }
0x39: {  	v4 =	vld [tilespmem:s26+$0xFFFFFFC0]  }
0x3a: {  	v12 =	vld [tilespmem:s26+$0xFFFFFFE0]  }
0x3b: {  	v13 =	vld [tilespmem:s26+$0xFFFFFFD0];
	_ =	sdelay $0x1  }
0x3c: {  	v5 =	vmul.f32 v3, v3;
	v7 =	vmul.f32 v8, v8  }
0x3d: {  	v14 =	vmul.f32 v4, v4;
	v10 =	vmul.f32 v6, v6  }
0x3e: {  	vm0 =	vgt.f32 v4, $9.990000120e-01;
	v4 =	vmul.f32 v11, v11;
	v9 =	vmul.f32 v2, v2  }
0x3f: {  	v16 =	vmul.f32 v13, v13;
	v17 =	vmul.f32 v12, v12;
	v15 =	vsel vm0, $0x0, v14  }
0x40: {  	v18 =	vsel vm0, $0x3F800000, v0;
	vm0 =	vgt.f32 v13, $9.990000120e-01;
	v15 =	vadd.f32 v15, v0  }
0x41: {  	v13 =	vadd.f32 v14, v0;
	v14 =	vadd.f32 v18, v0;
	v62 =	vsel vm0, $0x0, v16  }
0x42: {  	v63 =	vsel vm0, $0x3F800000, v0;
	vm0 =	vgt.f32 v12, $9.990000120e-01;
	v15 =	vadd.f32 v62, v15  }
0x43: {  	v12 =	vadd.f32 v16, v13;
	v14 =	vadd.f32 v63, v14;
	v13 =	vsel vm0, $0x0, v17  }
0x44: {  	v13 =	vadd.f32 v13, v15;
	v15 =	vsel vm0, $0x3F800000, v0;
	vm0 =	vgt.f32 v11, $9.990000120e-01  }
0x45: {  	s12 =	simm.s32 $0x0;
	s26 =	simm.s32 $0xC0;
	v12 =	vadd.f32 v17, v12;
	v11 =	vadd.f32 v15, v14;
	v14 =	vsel vm0, $0x0, v4  }
.LBB2_2:
0x46: {  	v15 =	vld [tilespmem:s26+$0x30];
	v13 =	vadd.f32 v14, v13;
	v14 =	vsel vm0, $0x3F800000, v0;
	vm0 =	vgt.f32 v2, $9.990000120e-01  }
0x47: {  	v16 =	vld [tilespmem:s26+$0x20];
	v4 =	vadd.f32 v4, v12;
	v11 =	vadd.f32 v14, v11;
	v2 =	vsel vm0, $0x0, v9  }
0x48: {  	v12 =	vadd.f32 v2, v13;
	v13 =	vsel vm0, $0x3F800000, v0;
	vm0 =	vgt.f32 v6, $9.990000120e-01;
	v6 =	vld [tilespmem:s26+$0x10]  }
0x49: {  	v2 =	vld [tilespmem:s26+$0x0];
	v4 =	vadd.f32 v9, v4;
	v9 =	vadd.f32 v13, v11;
	v11 =	vsel vm0, $0x0, v10  }
0x4a: {  	v14 =	vld [tilespmem:s26+$0xFFFFFFF0];
	v11 =	vadd.f32 v11, v12;
	v12 =	vsel vm0, $0x3F800000, v0;
	vm0 =	vgt.f32 v8, $9.990000120e-01  }
0x4b: {  	v13 =	vld [tilespmem:s26+$0xFFFFFFC0];
	v4 =	vadd.f32 v10, v4;
	v9 =	vadd.f32 v12, v9;
	v17 =	vsel vm0, $0x0, v7  }
0x4c: {  	s12 =	sadd.s32 $0x8, s12;
	v12 =	vld [tilespmem:s26+$0xFFFFFFE0];
	v10 =	vadd.f32 v17, v11;
	v11 =	vsel vm0, $0x3F800000, v0;
	vm0 =	vgt.f32 v3, $9.990000120e-01;
	v3 =	vmovc v15;
	v8 =	vmovc v16  }
0x4d: {  	p0 =	slt.u32 s12, $0xF8;
	v17 =	vld [tilespmem:s26+$0xFFFFFFD0];
	v4 =	vadd.f32 v7, v4;
	v9 =	vadd.f32 v11, v9;
	v7 =	vsel vm0, $0x0, v5  }
0x4e: {  	v11 =	vmul.f32 v15, v3;
	v15 =	vadd.f32 v7, v10;
	v10 =	vsel vm0, $0x3F800000, v0  }
0x4f: {  	v7 =	vmul.f32 v16, v8;
	v16 =	vadd.f32 v5, v4;
	v18 =	vadd.f32 v10, v9  }
0x50: {  	v10 =	vmul.f32 v6, v6;
	v5 =	vmov v11;
	v19 =	vmul.f32 v13, v13  }
0x51: {  	v4 =	vmul.f32 v14, v14;
	v9 =	vmul.f32 v2, v2;
	vm0 =	vgt.f32 v13, $9.990000120e-01  }
0x52: {  	v20 =	vmul.f32 v12, v12;
	v11 =	vsel vm0, $0x0, v19;
	v13 =	vmul.f32 v17, v17  }
0x53: {  	v11 =	vadd.f32 v11, v15;
	v15 =	vsel vm0, $0x3F800000, v0;
	vm0 =	vgt.f32 v17, $9.990000120e-01  }
.Ltmp2:
0x54: {  	v16 =	vadd.f32 v19, v16;
	v15 =	vadd.f32 v15, v18;
	v17 =	vsel vm0, $0x0, v13;
	(pc) =	sbr.rel @p0 .LBB2_2-.Ltmp2, $4  }
0x55: {  	v11 =	vadd.f32 v17, v11;
	v17 =	vsel vm0, $0x3F800000, v0;
	vm0 =	vgt.f32 v12, $9.990000120e-01  }
0x56: {  	v12 =	vadd.f32 v13, v16;
	v15 =	vadd.f32 v17, v15;
	v13 =	vsel vm0, $0x0, v20  }
0x57: {  	v13 =	vadd.f32 v13, v11;
	v11 =	vsel vm0, $0x3F800000, v0;
	vm0 =	vgt.f32 v14, $9.990000120e-01  }
0x58: {  	s26 =	sadd.s32 $0x80, s26;
	v12 =	vadd.f32 v20, v12;
	v11 =	vadd.f32 v11, v15;
	v14 =	vsel vm0, $0x0, v4  }
0x59: {  	_ =	swait.ge [sflag:s31], $0x1000  }
0x5a: {  	[sflag:s31] =	ssyncset.done $0x0  }
0x5b: {  	s12 =	simm.s32 $0x1070;
	v13 =	vadd.f32 v14, v13;
	[sflag:s31] =	ssyncadd.s32 $0xFFFFF000  }
0x5c: {  	vm1 =	vgt.f32 v2, $9.990000120e-01;
	v14 =	vsel vm0, $0x3F800000, v0;
	vm0 =	vgt.f32 v6, $9.990000120e-01;
	v2 =	vld [tilespmem:s12+$0x0]  }
0x5d: {  	v12 =	vadd.f32 v4, v12;
	v15 =	vsel vm1, $0x0, v9;
	v11 =	vadd.f32 v14, v11;
	v4 =	vld [tilespmem:s12+$0xFFFFFFF0]  }
0x5e: {  	v14 =	vsel vm1, $0x3F800000, v0;
	vm1 =	vgt.f32 v8, $9.990000120e-01;
	v13 =	vadd.f32 v15, v13;
	v6 =	vld [tilespmem:s12+$0xFFFFFFE0]  }
0x5f: {  	v8 =	vsel vm0, $0x3F800000, v0;
	v15 =	vsel vm0, $0x0, v10;
	v12 =	vadd.f32 v9, v12;
	v9 =	vld [tilespmem:s12+$0xFFFFFFD0]  }
0x60: {  	vm0 =	vgt.f32 v3, $9.990000120e-01;
	v11 =	vadd.f32 v14, v11;
	v3 =	vld [tilespmem:s12+$0xFFFFFFB0];
	v13 =	vadd.f32 v15, v13  }
0x61: {  	v15 =	vld [tilespmem:s12+$0xFFFFFF90];
	v10 =	vadd.f32 v10, v12;
	v12 =	vsel vm1, $0x0, v7  }
0x62: {  	v14 =	vld [tilespmem:s12+$0xFFFFFFC0];
	v8 =	vadd.f32 v8, v11;
	v11 =	vadd.f32 v12, v13  }
0x63: {  	v12 =	vsel vm1, $0x3F800000, v0;
	v13 =	vld [tilespmem:s12+$0xFFFFFFA0];
	v7 =	vadd.f32 v7, v10;
	v10 =	vsel vm0, $0x0, v5  }
0x64: {  	v12 =	vadd.f32 v12, v8;
	v16 =	vadd.f32 v10, v11;
	v8 =	vmul.f32 v4, v4  }
0x65: {  	v10 =	vsel vm0, $0x3F800000, v0;
	v11 =	vmul.f32 v9, v9;
	v20 =	vmul.f32 v3, v3  }
0x66: {  	v17 =	vadd.f32 v5, v7;
	v7 =	vmul.f32 v2, v2;
	v18 =	vmul.f32 v15, v15  }
0x67: {  	v12 =	vadd.f32 v10, v12;
	v10 =	vmul.f32 v6, v6;
	vm0 =	vgt.f32 v15, $9.990000120e-01  }
0x68: {  	v5 =	vmul.f32 v14, v14;
	v15 =	vsel vm0, $0x0, v18;
	v19 =	vmul.f32 v13, v13  }
0x69: {  	v61 =	vsel vm0, $0x3F800000, v0;
	vm0 =	vgt.f32 v13, $9.990000120e-01;
	v15 =	vadd.f32 v15, v16  }
0x6a: {  	v13 =	vadd.f32 v18, v17;
	v12 =	vadd.f32 v61, v12;
	v62 =	vsel vm0, $0x0, v19  }
0x6b: {  	v63 =	vsel vm0, $0x3F800000, v0;
	vm0 =	vgt.f32 v3, $9.990000120e-01;
	v15 =	vadd.f32 v62, v15  }
0x6c: {  	v13 =	vadd.f32 v19, v13;
	v12 =	vadd.f32 v63, v12;
	v3 =	vsel vm0, $0x0, v20  }
0x6d: {  	v3 =	vadd.f32 v3, v15;
	v15 =	vsel vm0, $0x3F800000, v0;
	vm0 =	vgt.f32 v14, $9.990000120e-01  }
0x6e: {  	s26 =	simm.s32 $0x10F0;
	s12 =	simm.s32 $0x100;
	v13 =	vadd.f32 v20, v13;
	v12 =	vadd.f32 v15, v12;
	v14 =	vsel vm0, $0x0, v5  }
.LBB2_4:
0x6f: {  	v15 =	vld [tilespmem:s26+$0x0];
	v3 =	vadd.f32 v14, v3;
	v14 =	vsel vm0, $0x3F800000, v0;
	vm0 =	vgt.f32 v9, $9.990000120e-01  }
0x70: {  	v16 =	vld [tilespmem:s26+$0xFFFFFFF0];
	v5 =	vadd.f32 v5, v13;
	v12 =	vadd.f32 v14, v12;
	v9 =	vsel vm0, $0x0, v11  }
0x71: {  	v13 =	vsel vm0, $0x3F800000, v0;
	vm0 =	vgt.f32 v6, $9.990000120e-01;
	v3 =	vadd.f32 v9, v3;
	v6 =	vld [tilespmem:s26+$0xFFFFFFE0]  }
0x72: {  	v9 =	vld [tilespmem:s26+$0xFFFFFFD0];
	v5 =	vadd.f32 v11, v5;
	v11 =	vadd.f32 v13, v12;
	v12 =	vsel vm0, $0x0, v10  }
0x73: {  	v13 =	vld [tilespmem:s26+$0xFFFFFFC0];
	v3 =	vadd.f32 v12, v3;
	v12 =	vsel vm0, $0x3F800000, v0;
	vm0 =	vgt.f32 v4, $9.990000120e-01  }
0x74: {  	v14 =	vld [tilespmem:s26+$0xFFFFFF90];
	v5 =	vadd.f32 v10, v5;
	v10 =	vadd.f32 v12, v11;
	v17 =	vsel vm0, $0x0, v8  }
0x75: {  	s12 =	sadd.s32 $0x8, s12;
	v11 =	vsel vm0, $0x3F800000, v0;
	vm0 =	vgt.f32 v2, $9.990000120e-01;
	v2 =	vmovc v15;
	v12 =	vld [tilespmem:s26+$0xFFFFFFB0];
	v3 =	vadd.f32 v17, v3;
	v4 =	vmovc v16  }
0x76: {  	p0 =	slt.u32 s12, $0x1F8;
	v17 =	vld [tilespmem:s26+$0xFFFFFFA0];
	v5 =	vadd.f32 v8, v5;
	v10 =	vadd.f32 v11, v10;
	v8 =	vsel vm0, $0x0, v7  }
0x77: {  	v11 =	vmul.f32 v15, v2;
	v15 =	vsel vm0, $0x3F800000, v0;
	v3 =	vadd.f32 v8, v3  }
0x78: {  	v8 =	vmul.f32 v16, v4;
	v16 =	vadd.f32 v7, v5;
	v15 =	vadd.f32 v15, v10  }
0x79: {  	v10 =	vmul.f32 v6, v6;
	v7 =	vmov v11;
	v18 =	vmul.f32 v14, v14  }
0x7a: {  	v5 =	vmul.f32 v13, v13;
	v11 =	vmul.f32 v9, v9;
	vm0 =	vgt.f32 v14, $9.990000120e-01  }
0x7b: {  	v20 =	vmul.f32 v12, v12;
	v14 =	vsel vm0, $0x0, v18;
	v19 =	vmul.f32 v17, v17  }
0x7c: {  	v3 =	vadd.f32 v14, v3;
	v14 =	vsel vm0, $0x3F800000, v0;
	vm0 =	vgt.f32 v17, $9.990000120e-01  }
.Ltmp3:
0x7d: {  	v16 =	vadd.f32 v18, v16;
	v14 =	vadd.f32 v14, v15;
	v15 =	vsel vm0, $0x0, v19;
	(pc) =	sbr.rel @p0 .LBB2_4-.Ltmp3, $4  }
0x7e: {  	v3 =	vadd.f32 v15, v3;
	v15 =	vsel vm0, $0x3F800000, v0;
	vm0 =	vgt.f32 v12, $9.990000120e-01  }
0x7f: {  	v12 =	vadd.f32 v19, v16;
	v14 =	vadd.f32 v15, v14;
	v15 =	vsel vm0, $0x0, v20  }
0x80: {  	v3 =	vadd.f32 v15, v3;
	v15 =	vsel vm0, $0x3F800000, v0;
	vm0 =	vgt.f32 v13, $9.990000120e-01  }
0x81: {  	s26 =	sadd.s32 $0x80, s26;
	v13 =	vadd.f32 v20, v12;
	v12 =	vadd.f32 v15, v14;
	v14 =	vsel vm0, $0x0, v5  }
0x82: {  	_ =	swait.ge [sflag:s1], $0x1000  }
0x83: {  	[sflag:s1] =	ssyncset.done $0x0  }
0x84: {  	s12 =	simm.s32 $0x2070;
	[sflag:s1] =	ssyncadd.s32 $0xFFFFF000  }
0x85: {  	v14 =	vadd.f32 v14, v3;
	vm1 =	vgt.f32 v9, $9.990000120e-01;
	v9 =	vsel vm0, $0x3F800000, v0;
	v3 =	vld [tilespmem:s12+$0x0]  }
0x86: {  	vm0 =	vgt.f32 v6, $9.990000120e-01;
	v13 =	vadd.f32 v5, v13;
	v15 =	vsel vm1, $0x0, v11;
	v5 =	vld [tilespmem:s12+$0xFFFFFFF0]  }
0x87: {  	v12 =	vadd.f32 v9, v12;
	v14 =	vadd.f32 v15, v14;
	v15 =	vsel vm1, $0x3F800000, v0;
	v6 =	vld [tilespmem:s12+$0xFFFFFFE0]  }
0x88: {  	vm1 =	vgt.f32 v4, $9.990000120e-01;
	v11 =	vadd.f32 v11, v13;
	v13 =	vsel vm0, $0x0, v10;
	v9 =	vld [tilespmem:s12+$0xFFFFFFD0]  }
0x89: {  	v4 =	vsel vm0, $0x3F800000, v0;
	v12 =	vadd.f32 v15, v12;
	v15 =	vld [tilespmem:s12+$0xFFFFFF90];
	v13 =	vadd.f32 v13, v14  }
0x8a: {  	vm0 =	vgt.f32 v2, $9.990000120e-01;
	v2 =	vld [tilespmem:s12+$0xFFFFFFB0];
	v10 =	vadd.f32 v10, v11;
	v11 =	vsel vm1, $0x0, v8  }
0x8b: {  	v14 =	vld [tilespmem:s12+$0xFFFFFFC0];
	v4 =	vadd.f32 v4, v12;
	v11 =	vadd.f32 v11, v13  }
0x8c: {  	v12 =	vsel vm1, $0x3F800000, v0;
	v13 =	vld [tilespmem:s12+$0xFFFFFFA0];
	v8 =	vadd.f32 v8, v10;
	v10 =	vsel vm0, $0x0, v7  }
0x8d: {  	v4 =	vadd.f32 v12, v4;
	v12 =	vadd.f32 v10, v11;
	v10 =	vsel vm0, $0x3F800000, v0  }
0x8e: {  	v18 =	vmul.f32 v15, v15;
	vm0 =	vgt.f32 v15, $9.990000120e-01;
	v11 =	vmul.f32 v9, v9  }
0x8f: {  	v20 =	vmul.f32 v2, v2;
	v16 =	vadd.f32 v7, v8;
	v7 =	vmul.f32 v3, v3  }
0x90: {  	v8 =	vmul.f32 v5, v5;
	v17 =	vadd.f32 v10, v4;
	v10 =	vmul.f32 v6, v6  }
0x91: {  	v4 =	vmul.f32 v14, v14;
	v15 =	vsel vm0, $0x0, v18;
	v19 =	vmul.f32 v13, v13  }
0x92: {  	v12 =	vadd.f32 v15, v12;
	v15 =	vsel vm0, $0x3F800000, v0;
	vm0 =	vgt.f32 v13, $9.990000120e-01  }
0x93: {  	v13 =	vadd.f32 v18, v16;
	v15 =	vadd.f32 v15, v17;
	v62 =	vsel vm0, $0x0, v19  }
0x94: {  	v63 =	vsel vm0, $0x3F800000, v0;
	vm0 =	vgt.f32 v2, $9.990000120e-01;
	v12 =	vadd.f32 v62, v12  }
0x95: {  	v13 =	vadd.f32 v19, v13;
	v15 =	vadd.f32 v63, v15;
	v2 =	vsel vm0, $0x0, v20  }
0x96: {  	v2 =	vadd.f32 v2, v12;
	v12 =	vsel vm0, $0x3F800000, v0;
	vm0 =	vgt.f32 v14, $9.990000120e-01  }
0x97: {  	s26 =	simm.s32 $0x20F0;
	s12 =	simm.s32 $0x200;
	v13 =	vadd.f32 v20, v13;
	v12 =	vadd.f32 v12, v15;
	v14 =	vsel vm0, $0x0, v4  }
.LBB2_6:
0x98: {  	v15 =	vld [tilespmem:s26+$0x0];
	v2 =	vadd.f32 v14, v2;
	v14 =	vsel vm0, $0x3F800000, v0;
	vm0 =	vgt.f32 v9, $9.990000120e-01  }
0x99: {  	v16 =	vld [tilespmem:s26+$0xFFFFFFF0];
	v4 =	vadd.f32 v4, v13;
	v12 =	vadd.f32 v14, v12;
	v9 =	vsel vm0, $0x0, v11  }
0x9a: {  	v13 =	vsel vm0, $0x3F800000, v0;
	vm0 =	vgt.f32 v6, $9.990000120e-01;
	v2 =	vadd.f32 v9, v2;
	v6 =	vld [tilespmem:s26+$0xFFFFFFE0]  }
0x9b: {  	v9 =	vld [tilespmem:s26+$0xFFFFFFD0];
	v4 =	vadd.f32 v11, v4;
	v11 =	vadd.f32 v13, v12;
	v12 =	vsel vm0, $0x0, v10  }
0x9c: {  	v13 =	vld [tilespmem:s26+$0xFFFFFFC0];
	v2 =	vadd.f32 v12, v2;
	v12 =	vsel vm0, $0x3F800000, v0;
	vm0 =	vgt.f32 v5, $9.990000120e-01  }
0x9d: {  	v14 =	vld [tilespmem:s26+$0xFFFFFF90];
	v4 =	vadd.f32 v10, v4;
	v10 =	vadd.f32 v12, v11;
	v17 =	vsel vm0, $0x0, v8  }
0x9e: {  	s12 =	sadd.s32 $0x8, s12;
	v11 =	vsel vm0, $0x3F800000, v0;
	vm0 =	vgt.f32 v3, $9.990000120e-01;
	v3 =	vmovc v15;
	v12 =	vld [tilespmem:s26+$0xFFFFFFB0];
	v2 =	vadd.f32 v17, v2;
	v5 =	vmovc v16  }
0x9f: {  	p0 =	slt.u32 s12, $0x2F8;
	v17 =	vld [tilespmem:s26+$0xFFFFFFA0];
	v4 =	vadd.f32 v8, v4;
	v10 =	vadd.f32 v11, v10;
	v8 =	vsel vm0, $0x0, v7  }
0xa0: {  	v11 =	vmul.f32 v15, v3;
	v15 =	vsel vm0, $0x3F800000, v0;
	v2 =	vadd.f32 v8, v2  }
0xa1: {  	v8 =	vmul.f32 v16, v5;
	v16 =	vadd.f32 v7, v4;
	v15 =	vadd.f32 v15, v10  }
0xa2: {  	v10 =	vmul.f32 v6, v6;
	v7 =	vmov v11;
	v18 =	vmul.f32 v14, v14  }
0xa3: {  	v4 =	vmul.f32 v13, v13;
	v11 =	vmul.f32 v9, v9;
	vm0 =	vgt.f32 v14, $9.990000120e-01  }
0xa4: {  	v20 =	vmul.f32 v12, v12;
	v14 =	vsel vm0, $0x0, v18;
	v19 =	vmul.f32 v17, v17  }
0xa5: {  	v2 =	vadd.f32 v14, v2;
	v14 =	vsel vm0, $0x3F800000, v0;
	vm0 =	vgt.f32 v17, $9.990000120e-01  }
.Ltmp4:
0xa6: {  	v16 =	vadd.f32 v18, v16;
	v14 =	vadd.f32 v14, v15;
	v15 =	vsel vm0, $0x0, v19;
	(pc) =	sbr.rel @p0 .LBB2_6-.Ltmp4, $4  }
0xa7: {  	v2 =	vadd.f32 v15, v2;
	v15 =	vsel vm0, $0x3F800000, v0;
	vm0 =	vgt.f32 v12, $9.990000120e-01  }
0xa8: {  	v12 =	vadd.f32 v19, v16;
	v14 =	vadd.f32 v15, v14;
	v15 =	vsel vm0, $0x0, v20  }
0xa9: {  	v2 =	vadd.f32 v15, v2;
	v15 =	vsel vm0, $0x3F800000, v0;
	vm0 =	vgt.f32 v13, $9.990000120e-01  }
0xaa: {  	s26 =	sadd.s32 $0x80, s26;
	v13 =	vadd.f32 v20, v12;
	v12 =	vadd.f32 v15, v14;
	v14 =	vsel vm0, $0x0, v4  }
0xab: {  	_ =	swait.ge [sflag:s0], $0x1000  }
0xac: {  	[sflag:s0] =	ssyncset.done $0x0  }
0xad: {  	s12 =	simm.s32 $0x3070;
	[sflag:s0] =	ssyncadd.s32 $0xFFFFF000  }
0xae: {  	v14 =	vadd.f32 v14, v2;
	vm1 =	vgt.f32 v9, $9.990000120e-01;
	v9 =	vsel vm0, $0x3F800000, v0;
	v2 =	vld [tilespmem:s12+$0x0]  }
0xaf: {  	vm0 =	vgt.f32 v6, $9.990000120e-01;
	v13 =	vadd.f32 v4, v13;
	v15 =	vsel vm1, $0x0, v11;
	v4 =	vld [tilespmem:s12+$0xFFFFFFF0]  }
0xb0: {  	v12 =	vadd.f32 v9, v12;
	v14 =	vadd.f32 v15, v14;
	v15 =	vsel vm1, $0x3F800000, v0;
	v6 =	vld [tilespmem:s12+$0xFFFFFFE0]  }
0xb1: {  	vm1 =	vgt.f32 v5, $9.990000120e-01;
	v11 =	vadd.f32 v11, v13;
	v13 =	vsel vm0, $0x0, v10;
	v9 =	vld [tilespmem:s12+$0xFFFFFFD0]  }
0xb2: {  	v5 =	vsel vm0, $0x3F800000, v0;
	v12 =	vadd.f32 v15, v12;
	v15 =	vld [tilespmem:s12+$0xFFFFFF90];
	v13 =	vadd.f32 v13, v14  }
0xb3: {  	vm0 =	vgt.f32 v3, $9.990000120e-01;
	v3 =	vld [tilespmem:s12+$0xFFFFFFB0];
	v10 =	vadd.f32 v10, v11;
	v11 =	vsel vm1, $0x0, v8  }
0xb4: {  	v14 =	vld [tilespmem:s12+$0xFFFFFFC0];
	v5 =	vadd.f32 v5, v12;
	v11 =	vadd.f32 v11, v13  }
0xb5: {  	v12 =	vsel vm1, $0x3F800000, v0;
	v13 =	vld [tilespmem:s12+$0xFFFFFFA0];
	v8 =	vadd.f32 v8, v10;
	v10 =	vsel vm0, $0x0, v7  }
0xb6: {  	v5 =	vadd.f32 v12, v5;
	v12 =	vadd.f32 v10, v11;
	v10 =	vsel vm0, $0x3F800000, v0  }
0xb7: {  	v18 =	vmul.f32 v15, v15;
	vm0 =	vgt.f32 v15, $9.990000120e-01;
	v11 =	vmul.f32 v9, v9  }
0xb8: {  	v20 =	vmul.f32 v3, v3;
	v16 =	vadd.f32 v7, v8;
	v7 =	vmul.f32 v2, v2  }
0xb9: {  	v8 =	vmul.f32 v4, v4;
	v17 =	vadd.f32 v10, v5;
	v10 =	vmul.f32 v6, v6  }
0xba: {  	v5 =	vmul.f32 v14, v14;
	v15 =	vsel vm0, $0x0, v18;
	v19 =	vmul.f32 v13, v13  }
0xbb: {  	v12 =	vadd.f32 v15, v12;
	v15 =	vsel vm0, $0x3F800000, v0;
	vm0 =	vgt.f32 v13, $9.990000120e-01  }
0xbc: {  	v13 =	vadd.f32 v18, v16;
	v15 =	vadd.f32 v15, v17;
	v62 =	vsel vm0, $0x0, v19  }
0xbd: {  	v63 =	vsel vm0, $0x3F800000, v0;
	vm0 =	vgt.f32 v3, $9.990000120e-01;
	v12 =	vadd.f32 v62, v12  }
0xbe: {  	v13 =	vadd.f32 v19, v13;
	v15 =	vadd.f32 v63, v15;
	v3 =	vsel vm0, $0x0, v20  }
0xbf: {  	v3 =	vadd.f32 v3, v12;
	v12 =	vsel vm0, $0x3F800000, v0;
	vm0 =	vgt.f32 v14, $9.990000120e-01  }
0xc0: {  	s26 =	simm.s32 $0x30F0;
	s12 =	simm.s32 $0x300;
	v13 =	vadd.f32 v20, v13;
	v12 =	vadd.f32 v12, v15;
	v14 =	vsel vm0, $0x0, v5  }
.LBB2_8:
0xc1: {  	v15 =	vld [tilespmem:s26+$0x0];
	v3 =	vadd.f32 v14, v3;
	v14 =	vsel vm0, $0x3F800000, v0;
	vm0 =	vgt.f32 v9, $9.990000120e-01  }
0xc2: {  	v16 =	vld [tilespmem:s26+$0xFFFFFFF0];
	v5 =	vadd.f32 v5, v13;
	v12 =	vadd.f32 v14, v12;
	v9 =	vsel vm0, $0x0, v11  }
0xc3: {  	v13 =	vsel vm0, $0x3F800000, v0;
	vm0 =	vgt.f32 v6, $9.990000120e-01;
	v3 =	vadd.f32 v9, v3;
	v6 =	vld [tilespmem:s26+$0xFFFFFFE0]  }
0xc4: {  	v9 =	vld [tilespmem:s26+$0xFFFFFFD0];
	v5 =	vadd.f32 v11, v5;
	v11 =	vadd.f32 v13, v12;
	v12 =	vsel vm0, $0x0, v10  }
0xc5: {  	v13 =	vld [tilespmem:s26+$0xFFFFFFC0];
	v3 =	vadd.f32 v12, v3;
	v12 =	vsel vm0, $0x3F800000, v0;
	vm0 =	vgt.f32 v4, $9.990000120e-01  }
0xc6: {  	v14 =	vld [tilespmem:s26+$0xFFFFFF90];
	v5 =	vadd.f32 v10, v5;
	v10 =	vadd.f32 v12, v11;
	v17 =	vsel vm0, $0x0, v8  }
0xc7: {  	s12 =	sadd.s32 $0x8, s12;
	v11 =	vsel vm0, $0x3F800000, v0;
	vm0 =	vgt.f32 v2, $9.990000120e-01;
	v2 =	vmovc v15;
	v12 =	vld [tilespmem:s26+$0xFFFFFFB0];
	v3 =	vadd.f32 v17, v3;
	v4 =	vmovc v16  }
0xc8: {  	p0 =	slt.u32 s12, $0x3F8;
	v17 =	vld [tilespmem:s26+$0xFFFFFFA0];
	v5 =	vadd.f32 v8, v5;
	v10 =	vadd.f32 v11, v10;
	v8 =	vsel vm0, $0x0, v7  }
0xc9: {  	v11 =	vmul.f32 v15, v2;
	v15 =	vsel vm0, $0x3F800000, v0;
	v3 =	vadd.f32 v8, v3  }
0xca: {  	v8 =	vmul.f32 v16, v4;
	v16 =	vadd.f32 v7, v5;
	v15 =	vadd.f32 v15, v10  }
0xcb: {  	v10 =	vmul.f32 v6, v6;
	v7 =	vmov v11;
	v18 =	vmul.f32 v14, v14  }
0xcc: {  	v5 =	vmul.f32 v13, v13;
	v11 =	vmul.f32 v9, v9;
	vm0 =	vgt.f32 v14, $9.990000120e-01  }
0xcd: {  	v20 =	vmul.f32 v12, v12;
	v14 =	vsel vm0, $0x0, v18;
	v19 =	vmul.f32 v17, v17  }
0xce: {  	v3 =	vadd.f32 v14, v3;
	v14 =	vsel vm0, $0x3F800000, v0;
	vm0 =	vgt.f32 v17, $9.990000120e-01  }
.Ltmp5:
0xcf: {  	v16 =	vadd.f32 v18, v16;
	v14 =	vadd.f32 v14, v15;
	v15 =	vsel vm0, $0x0, v19;
	(pc) =	sbr.rel @p0 .LBB2_8-.Ltmp5, $4  }
0xd0: {  	v3 =	vadd.f32 v15, v3;
	v15 =	vsel vm0, $0x3F800000, v0;
	vm0 =	vgt.f32 v12, $9.990000120e-01  }
0xd1: {  	v12 =	vadd.f32 v19, v16;
	v14 =	vadd.f32 v15, v14;
	v15 =	vsel vm0, $0x0, v20  }
0xd2: {  	v3 =	vadd.f32 v15, v3;
	v15 =	vsel vm0, $0x3F800000, v0;
	vm0 =	vgt.f32 v13, $9.990000120e-01  }
0xd3: {  	s26 =	sadd.s32 $0x80, s26;
	v13 =	vadd.f32 v20, v12;
	v12 =	vadd.f32 v15, v14;
	v14 =	vsel vm0, $0x0, v5  }
0xd4: {  	_ =	swait.ge [sflag:s22], $0x1000  }
0xd5: {  	[sflag:s22] =	ssyncset.done $0x0  }
0xd6: {  	s12 =	simm.s32 $0x4070;
	[sflag:s22] =	ssyncadd.s32 $0xFFFFF000  }
0xd7: {  	v14 =	vadd.f32 v14, v3;
	vm1 =	vgt.f32 v9, $9.990000120e-01;
	v9 =	vsel vm0, $0x3F800000, v0;
	v3 =	vld [tilespmem:s12+$0x0]  }
0xd8: {  	vm0 =	vgt.f32 v6, $9.990000120e-01;
	v13 =	vadd.f32 v5, v13;
	v15 =	vsel vm1, $0x0, v11;
	v5 =	vld [tilespmem:s12+$0xFFFFFFF0]  }
0xd9: {  	v12 =	vadd.f32 v9, v12;
	v14 =	vadd.f32 v15, v14;
	v15 =	vsel vm1, $0x3F800000, v0;
	v6 =	vld [tilespmem:s12+$0xFFFFFFE0]  }
0xda: {  	vm1 =	vgt.f32 v4, $9.990000120e-01;
	v11 =	vadd.f32 v11, v13;
	v13 =	vsel vm0, $0x0, v10;
	v9 =	vld [tilespmem:s12+$0xFFFFFFD0]  }
0xdb: {  	v4 =	vsel vm0, $0x3F800000, v0;
	v12 =	vadd.f32 v15, v12;
	v15 =	vld [tilespmem:s12+$0xFFFFFF90];
	v13 =	vadd.f32 v13, v14  }
0xdc: {  	vm0 =	vgt.f32 v2, $9.990000120e-01;
	v2 =	vld [tilespmem:s12+$0xFFFFFFB0];
	v10 =	vadd.f32 v10, v11;
	v11 =	vsel vm1, $0x0, v8  }
0xdd: {  	v14 =	vld [tilespmem:s12+$0xFFFFFFC0];
	v4 =	vadd.f32 v4, v12;
	v11 =	vadd.f32 v11, v13  }
0xde: {  	v12 =	vsel vm1, $0x3F800000, v0;
	v13 =	vld [tilespmem:s12+$0xFFFFFFA0];
	v8 =	vadd.f32 v8, v10;
	v10 =	vsel vm0, $0x0, v7  }
0xdf: {  	v4 =	vadd.f32 v12, v4;
	v12 =	vadd.f32 v10, v11;
	v10 =	vsel vm0, $0x3F800000, v0  }
0xe0: {  	v18 =	vmul.f32 v15, v15;
	vm0 =	vgt.f32 v15, $9.990000120e-01;
	v11 =	vmul.f32 v9, v9  }
0xe1: {  	v20 =	vmul.f32 v2, v2;
	v16 =	vadd.f32 v7, v8;
	v7 =	vmul.f32 v3, v3  }
0xe2: {  	v8 =	vmul.f32 v5, v5;
	v17 =	vadd.f32 v10, v4;
	v10 =	vmul.f32 v6, v6  }
0xe3: {  	v4 =	vmul.f32 v14, v14;
	v15 =	vsel vm0, $0x0, v18;
	v19 =	vmul.f32 v13, v13  }
0xe4: {  	v12 =	vadd.f32 v15, v12;
	v15 =	vsel vm0, $0x3F800000, v0;
	vm0 =	vgt.f32 v13, $9.990000120e-01  }
0xe5: {  	v13 =	vadd.f32 v18, v16;
	v15 =	vadd.f32 v15, v17;
	v62 =	vsel vm0, $0x0, v19  }
0xe6: {  	v63 =	vsel vm0, $0x3F800000, v0;
	vm0 =	vgt.f32 v2, $9.990000120e-01;
	v12 =	vadd.f32 v62, v12  }
0xe7: {  	v13 =	vadd.f32 v19, v13;
	v15 =	vadd.f32 v63, v15;
	v2 =	vsel vm0, $0x0, v20  }
0xe8: {  	v2 =	vadd.f32 v2, v12;
	v12 =	vsel vm0, $0x3F800000, v0;
	vm0 =	vgt.f32 v14, $9.990000120e-01  }
0xe9: {  	s26 =	simm.s32 $0x40F0;
	s12 =	simm.s32 $0x400;
	v13 =	vadd.f32 v20, v13;
	v12 =	vadd.f32 v12, v15;
	v14 =	vsel vm0, $0x0, v4  }
.LBB2_10:
0xea: {  	v15 =	vld [tilespmem:s26+$0x0];
	v2 =	vadd.f32 v14, v2;
	v14 =	vsel vm0, $0x3F800000, v0;
	vm0 =	vgt.f32 v9, $9.990000120e-01  }
0xeb: {  	v16 =	vld [tilespmem:s26+$0xFFFFFFF0];
	v4 =	vadd.f32 v4, v13;
	v12 =	vadd.f32 v14, v12;
	v9 =	vsel vm0, $0x0, v11  }
0xec: {  	v13 =	vsel vm0, $0x3F800000, v0;
	vm0 =	vgt.f32 v6, $9.990000120e-01;
	v2 =	vadd.f32 v9, v2;
	v6 =	vld [tilespmem:s26+$0xFFFFFFE0]  }
0xed: {  	v9 =	vld [tilespmem:s26+$0xFFFFFFD0];
	v4 =	vadd.f32 v11, v4;
	v11 =	vadd.f32 v13, v12;
	v12 =	vsel vm0, $0x0, v10  }
0xee: {  	v13 =	vld [tilespmem:s26+$0xFFFFFFC0];
	v2 =	vadd.f32 v12, v2;
	v12 =	vsel vm0, $0x3F800000, v0;
	vm0 =	vgt.f32 v5, $9.990000120e-01  }
0xef: {  	v14 =	vld [tilespmem:s26+$0xFFFFFF90];
	v4 =	vadd.f32 v10, v4;
	v10 =	vadd.f32 v12, v11;
	v17 =	vsel vm0, $0x0, v8  }
0xf0: {  	s12 =	sadd.s32 $0x8, s12;
	v11 =	vsel vm0, $0x3F800000, v0;
	vm0 =	vgt.f32 v3, $9.990000120e-01;
	v3 =	vmovc v15;
	v12 =	vld [tilespmem:s26+$0xFFFFFFB0];
	v2 =	vadd.f32 v17, v2;
	v5 =	vmovc v16  }
0xf1: {  	p0 =	slt.u32 s12, $0x4F8;
	v17 =	vld [tilespmem:s26+$0xFFFFFFA0];
	v4 =	vadd.f32 v8, v4;
	v10 =	vadd.f32 v11, v10;
	v8 =	vsel vm0, $0x0, v7  }
0xf2: {  	v11 =	vmul.f32 v15, v3;
	v15 =	vsel vm0, $0x3F800000, v0;
	v2 =	vadd.f32 v8, v2  }
0xf3: {  	v8 =	vmul.f32 v16, v5;
	v16 =	vadd.f32 v7, v4;
	v15 =	vadd.f32 v15, v10  }
0xf4: {  	v10 =	vmul.f32 v6, v6;
	v7 =	vmov v11;
	v18 =	vmul.f32 v14, v14  }
0xf5: {  	v4 =	vmul.f32 v13, v13;
	v11 =	vmul.f32 v9, v9;
	vm0 =	vgt.f32 v14, $9.990000120e-01  }
0xf6: {  	v20 =	vmul.f32 v12, v12;
	v14 =	vsel vm0, $0x0, v18;
	v19 =	vmul.f32 v17, v17  }
0xf7: {  	v2 =	vadd.f32 v14, v2;
	v14 =	vsel vm0, $0x3F800000, v0;
	vm0 =	vgt.f32 v17, $9.990000120e-01  }
.Ltmp6:
0xf8: {  	v16 =	vadd.f32 v18, v16;
	v14 =	vadd.f32 v14, v15;
	v15 =	vsel vm0, $0x0, v19;
	(pc) =	sbr.rel @p0 .LBB2_10-.Ltmp6, $4  }
0xf9: {  	v2 =	vadd.f32 v15, v2;
	v15 =	vsel vm0, $0x3F800000, v0;
	vm0 =	vgt.f32 v12, $9.990000120e-01  }
0xfa: {  	v12 =	vadd.f32 v19, v16;
	v14 =	vadd.f32 v15, v14;
	v15 =	vsel vm0, $0x0, v20  }
0xfb: {  	v2 =	vadd.f32 v15, v2;
	v15 =	vsel vm0, $0x3F800000, v0;
	vm0 =	vgt.f32 v13, $9.990000120e-01  }
0xfc: {  	s26 =	sadd.s32 $0x80, s26;
	v13 =	vadd.f32 v20, v12;
	v12 =	vadd.f32 v15, v14;
	v14 =	vsel vm0, $0x0, v4  }
0xfd: {  	_ =	swait.ge [sflag:s23], $0x1000  }
0xfe: {  	[sflag:s23] =	ssyncset.done $0x0  }
0xff: {  	s12 =	simm.s32 $0x5070;
	[sflag:s23] =	ssyncadd.s32 $0xFFFFF000  }
0x100: {  	v14 =	vadd.f32 v14, v2;
	vm1 =	vgt.f32 v9, $9.990000120e-01;
	v9 =	vsel vm0, $0x3F800000, v0;
	v2 =	vld [tilespmem:s12+$0x0]  }
0x101: {  	vm0 =	vgt.f32 v6, $9.990000120e-01;
	v13 =	vadd.f32 v4, v13;
	v15 =	vsel vm1, $0x0, v11;
	v4 =	vld [tilespmem:s12+$0xFFFFFFF0]  }
0x102: {  	v12 =	vadd.f32 v9, v12;
	v14 =	vadd.f32 v15, v14;
	v15 =	vsel vm1, $0x3F800000, v0;
	v6 =	vld [tilespmem:s12+$0xFFFFFFE0]  }
0x103: {  	vm1 =	vgt.f32 v5, $9.990000120e-01;
	v11 =	vadd.f32 v11, v13;
	v13 =	vsel vm0, $0x0, v10;
	v9 =	vld [tilespmem:s12+$0xFFFFFFD0]  }
0x104: {  	v5 =	vsel vm0, $0x3F800000, v0;
	v12 =	vadd.f32 v15, v12;
	v15 =	vld [tilespmem:s12+$0xFFFFFF90];
	v13 =	vadd.f32 v13, v14  }
0x105: {  	vm0 =	vgt.f32 v3, $9.990000120e-01;
	v3 =	vld [tilespmem:s12+$0xFFFFFFB0];
	v10 =	vadd.f32 v10, v11;
	v11 =	vsel vm1, $0x0, v8  }
0x106: {  	v14 =	vld [tilespmem:s12+$0xFFFFFFC0];
	v5 =	vadd.f32 v5, v12;
	v11 =	vadd.f32 v11, v13  }
0x107: {  	v12 =	vsel vm1, $0x3F800000, v0;
	v13 =	vld [tilespmem:s12+$0xFFFFFFA0];
	v8 =	vadd.f32 v8, v10;
	v10 =	vsel vm0, $0x0, v7  }
0x108: {  	v5 =	vadd.f32 v12, v5;
	v12 =	vadd.f32 v10, v11;
	v10 =	vsel vm0, $0x3F800000, v0  }
0x109: {  	v18 =	vmul.f32 v15, v15;
	vm0 =	vgt.f32 v15, $9.990000120e-01;
	v11 =	vmul.f32 v9, v9  }
0x10a: {  	v20 =	vmul.f32 v3, v3;
	v16 =	vadd.f32 v7, v8;
	v7 =	vmul.f32 v2, v2  }
0x10b: {  	v8 =	vmul.f32 v4, v4;
	v17 =	vadd.f32 v10, v5;
	v10 =	vmul.f32 v6, v6  }
0x10c: {  	v5 =	vmul.f32 v14, v14;
	v15 =	vsel vm0, $0x0, v18;
	v19 =	vmul.f32 v13, v13  }
0x10d: {  	v12 =	vadd.f32 v15, v12;
	v15 =	vsel vm0, $0x3F800000, v0;
	vm0 =	vgt.f32 v13, $9.990000120e-01  }
0x10e: {  	v13 =	vadd.f32 v18, v16;
	v15 =	vadd.f32 v15, v17;
	v62 =	vsel vm0, $0x0, v19  }
0x10f: {  	v63 =	vsel vm0, $0x3F800000, v0;
	vm0 =	vgt.f32 v3, $9.990000120e-01;
	v12 =	vadd.f32 v62, v12  }
0x110: {  	v13 =	vadd.f32 v19, v13;
	v15 =	vadd.f32 v63, v15;
	v3 =	vsel vm0, $0x0, v20  }
0x111: {  	v3 =	vadd.f32 v3, v12;
	v12 =	vsel vm0, $0x3F800000, v0;
	vm0 =	vgt.f32 v14, $9.990000120e-01  }
0x112: {  	s26 =	simm.s32 $0x50F0;
	s12 =	simm.s32 $0x500;
	v13 =	vadd.f32 v20, v13;
	v12 =	vadd.f32 v12, v15;
	v14 =	vsel vm0, $0x0, v5  }
.LBB2_12:
0x113: {  	v15 =	vld [tilespmem:s26+$0x0];
	v3 =	vadd.f32 v14, v3;
	v14 =	vsel vm0, $0x3F800000, v0;
	vm0 =	vgt.f32 v9, $9.990000120e-01  }
0x114: {  	v16 =	vld [tilespmem:s26+$0xFFFFFFF0];
	v5 =	vadd.f32 v5, v13;
	v12 =	vadd.f32 v14, v12;
	v9 =	vsel vm0, $0x0, v11  }
0x115: {  	v13 =	vsel vm0, $0x3F800000, v0;
	vm0 =	vgt.f32 v6, $9.990000120e-01;
	v3 =	vadd.f32 v9, v3;
	v6 =	vld [tilespmem:s26+$0xFFFFFFE0]  }
0x116: {  	v9 =	vld [tilespmem:s26+$0xFFFFFFD0];
	v5 =	vadd.f32 v11, v5;
	v11 =	vadd.f32 v13, v12;
	v12 =	vsel vm0, $0x0, v10  }
0x117: {  	v13 =	vld [tilespmem:s26+$0xFFFFFFC0];
	v3 =	vadd.f32 v12, v3;
	v12 =	vsel vm0, $0x3F800000, v0;
	vm0 =	vgt.f32 v4, $9.990000120e-01  }
0x118: {  	v14 =	vld [tilespmem:s26+$0xFFFFFF90];
	v5 =	vadd.f32 v10, v5;
	v10 =	vadd.f32 v12, v11;
	v17 =	vsel vm0, $0x0, v8  }
0x119: {  	s12 =	sadd.s32 $0x8, s12;
	v11 =	vsel vm0, $0x3F800000, v0;
	vm0 =	vgt.f32 v2, $9.990000120e-01;
	v2 =	vmovc v15;
	v12 =	vld [tilespmem:s26+$0xFFFFFFB0];
	v3 =	vadd.f32 v17, v3;
	v4 =	vmovc v16  }
0x11a: {  	p0 =	slt.u32 s12, $0x5F8;
	v17 =	vld [tilespmem:s26+$0xFFFFFFA0];
	v5 =	vadd.f32 v8, v5;
	v10 =	vadd.f32 v11, v10;
	v8 =	vsel vm0, $0x0, v7  }
0x11b: {  	v11 =	vmul.f32 v15, v2;
	v15 =	vsel vm0, $0x3F800000, v0;
	v3 =	vadd.f32 v8, v3  }
0x11c: {  	v8 =	vmul.f32 v16, v4;
	v16 =	vadd.f32 v7, v5;
	v15 =	vadd.f32 v15, v10  }
0x11d: {  	v10 =	vmul.f32 v6, v6;
	v7 =	vmov v11;
	v18 =	vmul.f32 v14, v14  }
0x11e: {  	v5 =	vmul.f32 v13, v13;
	v11 =	vmul.f32 v9, v9;
	vm0 =	vgt.f32 v14, $9.990000120e-01  }
0x11f: {  	v20 =	vmul.f32 v12, v12;
	v14 =	vsel vm0, $0x0, v18;
	v19 =	vmul.f32 v17, v17  }
0x120: {  	v3 =	vadd.f32 v14, v3;
	v14 =	vsel vm0, $0x3F800000, v0;
	vm0 =	vgt.f32 v17, $9.990000120e-01  }
.Ltmp7:
0x121: {  	v16 =	vadd.f32 v18, v16;
	v14 =	vadd.f32 v14, v15;
	v15 =	vsel vm0, $0x0, v19;
	(pc) =	sbr.rel @p0 .LBB2_12-.Ltmp7, $4  }
0x122: {  	v3 =	vadd.f32 v15, v3;
	v15 =	vsel vm0, $0x3F800000, v0;
	vm0 =	vgt.f32 v12, $9.990000120e-01  }
0x123: {  	v12 =	vadd.f32 v19, v16;
	v14 =	vadd.f32 v15, v14;
	v15 =	vsel vm0, $0x0, v20  }
0x124: {  	v3 =	vadd.f32 v15, v3;
	v15 =	vsel vm0, $0x3F800000, v0;
	vm0 =	vgt.f32 v13, $9.990000120e-01  }
0x125: {  	s26 =	sadd.s32 $0x80, s26;
	v13 =	vadd.f32 v20, v12;
	v12 =	vadd.f32 v15, v14;
	v14 =	vsel vm0, $0x0, v5  }
0x126: {  	_ =	swait.ge [sflag:s24], $0x1000  }
0x127: {  	[sflag:s24] =	ssyncset.done $0x0  }
0x128: {  	s12 =	simm.s32 $0x6070;
	[sflag:s24] =	ssyncadd.s32 $0xFFFFF000  }
0x129: {  	v14 =	vadd.f32 v14, v3;
	vm1 =	vgt.f32 v9, $9.990000120e-01;
	v9 =	vsel vm0, $0x3F800000, v0;
	v3 =	vld [tilespmem:s12+$0x0]  }
0x12a: {  	vm0 =	vgt.f32 v6, $9.990000120e-01;
	v13 =	vadd.f32 v5, v13;
	v15 =	vsel vm1, $0x0, v11;
	v5 =	vld [tilespmem:s12+$0xFFFFFFF0]  }
0x12b: {  	v12 =	vadd.f32 v9, v12;
	v14 =	vadd.f32 v15, v14;
	v15 =	vsel vm1, $0x3F800000, v0;
	v6 =	vld [tilespmem:s12+$0xFFFFFFE0]  }
0x12c: {  	vm1 =	vgt.f32 v4, $9.990000120e-01;
	v11 =	vadd.f32 v11, v13;
	v13 =	vsel vm0, $0x0, v10;
	v9 =	vld [tilespmem:s12+$0xFFFFFFD0]  }
0x12d: {  	v4 =	vsel vm0, $0x3F800000, v0;
	v12 =	vadd.f32 v15, v12;
	v15 =	vld [tilespmem:s12+$0xFFFFFF90];
	v13 =	vadd.f32 v13, v14  }
0x12e: {  	vm0 =	vgt.f32 v2, $9.990000120e-01;
	v2 =	vld [tilespmem:s12+$0xFFFFFFB0];
	v10 =	vadd.f32 v10, v11;
	v11 =	vsel vm1, $0x0, v8  }
0x12f: {  	v14 =	vld [tilespmem:s12+$0xFFFFFFC0];
	v4 =	vadd.f32 v4, v12;
	v11 =	vadd.f32 v11, v13  }
0x130: {  	v12 =	vsel vm1, $0x3F800000, v0;
	v13 =	vld [tilespmem:s12+$0xFFFFFFA0];
	v8 =	vadd.f32 v8, v10;
	v10 =	vsel vm0, $0x0, v7  }
0x131: {  	v12 =	vadd.f32 v12, v4;
	v16 =	vadd.f32 v10, v11;
	v10 =	vsel vm0, $0x3F800000, v0  }
0x132: {  	v4 =	vmul.f32 v3, v3;
	v18 =	vmul.f32 v15, v15;
	vm0 =	vgt.f32 v15, $9.990000120e-01  }
0x133: {  	v11 =	vmul.f32 v9, v9;
	v20 =	vmul.f32 v2, v2;
	v17 =	vadd.f32 v7, v8  }
0x134: {  	v8 =	vmul.f32 v5, v5;
	v12 =	vadd.f32 v10, v12;
	v10 =	vmul.f32 v6, v6  }
0x135: {  	v7 =	vmul.f32 v14, v14;
	v15 =	vsel vm0, $0x0, v18;
	v19 =	vmul.f32 v13, v13  }
0x136: {  	v61 =	vsel vm0, $0x3F800000, v0;
	v15 =	vadd.f32 v15, v16;
	vm0 =	vgt.f32 v13, $9.990000120e-01  }
0x137: {  	v13 =	vadd.f32 v18, v17;
	v12 =	vadd.f32 v61, v12;
	v62 =	vsel vm0, $0x0, v19  }
0x138: {  	v63 =	vsel vm0, $0x3F800000, v0;
	vm0 =	vgt.f32 v2, $9.990000120e-01;
	v15 =	vadd.f32 v62, v15  }
0x139: {  	v13 =	vadd.f32 v19, v13;
	v12 =	vadd.f32 v63, v12;
	v2 =	vsel vm0, $0x0, v20  }
0x13a: {  	v2 =	vadd.f32 v2, v15;
	v15 =	vsel vm0, $0x3F800000, v0;
	vm0 =	vgt.f32 v14, $9.990000120e-01  }
0x13b: {  	s26 =	simm.s32 $0x60F0;
	s12 =	simm.s32 $0x600;
	v13 =	vadd.f32 v20, v13;
	v12 =	vadd.f32 v15, v12;
	v14 =	vsel vm0, $0x0, v7  }
.LBB2_14:
0x13c: {  	v15 =	vld [tilespmem:s26+$0x0];
	v2 =	vadd.f32 v14, v2;
	v14 =	vsel vm0, $0x3F800000, v0;
	vm0 =	vgt.f32 v9, $9.990000120e-01  }
0x13d: {  	v16 =	vld [tilespmem:s26+$0xFFFFFFF0];
	v7 =	vadd.f32 v7, v13;
	v12 =	vadd.f32 v14, v12;
	v9 =	vsel vm0, $0x0, v11  }
0x13e: {  	v13 =	vsel vm0, $0x3F800000, v0;
	vm0 =	vgt.f32 v6, $9.990000120e-01;
	v2 =	vadd.f32 v9, v2;
	v6 =	vld [tilespmem:s26+$0xFFFFFFE0]  }
0x13f: {  	v9 =	vld [tilespmem:s26+$0xFFFFFFD0];
	v7 =	vadd.f32 v11, v7;
	v11 =	vadd.f32 v13, v12;
	v12 =	vsel vm0, $0x0, v10  }
0x140: {  	v13 =	vld [tilespmem:s26+$0xFFFFFFC0];
	v2 =	vadd.f32 v12, v2;
	v12 =	vsel vm0, $0x3F800000, v0;
	vm0 =	vgt.f32 v5, $9.990000120e-01  }
0x141: {  	v14 =	vld [tilespmem:s26+$0xFFFFFF90];
	v7 =	vadd.f32 v10, v7;
	v10 =	vadd.f32 v12, v11;
	v17 =	vsel vm0, $0x0, v8  }
0x142: {  	s12 =	sadd.s32 $0x8, s12;
	v11 =	vsel vm0, $0x3F800000, v0;
	vm0 =	vgt.f32 v3, $9.990000120e-01;
	v3 =	vmovc v15;
	v12 =	vld [tilespmem:s26+$0xFFFFFFB0];
	v2 =	vadd.f32 v17, v2;
	v5 =	vmovc v16  }
0x143: {  	p0 =	slt.u32 s12, $0x6F8;
	v17 =	vld [tilespmem:s26+$0xFFFFFFA0];
	v7 =	vadd.f32 v8, v7;
	v10 =	vadd.f32 v11, v10;
	v8 =	vsel vm0, $0x0, v4  }
0x144: {  	v11 =	vmul.f32 v15, v3;
	v15 =	vsel vm0, $0x3F800000, v0;
	v2 =	vadd.f32 v8, v2  }
0x145: {  	v8 =	vmul.f32 v16, v5;
	v16 =	vadd.f32 v4, v7;
	v15 =	vadd.f32 v15, v10  }
0x146: {  	v10 =	vmul.f32 v6, v6;
	v4 =	vmov v11;
	v18 =	vmul.f32 v14, v14  }
0x147: {  	v7 =	vmul.f32 v13, v13;
	v11 =	vmul.f32 v9, v9;
	vm0 =	vgt.f32 v14, $9.990000120e-01  }
0x148: {  	v20 =	vmul.f32 v12, v12;
	v14 =	vsel vm0, $0x0, v18;
	v19 =	vmul.f32 v17, v17  }
0x149: {  	v2 =	vadd.f32 v14, v2;
	v14 =	vsel vm0, $0x3F800000, v0;
	vm0 =	vgt.f32 v17, $9.990000120e-01  }
.Ltmp8:
0x14a: {  	v16 =	vadd.f32 v18, v16;
	v14 =	vadd.f32 v14, v15;
	v15 =	vsel vm0, $0x0, v19;
	(pc) =	sbr.rel @p0 .LBB2_14-.Ltmp8, $4  }
0x14b: {  	v2 =	vadd.f32 v15, v2;
	v15 =	vsel vm0, $0x3F800000, v0;
	vm0 =	vgt.f32 v12, $9.990000120e-01  }
0x14c: {  	v12 =	vadd.f32 v19, v16;
	v14 =	vadd.f32 v15, v14;
	v15 =	vsel vm0, $0x0, v20  }
0x14d: {  	v2 =	vadd.f32 v15, v2;
	v15 =	vsel vm0, $0x3F800000, v0;
	vm0 =	vgt.f32 v13, $9.990000120e-01  }
0x14e: {  	s26 =	sadd.s32 $0x80, s26;
	v13 =	vadd.f32 v20, v12;
	v12 =	vadd.f32 v15, v14;
	v14 =	vsel vm0, $0x0, v7  }
0x14f: {  	_ =	swait.ge [sflag:s25], $0x1000  }
0x150: {  	[sflag:s25] =	ssyncset.done $0x0  }
0x151: {  	s12 =	simm.s32 $0x7070;
	[sflag:s25] =	ssyncadd.s32 $0xFFFFF000  }
0x152: {  	v14 =	vadd.f32 v14, v2;
	vm1 =	vgt.f32 v9, $9.990000120e-01;
	v2 =	vld [tilespmem:s12+$0x0]  }
0x153: {  	v9 =	vsel vm0, $0x3F800000, v0;
	v13 =	vadd.f32 v7, v13;
	v15 =	vsel vm1, $0x0, v11;
	v7 =	vld [tilespmem:s12+$0xFFFFFFF0]  }
0x154: {  	vm0 =	vgt.f32 v6, $9.990000120e-01;
	v12 =	vadd.f32 v9, v12;
	v14 =	vadd.f32 v15, v14;
	v6 =	vld [tilespmem:s12+$0xFFFFFFE0]  }
0x155: {  	v15 =	vsel vm1, $0x3F800000, v0;
	v11 =	vadd.f32 v11, v13;
	v13 =	vsel vm0, $0x0, v10;
	v9 =	vld [tilespmem:s12+$0xFFFFFFD0]  }
0x156: {  	vm1 =	vgt.f32 v5, $9.990000120e-01;
	v12 =	vadd.f32 v15, v12;
	v15 =	vld [tilespmem:s12+$0xFFFFFF90];
	v13 =	vadd.f32 v13, v14  }
0x157: {  	v5 =	vsel vm0, $0x3F800000, v0;
	v14 =	vld [tilespmem:s12+$0xFFFFFFC0];
	v10 =	vadd.f32 v10, v11;
	v11 =	vsel vm1, $0x0, v8  }
0x158: {  	vm0 =	vgt.f32 v3, $9.990000120e-01;
	v5 =	vadd.f32 v5, v12;
	v12 =	vld [tilespmem:s12+$0xFFFFFFB0];
	v11 =	vadd.f32 v11, v13  }
0x159: {  	v3 =	vsel vm1, $0x3F800000, v0;
	v13 =	vld [tilespmem:s12+$0xFFFFFFA0];
	v8 =	vadd.f32 v8, v10;
	v10 =	vsel vm0, $0x0, v4  }
0x15a: {  	v5 =	vadd.f32 v3, v5;
	v11 =	vadd.f32 v10, v11;
	v10 =	vsel vm0, $0x3F800000, v0  }
0x15b: {  	v3 =	vmul.f32 v2, v2;
	v18 =	vmul.f32 v15, v15;
	v16 =	vadd.f32 v4, v8  }
0x15c: {  	v4 =	vmul.f32 v7, v7;
	v17 =	vadd.f32 v10, v5;
	v5 =	vmul.f32 v6, v6  }
0x15d: {  	vm0 =	vgt.f32 v15, $9.990000120e-01;
	v10 =	vmul.f32 v14, v14;
	v8 =	vmul.f32 v9, v9  }
0x15e: {  	v15 =	vsel vm0, $0x0, v18;
	v20 =	vmul.f32 v12, v12;
	v19 =	vmul.f32 v13, v13  }
0x15f: {  	v11 =	vadd.f32 v15, v11;
	v15 =	vsel vm0, $0x3F800000, v0;
	vm0 =	vgt.f32 v13, $9.990000120e-01  }
0x160: {  	v13 =	vadd.f32 v18, v16;
	v15 =	vadd.f32 v15, v17;
	v61 =	vsel vm0, $0x0, v19  }
0x161: {  	v62 =	vsel vm0, $0x3F800000, v0;
	vm0 =	vgt.f32 v12, $9.990000120e-01;
	v11 =	vadd.f32 v61, v11  }
0x162: {  	v12 =	vadd.f32 v19, v13;
	v15 =	vadd.f32 v62, v15;
	v13 =	vsel vm0, $0x0, v20  }
0x163: {  	v63 =	vsel vm0, $0x3F800000, v0;
	vm0 =	vgt.f32 v14, $9.990000120e-01;
	v13 =	vadd.f32 v13, v11  }
0x164: {  	s26 =	simm.s32 $0x70F0;
	s12 =	simm.s32 $0x700;
	v14 =	vsel vm0, $0x0, v10;
	v11 =	vadd.f32 v20, v12;
	v12 =	vadd.f32 v63, v15  }
.LBB2_16:
0x165: {  	v15 =	vld [tilespmem:s26+$0x0];
	v13 =	vadd.f32 v14, v13;
	v14 =	vsel vm0, $0x3F800000, v0;
	vm0 =	vgt.f32 v9, $9.990000120e-01  }
0x166: {  	v16 =	vld [tilespmem:s26+$0xFFFFFFF0];
	v10 =	vadd.f32 v10, v11;
	v11 =	vadd.f32 v14, v12;
	v9 =	vsel vm0, $0x0, v8  }
0x167: {  	v12 =	vadd.f32 v9, v13;
	v13 =	vsel vm0, $0x3F800000, v0;
	vm0 =	vgt.f32 v6, $9.990000120e-01;
	v6 =	vld [tilespmem:s26+$0xFFFFFFE0]  }
0x168: {  	v9 =	vld [tilespmem:s26+$0xFFFFFFD0];
	v8 =	vadd.f32 v8, v10;
	v10 =	vadd.f32 v13, v11;
	v11 =	vsel vm0, $0x0, v5  }
0x169: {  	v14 =	vld [tilespmem:s26+$0xFFFFFFC0];
	v11 =	vadd.f32 v11, v12;
	v12 =	vsel vm0, $0x3F800000, v0;
	vm0 =	vgt.f32 v7, $9.990000120e-01  }
0x16a: {  	v13 =	vld [tilespmem:s26+$0xFFFFFF90];
	v5 =	vadd.f32 v5, v8;
	v8 =	vadd.f32 v12, v10;
	v17 =	vsel vm0, $0x0, v4  }
0x16b: {  	s12 =	sadd.s32 $0x8, s12;
	v12 =	vld [tilespmem:s26+$0xFFFFFFB0];
	v10 =	vadd.f32 v17, v11;
	v11 =	vsel vm0, $0x3F800000, v0;
	vm0 =	vgt.f32 v2, $9.990000120e-01;
	v2 =	vmovc v15;
	v7 =	vmovc v16  }
0x16c: {  	p0 =	slt.u32 s12, $0x7F8;
	v17 =	vld [tilespmem:s26+$0xFFFFFFA0];
	v5 =	vadd.f32 v4, v5;
	v8 =	vadd.f32 v11, v8;
	v4 =	vsel vm0, $0x0, v3  }
0x16d: {  	v11 =	vmul.f32 v15, v2;
	v15 =	vadd.f32 v4, v10;
	v10 =	vsel vm0, $0x3F800000, v0  }
0x16e: {  	v4 =	vmul.f32 v16, v7;
	v16 =	vadd.f32 v3, v5;
	v18 =	vadd.f32 v10, v8  }
0x16f: {  	v5 =	vmul.f32 v6, v6;
	v3 =	vmov v11;
	v19 =	vmul.f32 v13, v13  }
0x170: {  	v10 =	vmul.f32 v14, v14;
	v8 =	vmul.f32 v9, v9;
	vm0 =	vgt.f32 v13, $9.990000120e-01  }
0x171: {  	v20 =	vmul.f32 v12, v12;
	v11 =	vsel vm0, $0x0, v19;
	v13 =	vmul.f32 v17, v17  }
0x172: {  	v11 =	vadd.f32 v11, v15;
	v15 =	vsel vm0, $0x3F800000, v0;
	vm0 =	vgt.f32 v17, $9.990000120e-01  }
.Ltmp9:
0x173: {  	v16 =	vadd.f32 v19, v16;
	v15 =	vadd.f32 v15, v18;
	v17 =	vsel vm0, $0x0, v13;
	(pc) =	sbr.rel @p0 .LBB2_16-.Ltmp9, $4  }
0x174: {  	v11 =	vadd.f32 v17, v11;
	v17 =	vsel vm0, $0x3F800000, v0;
	vm0 =	vgt.f32 v12, $9.990000120e-01  }
0x175: {  	v12 =	vadd.f32 v13, v16;
	v15 =	vadd.f32 v17, v15;
	v13 =	vsel vm0, $0x0, v20  }
0x176: {  	v16 =	vsel vm0, $0x3F800000, v0;
	vm0 =	vgt.f32 v14, $9.990000120e-01;
	v13 =	vadd.f32 v13, v11  }
0x177: {  	s26 =	sadd.s32 $0x80, s26;
	v11 =	vadd.f32 v20, v12;
	v14 =	vsel vm0, $0x0, v10;
	v12 =	vadd.f32 v16, v15  }
0x178: {  	v13 =	vadd.f32 v14, v13;
	vm1 =	vgt.f32 v9, $9.990000120e-01  }
0x179: {  	v9 =	vsel vm1, $0x0, v8  }
0x17a: {  	vm2 =	vgt.f32 v6, $9.990000120e-01;
	v9 =	vadd.f32 v9, v13  }
0x17b: {  	v6 =	vsel vm2, $0x0, v5  }
0x17c: {  	vm3 =	vgt.f32 v7, $9.990000120e-01;
	v6 =	vadd.f32 v6, v9  }
0x17d: {  	v7 =	vsel vm3, $0x0, v4  }
0x17e: {  	vm4 =	vgt.f32 v2, $9.990000120e-01;
	v6 =	vadd.f32 v7, v6  }
0x17f: {  	v2 =	vsel vm4, $0x0, v3  }
0x180: {  	v2 =	vadd.f32 v2, v6;
	_ =	sdelay $0x1  }
0x181: {  	(xrf2) =	vadd.scan.msk.f32 $0xffff, v2;
	_ =	sdelay $0x9  }
0x182: {  	v2, _, _ =	vpop (xrf2)  }
0x183: {  	v2 =	vperm.xlane v2, v1;
	_ =	sdelay $0x1  }
0x184: {  	v6 =	vimm.f32 $0.0e+00;
	vm5 =	vgt.f32 v2, $1.000000000e+03  }
0x185: {  	v7 =	vsel vm5, $0x3F800000, v6  }
0x186: {  	(xrf0) =	vmax.scan.msk.f32 $0xffff, v7;
	_ =	sdelay $0x5  }
0x187: {  	v60 =	vadd.f32 v10, v11;
	v7 =	vsel vm0, $0x3F800000, v0;
	v62, _, _ =	vpop (xrf0)  }
0x188: {  	v7 =	vadd.f32 v7, v12;
	(v2sf) =	vpush v62, $0xF  }
0x189: {  	v61 =	vsel vm1, $0x3F800000, v0;
	v8 =	vadd.f32 v8, v60  }
0x18a: {  	v7 =	vadd.f32 v61, v7  }
0x18b: {  	v63 =	vsel vm2, $0x3F800000, v0;
	v5 =	vadd.f32 v5, v8  }
0x18c: {  	v7 =	vadd.f32 v63, v7  }
0x18d: {  	v8 =	vsel vm3, $0x3F800000, v0;
	v4 =	vadd.f32 v4, v5  }
0x18e: {  	v5 =	vadd.f32 v8, v7  }
0x18f: {  	v3 =	vadd.f32 v3, v4;
	v7 =	vsel vm4, $0x3F800000, v0  }
0x190: {  	v4 =	vadd.f32 v7, v5  }
0x191: {  	(xrf2) =	vadd.scan.msk.f32 $0xffff, v3  }
0x192: {  	(xrf2) =	vadd.scan.msk.f32 $0xffff, v4;
	_ =	sdelay $0x4  }
0x193: {  	s12 =	spop (v2sf)  }
0x194: {  	p0 =	sgt.f32 s12, $0.0e+00  }
.Ltmp10:
0x195: {  	_ = 	snop;
	(pc) =	sbr.rel @!p0 .LBB2_19-.Ltmp10, $4  }
0x196: {  	_ = 	snop  }
0x197: {  	v4, _, _ =	vpop (xrf2)  }
0x198: {  	v3, _, _ =	vpop (xrf2)  }
0x199: {  	v3 =	vperm.xlane v3, v1  }
0x19a: {  	(erf) = vrcp.f32 v2;
	_ =	sdelay $0x5  }
0x19b: {  	v4 =	vperm.xlane v4, v1;
	_ =	sdelay $0x1  }
0x19c: {  	v4 =	vsub.f32 v4, v2  }
0x19d: {  	v5 =	vpop (erf)  }
.Ltmp11:
0x19e: {  	v4 =	vmul.f32 v4, v5;
	(pc) =	sbr.rel .LBB2_22-.Ltmp11, $3  }
0x19f: {  	_ = 	snop  }
0x1a0: {  	v4 =	vsub.f32 v3, v4;
	_ =	sdelay $0x1  }
0x1a1: {  	v7 =	vmul.f32 v4, v5  }
.LBB2_19:
0x1a2: {  	s12 =	simm.s32 $0x0  }
0x1a3: {  	v5 =	vld [tilespmem:s12+$0x0];
	_ =	sdelay $0x1  }
0x1a4: {  	s26 =	simm.s32 $0x10  }
0x1a5: {  	v4 =	vld [tilespmem:s26+$0x0];
	_ =	sdelay $0x1  }
0x1a6: {  	v7 =	vmul.f32 v5, v5;
	_ =	sdelay $0x1  }
0x1a7: {  	v7 =	vadd.f32 v7, v2  }
0x1a8: {  	v8 =	vmul.f32 v4, v4  }
0x1a9: {  	(erf) = vrcp.f32 v7  }
0x1aa: {  	v8 =	vadd.f32 v8, v2  }
0x1ab: {  	s26 =	simm.s32 $0x20  }
0x1ac: {  	v7 =	vld [tilespmem:s26+$0x0];
	(erf) = vrcp.f32 v8;
	_ =	sdelay $0x2  }
0x1ad: {  	s12 =	simm.s32 $0xC0  }
.LBB2_20:
0x1ae: {  	p0 =	sne.s32 s12, $0x1FFC0  }
.Ltmp12:
0x1af: {  	s26 =	sshra.s32 s12, $0x2;
	s12 =	sadd.s32 $0x40, s12;
	v8 =	vmul.f32 v7, v7;
	(pc) =	sbr.rel @p0 .LBB2_20-.Ltmp12, $4  }
0x1b0: {  	vm0 =	vgt.f32 v5, $9.990000120e-01;
	v5 =	vmov v4;
	v4 =	vmov v7;
	v9 =	vpop (erf);
	v7 =	vld [tilespmem:s26+$0x0]  }
0x1b1: {  	v8 =	vadd.f32 v8, v2;
	v9 =	vnsel vm0, $0x0, v9  }
0x1b2: {  	v6 =	vadd.f32 v9, v6  }
0x1b3: {  	(erf) = vrcp.f32 v8  }
0x1b4: {  	_ = 	snop  }
0x1b5: {  	v8 =	vmul.f32 v7, v7;
	_ =	sdelay $0x1  }
0x1b6: {  	v8 =	vadd.f32 v8, v2;
	_ =	sdelay $0x1  }
0x1b7: {  	(erf) = vrcp.f32 v8;
	_ =	sdelay $0x2  }
0x1b8: {  	vm0 =	vgt.f32 v5, $9.990000120e-01;
	v8 =	vpop (erf)  }
0x1b9: {  	v5 =	vnsel vm0, $0x0, v8  }
0x1ba: {  	v5 =	vadd.f32 v5, v6;
	_ =	sdelay $0x1  }
0x1bb: {  	vm14 =	vgt.f32 v4, $9.990000120e-01;
	v4 =	vpop (erf)  }
0x1bc: {  	v4 =	vnsel vm14, $0x0, v4  }
0x1bd: {  	vm15 =	vgt.f32 v7, $9.990000120e-01;
	v4 =	vadd.f32 v4, v5;
	v5 =	vpop (erf)  }
0x1be: {  	v5 =	vnsel vm15, $0x0, v5  }
0x1bf: {  	v4 =	vadd.f32 v5, v4;
	_ =	sdelay $0x1  }
0x1c0: {  	(xrf2) =	vadd.scan.msk.f32 $0xffff, v4;
	_ =	sdelay $0x9  }
0x1c1: {  	v4, _, _ =	vpop (xrf2)  }
0x1c2: {  	v7 =	vperm.xlane v4, v1  }
.LBB2_22:
0x1c3: {  	vm0 =	vgt.f32 v3, $0.0e+00  }
0x1c4: {  	v4 =	vsel vm0, $0x3F800000, v0  }
0x1c5: {  	(xrf0) =	vmax.scan.msk.f32 $0xffff, v4;
	_ =	sdelay $0x5  }
0x1c6: {  	v4, _, _ =	vpop (xrf0)  }
0x1c7: {  	(v2sf) =	vpush v4, $0xF;
	_ =	sdelay $0xa  }
0x1c8: {  	v3 =	vmax.f32 v3, $1.000000000e+00  }
0x1c9: {  	(erf) = vrcp.f32 v3;
	_ =	sdelay $0x2  }
0x1ca: {  	s12 =	spop (v2sf)  }
0x1cb: {  	p0 =	sgt.f32 s12, $0.0e+00  }
.Ltmp13:
0x1cc: {  	_ = 	snop;
	(pc) =	sbr.rel @!p0 .LBB2_40-.Ltmp13, $2  }
0x1cd: {  	_ =	sdelay $0x2  }
0x1ce: {  	v3 =	vpop (erf)  }
0x1cf: {  	s12 =	simm.s32 $0x40  }
0x1d0: {  	v8 =	vld [tilespmem:s12+$0xFFFFFFD0];
	_ =	sdelay $0x3  }
0x1d1: {  	v10 =	vld [tilespmem:s12+$0x30]  }
0x1d2: {  	v19 =	vld [tilespmem:s12+$0x20];
	v17 =	vmul.f32 v8, v8;
	_ =	sdelay $0x1  }
0x1d3: {  	v20 =	vld [tilespmem:s12+$0x0];
	v4 =	vadd.f32 v17, v2  }
0x1d4: {  	v18 =	vld [tilespmem:s12+$0xFFFFFFE0]  }
0x1d5: {  	v21 =	vld [tilespmem:s12+$0xFFFFFFF0];
	v24 =	vmul.f32 v10, v10;
	(erf) = vrcp.f32 v4  }
0x1d6: {  	v22 =	vld [tilespmem:s12+$0x10];
	v25 =	vmul.f32 v19, v19  }
0x1d7: {  	v5 =	vadd.f32 v24, v2  }
0x1d8: {  	s26 =	simm.s32 $0xC0;
	v23 =	vld [tilespmem:s12+$0xFFFFFFC0];
	v9 =	vadd.f32 v25, v2;
	v4 =	vmul.f32 v20, v20  }
0x1d9: {  	v13 =	vld [tilespmem:s26+$0xFFFFFFD0];
	v27 =	vmul.f32 v18, v18;
	(erf) = vrcp.f32 v5  }
0x1da: {  	v5 =	vmul.f32 v21, v21;
	v11 =	vadd.f32 v4, v2;
	(erf) = vrcp.f32 v9  }
0x1db: {  	v6 =	vmul.f32 v22, v22;
	v9 =	vadd.f32 v27, v2  }
0x1dc: {  	v3 =	vmul.f32 v7, v3;
	v7 =	vadd.f32 v5, v2;
	(erf) = vrcp.f32 v11  }
0x1dd: {  	v16 =	vld [tilespmem:s26+$0x10];
	v12 =	vmul.f32 v23, v23;
	v14 =	vadd.f32 v6, v2;
	(erf) = vrcp.f32 v9  }
0x1de: {  	vm0 =	vgt.f32 v8, $9.990000120e-01;
	v11 =	vld [tilespmem:s26+$0x20];
	v9 =	vmul.f32 v13, v13;
	(erf) = vrcp.f32 v7;
	v8 =	vpop (erf)  }
0x1df: {  	v7 =	vadd.f32 v12, v2;
	(erf) = vrcp.f32 v14;
	v14 =	vld [tilespmem:s26+$0x30];
	v8 =	vsel vm0, v8, v3  }
0x1e0: {  	v15 =	vld [tilespmem:s26+$0xFFFFFFC0];
	vm1 =	vgt.f32 v23, $9.990000120e-01;
	vm2 =	vgt.f32 v18, $9.990000120e-01;
	vm3 =	vgt.f32 v19, $9.990000120e-01  }
0x1e1: {  	vm4 =	vgt.f32 v10, $9.990000120e-01;
	v23 =	vadd.f32 v9, v2;
	(erf) = vrcp.f32 v7;
	v7 =	vld [tilespmem:s26+$0x0]  }
0x1e2: {  	v10 =	vmul.f32 v16, v16;
	vm5 =	vgt.f32 v20, $9.990000120e-01;
	v26 =	vmul.f32 v8, v17;
	v17 =	vld [tilespmem:s26+$0xFFFFFFE0];
	v8 =	vpop (erf)  }
0x1e3: {  	v18 =	vld [tilespmem:s26+$0xFFFFFFF0];
	vm15 =	vgt.f32 v21, $9.990000120e-01;
	v19 =	vmul.f32 v11, v11;
	(erf) = vrcp.f32 v23;
	v28 =	vpop (erf)  }
0x1e4: {  	vm0 =	vgt.f32 v22, $9.990000120e-01;
	v22 =	vmul.f32 v14, v14;
	v21 =	vsel vm3, v28, v3  }
0x1e5: {  	v30 =	vadd.f32 v19, v2;
	v20 =	vsel vm4, v8, v3;
	v25 =	vmul.f32 v21, v25  }
0x1e6: {  	v8 =	vmul.f32 v15, v15;
	v31 =	vadd.f32 v22, v2;
	v28 =	vpop (erf);
	v32 =	vmul.f32 v20, v24  }
0x1e7: {  	s26 =	simm.s32 $0x8040;
	v20 =	vmul.f32 v7, v7;
	v23 =	vmul.f32 v17, v17;
	v29 =	vpop (erf)  }
0x1e8: {  	[tilespmem:s26+$0xFFFFFFD0] =	vst v26;
	v21 =	vmul.f32 v18, v18;
	(erf) = vrcp.f32 v31;
	v28 =	vsel vm5, v28, v3;
	v24 =	vpop (erf)  }
0x1e9: {  	v29 =	vsel vm2, v29, v3;
	(erf) = vrcp.f32 v30;
	v26 =	vsel vm15, v24, v3;
	[tilespmem:s26+$0x20] =	vst v25;
	v25 =	vpop (erf)  }
0x1ea: {  	s29 =	simm.s32 $0x8;
	s28 =	simm.s32 $0x8040;
	s12 =	simm.s32 $0x140;
	[tilespmem:s26+$0x30] =	vst v32;
	v24 =	vadd.f32 v8, v2;
	v27 =	vmul.f32 v29, v27;
	v29 =	vadd.f32 v20, v2;
	v30 =	vpop (erf)  }
.LBB2_24:
0x1eb: {  	v32 =	vadd.f32 v23, v2;
	v33 =	vadd.f32 v21, v2;
	v30 =	vsel vm1, v30, v3  }
0x1ec: {  	v31 =	vld [tilespmem:s12+$0xFFFFFFD0];
	s29 =	sadd.s32 $0x8, s29;
	s26 =	sadd.s32 $0x80, s26;
	v34 =	vmovc v17;
	v35 =	vmovc v18;
	v36 =	vmov v19;
	v37 =	vmov v22;
	v38 =	vmov v23  }
0x1ed: {  	v17 =	vadd.f32 v10, v2;
	v18 =	vmul.f32 v26, v5;
	v5 =	vmovc v21;
	v22 =	vld [tilespmem:s12+$0x30];
	p0 =	slt.u32 s29, $0xF8;
	(erf) = vrcp.f32 v29  }
0x1ee: {  	v19 =	vmul.f32 v28, v4;
	v23 =	vsel vm0, v25, v3;
	v4 =	vmovc v20;
	v21 =	vld [tilespmem:s12+$0x20];
	(erf) = vrcp.f32 v32;
	[tilespmem:s28+$0xFFFFFFE0] =	vst v27  }
0x1ef: {  	vm0 =	vgt.f32 v13, $9.990000120e-01;
	v28 =	vld [tilespmem:s12+$0x10];
	v13 =	vpop (erf);
	(erf) = vrcp.f32 v33;
	[tilespmem:s28+$0xFFFFFFF0] =	vst v18;
	v18 =	vmul.f32 v23, v6  }
0x1f0: {  	v23 =	vmul.f32 v30, v12;
	v6 =	vmovc v10;
	v29 =	vld [tilespmem:s12+$0xFFFFFFC0];
	v20 =	vsel vm0, v13, v3;
	(erf) = vrcp.f32 v17;
	[tilespmem:s28+$0x0] =	vst v19  }
0x1f1: {  	vm0 =	vgt.f32 v16, $9.990000120e-01;
	v17 =	vld [tilespmem:s12+$0xFFFFFFE0];
	v10 =	vmul.f32 v20, v9;
	v9 =	vmul.f32 v31, v31;
	[tilespmem:s28+$0x10] =	vst v18;
	v13 =	vmovc v31  }
0x1f2: {  	vm1 =	vgt.f32 v15, $9.990000120e-01;
	vm3 =	vgt.f32 v34, $9.990000120e-01;
	v12 =	vmovc v8;
	v18 =	vld [tilespmem:s12+$0xFFFFFFF0];
	(erf) = vrcp.f32 v24;
	[tilespmem:s28+$0xFFFFFFC0] =	vst v23;
	s28 =	smov.u32 s26  }
0x1f3: {  	vm4 =	vgt.f32 v11, $9.990000120e-01;
	vm5 =	vgt.f32 v14, $9.990000120e-01;
	v15 =	vadd.f32 v9, v2;
	[tilespmem:s26+$0xFFFFFFD0] =	vst v10;
	v8 =	vpop (erf)  }
0x1f4: {  	vm2 =	vgt.f32 v7, $9.990000120e-01;
	v10 =	vmul.f32 v28, v28;
	v7 =	vld [tilespmem:s12+$0x0];
	v16 =	vsel vm5, v8, v3;
	v20 =	vpop (erf)  }
0x1f5: {  	v14 =	vmovc v22;
	v19 =	vmul.f32 v21, v21;
	v11 =	vmovc v21;
	vm5 =	vgt.f32 v35, $9.990000120e-01;
	v8 =	vmul.f32 v29, v29  }
0x1f6: {  	v22 =	vmul.f32 v22, v14;
	(erf) = vrcp.f32 v15;
	v15 =	vsel vm4, v20, v3;
	v30 =	vpop (erf)  }
.Ltmp14:
0x1f7: {  	v31 =	vadd.f32 v19, v2;
	v23 =	vmul.f32 v17, v17;
	v34 =	vmul.f32 v15, v36;
	v24 =	vpop (erf);
	(pc) =	sbr.rel @p0 .LBB2_24-.Ltmp14, $4  }
0x1f8: {  	v27 =	vadd.f32 v22, v2;
	v32 =	vmul.f32 v16, v37;
	v21 =	vmul.f32 v18, v18;
	v16 =	vpop (erf)  }
0x1f9: {  	v33 =	vsel vm3, v24, v3;
	v20 =	vmul.f32 v7, v7;
	v26 =	vsel vm5, v16, v3;
	[tilespmem:s26+$0x20] =	vst v34;
	v25 =	vpop (erf)  }
0x1fa: {  	v24 =	vadd.f32 v8, v2;
	v16 =	vmovc v28;
	v15 =	vmovc v29;
	(erf) = vrcp.f32 v27;
	v27 =	vmul.f32 v33, v38  }
0x1fb: {  	s12 =	sadd.s32 $0x80, s12;
	v28 =	vsel vm2, v30, v3;
	v29 =	vadd.f32 v20, v2;
	(erf) = vrcp.f32 v31;
	[tilespmem:s26+$0x30] =	vst v32;
	v30 =	vpop (erf)  }
0x1fc: {  	v31 =	vadd.f32 v23, v2  }
0x1fd: {  	v32 =	vadd.f32 v21, v2;
	(erf) = vrcp.f32 v29  }
0x1fe: {  	(erf) = vrcp.f32 v31  }
0x1ff: {  	v29 =	vadd.f32 v10, v2;
	(erf) = vrcp.f32 v32  }
0x200: {  	v5 =	vmul.f32 v26, v5  }
0x201: {  	v4 =	vmul.f32 v28, v4;
	v25 =	vsel vm0, v25, v3;
	(erf) = vrcp.f32 v29  }
0x202: {  	vm0 =	vgt.f32 v13, $9.990000120e-01;
	[tilespmem:s28+$0xFFFFFFF0] =	vst v5;
	v5 =	vmul.f32 v25, v6;
	(erf) = vrcp.f32 v24;
	v24 =	vpop (erf)  }
0x203: {  	v13 =	vsel vm0, v24, v3  }
0x204: {  	v6 =	vpop (erf);
	v9 =	vmul.f32 v13, v9  }
0x205: {  	v26 =	vsel vm1, v30, v3;
	[tilespmem:s28+$0x0] =	vst v4;
	v4 =	vpop (erf)  }
0x206: {  	vm1 =	vgt.f32 v14, $9.990000120e-01;
	v12 =	vmul.f32 v26, v12;
	[tilespmem:s28+$0x10] =	vst v5;
	vm0 =	vgt.f32 v11, $9.990000120e-01;
	v5 =	vpop (erf)  }
0x207: {  	[tilespmem:s28+$0xFFFFFFE0] =	vst v27;
	s12 =	sadd.s32 $0x80, s26;
	v6 =	vsel vm1, v6, v3;
	vm1 =	vgt.f32 v18, $9.990000120e-01;
	v4 =	vsel vm0, v4, v3;
	v11 =	vpop (erf)  }
0x208: {  	vm0 =	vgt.f32 v17, $9.990000120e-01;
	[tilespmem:s12+$0xFFFFFFD0] =	vst v9;
	v6 =	vmul.f32 v6, v22;
	v4 =	vmul.f32 v4, v19;
	v9 =	vpop (erf)  }
0x209: {  	[tilespmem:s28+$0xFFFFFFC0] =	vst v12;
	v11 =	vsel vm0, v11, v3;
	vm0 =	vgt.f32 v7, $9.990000120e-01;
	v7 =	vsel vm1, v9, v3  }
0x20a: {  	[tilespmem:s12+$0x20] =	vst v4;
	v4 =	vmul.f32 v11, v23  }
0x20b: {  	[tilespmem:s12+$0x30] =	vst v6;
	vm1 =	vgt.f32 v16, $9.990000120e-01;
	v9 =	vpop (erf);
	v5 =	vsel vm0, v5, v3;
	v6 =	vmul.f32 v7, v21  }
0x20c: {  	vm0 =	vgt.f32 v15, $9.990000120e-01;
	[tilespmem:s12+$0xFFFFFFE0] =	vst v4;
	v4 =	vmul.f32 v5, v20;
	v5 =	vsel vm1, v9, v3;
	v7 =	vpop (erf)  }
0x20d: {  	[tilespmem:s12+$0xFFFFFFF0] =	vst v6;
	v5 =	vmul.f32 v5, v10;
	v7 =	vsel vm0, v7, v3  }
0x20e: {  	[tilespmem:s12+$0x0] =	vst v4;
	v6 =	vmul.f32 v7, v8  }
0x20f: {  	[tilespmem:s12+$0x10] =	vst v5  }
0x210: {  	s26 =	simm.s32 $0x8000;
	s13 =	simm.s32 $0x1070;
	[tilespmem:s12+$0xFFFFFFC0] =	vst v6  }
0x211: {  	[hbm4b:s11+s20] =	stream.strided.scatter [tilespmem:s26], [sflag:$0x9], $0x1000, s21, s20, $0x38;
	[tilespmem:$0x10000] =	vst v63  }
0x212: {  	v7 =	vld [tilespmem:s13+$0xFFFFFFA0]  }
0x213: {  	v8 =	vld [tilespmem:s13+$0x0]  }
0x214: {  	v19 =	vld [tilespmem:s13+$0xFFFFFFF0];
	_ =	sdelay $0x1  }
0x215: {  	v20 =	vld [tilespmem:s13+$0xFFFFFFD0]  }
0x216: {  	v18 =	vld [tilespmem:s13+$0xFFFFFFB0];
	v10 =	vmul.f32 v7, v7  }
0x217: {  	v21 =	vld [tilespmem:s13+$0xFFFFFFC0];
	v24 =	vmul.f32 v8, v8  }
0x218: {  	v17 =	vld [tilespmem:s13+$0xFFFFFFE0];
	v25 =	vmul.f32 v19, v19;
	v4 =	vadd.f32 v10, v2  }
0x219: {  	v22 =	vld [tilespmem:s13+$0xFFFFFF90];
	v5 =	vadd.f32 v24, v2  }
0x21a: {  	v9 =	vadd.f32 v25, v2;
	(erf) = vrcp.f32 v4  }
0x21b: {  	v4 =	vmul.f32 v20, v20;
	(erf) = vrcp.f32 v5  }
0x21c: {  	s26 =	simm.s32 $0x10F0;
	v27 =	vmul.f32 v18, v18;
	(erf) = vrcp.f32 v9  }
0x21d: {  	v14 =	vld [tilespmem:s26+$0xFFFFFFA0];
	v5 =	vmul.f32 v21, v21;
	v11 =	vadd.f32 v4, v2  }
0x21e: {  	v6 =	vmul.f32 v17, v17;
	v12 =	vmul.f32 v22, v22;
	v9 =	vadd.f32 v27, v2  }
0x21f: {  	v16 =	vld [tilespmem:s26+$0xFFFFFFE0];
	vm0 =	vgt.f32 v7, $9.990000120e-01;
	v13 =	vadd.f32 v5, v2;
	(erf) = vrcp.f32 v11  }
0x220: {  	vm1 =	vgt.f32 v22, $9.990000120e-01;
	v23 =	vadd.f32 v6, v2;
	v11 =	vld [tilespmem:s26+$0xFFFFFFF0];
	(erf) = vrcp.f32 v9  }
0x221: {  	vm2 =	vgt.f32 v18, $9.990000120e-01;
	v26 =	vadd.f32 v12, v2;
	(erf) = vrcp.f32 v13;
	v13 =	vld [tilespmem:s26+$0x0]  }
0x222: {  	v15 =	vld [tilespmem:s26+$0xFFFFFF90];
	vm3 =	vgt.f32 v19, $9.990000120e-01;
	v9 =	vmul.f32 v14, v14;
	(erf) = vrcp.f32 v23  }
0x223: {  	v18 =	vld [tilespmem:s26+$0xFFFFFFC0];
	vm4 =	vgt.f32 v8, $9.990000120e-01;
	vm5 =	vgt.f32 v20, $9.990000120e-01;
	v7 =	vpop (erf);
	(erf) = vrcp.f32 v26  }
0x224: {  	v23 =	vadd.f32 v9, v2;
	v7 =	vsel vm0, v7, v3;
	vm0 =	vgt.f32 v17, $9.990000120e-01;
	v17 =	vld [tilespmem:s26+$0xFFFFFFB0];
	v8 =	vpop (erf)  }
0x225: {  	vm15 =	vgt.f32 v21, $9.990000120e-01;
	v19 =	vmul.f32 v11, v11;
	v28 =	vmul.f32 v7, v10;
	v7 =	vld [tilespmem:s26+$0xFFFFFFD0];
	v26 =	vpop (erf)  }
0x226: {  	(erf) = vrcp.f32 v23;
	v22 =	vmul.f32 v13, v13;
	v21 =	vsel vm3, v26, v3  }
0x227: {  	v10 =	vmul.f32 v16, v16;
	v20 =	vsel vm4, v8, v3;
	v25 =	vmul.f32 v21, v25  }
0x228: {  	v8 =	vmul.f32 v15, v15;
	v63 =	vmul.f32 v20, v24;
	v30 =	vpop (erf);
	v29 =	vadd.f32 v22, v2  }
0x229: {  	v31 =	vadd.f32 v19, v2;
	s26 =	simm.s32 $0x9070;
	v21 =	vmul.f32 v18, v18;
	v26 =	vpop (erf);
	v23 =	vmul.f32 v17, v17  }
0x22a: {  	[tilespmem:s26+$0xFFFFFFA0] =	vst v28;
	v24 =	vpop (erf);
	v28 =	vsel vm2, v26, v3;
	(erf) = vrcp.f32 v29;
	v20 =	vmul.f32 v7, v7  }
0x22b: {  	[tilespmem:s26+$0xFFFFFFF0] =	vst v25;
	v26 =	vsel vm15, v24, v3;
	v24 =	vadd.f32 v8, v2;
	v27 =	vmul.f32 v28, v27;
	v25 =	vpop (erf)  }
0x22c: {  	s29 =	simm.s32 $0x108;
	s28 =	simm.s32 $0x9070;
	s12 =	simm.s32 $0x1170;
	[tilespmem:s26+$0x0] =	vst v63;
	(erf) = vrcp.f32 v31;
	v28 =	vsel vm5, v30, v3;
	v29 =	vadd.f32 v20, v2;
	v30 =	vpop (erf)  }
.LBB2_26:
0x22d: {  	v32 =	vadd.f32 v23, v2;
	v33 =	vadd.f32 v21, v2;
	v30 =	vsel vm1, v30, v3  }
0x22e: {  	v31 =	vld [tilespmem:s12+$0xFFFFFFA0];
	s29 =	sadd.s32 $0x8, s29;
	s26 =	sadd.s32 $0x80, s26;
	v34 =	vmovc v17;
	v35 =	vmovc v18;
	v36 =	vmov v19;
	v37 =	vmov v22;
	v38 =	vmov v23  }
0x22f: {  	v17 =	vadd.f32 v10, v2;
	v18 =	vmul.f32 v26, v5;
	v5 =	vmovc v21;
	v22 =	vld [tilespmem:s12+$0x0];
	p0 =	slt.u32 s29, $0x1F8;
	(erf) = vrcp.f32 v29  }
0x230: {  	v19 =	vmul.f32 v28, v4;
	v23 =	vsel vm0, v25, v3;
	v4 =	vmovc v20;
	v21 =	vld [tilespmem:s12+$0xFFFFFFF0];
	(erf) = vrcp.f32 v32;
	[tilespmem:s28+$0xFFFFFFB0] =	vst v27  }
0x231: {  	vm0 =	vgt.f32 v14, $9.990000120e-01;
	v28 =	vld [tilespmem:s12+$0xFFFFFFE0];
	v14 =	vpop (erf);
	(erf) = vrcp.f32 v33;
	[tilespmem:s28+$0xFFFFFFC0] =	vst v18;
	v18 =	vmul.f32 v23, v6  }
0x232: {  	v23 =	vmul.f32 v30, v12;
	v6 =	vmovc v10;
	v29 =	vld [tilespmem:s12+$0xFFFFFF90];
	v20 =	vsel vm0, v14, v3;
	(erf) = vrcp.f32 v17;
	[tilespmem:s28+$0xFFFFFFD0] =	vst v19  }
0x233: {  	vm0 =	vgt.f32 v16, $9.990000120e-01;
	v17 =	vld [tilespmem:s12+$0xFFFFFFB0];
	v10 =	vmul.f32 v20, v9;
	v9 =	vmul.f32 v31, v31;
	[tilespmem:s28+$0xFFFFFFE0] =	vst v18;
	v14 =	vmovc v31  }
0x234: {  	vm1 =	vgt.f32 v15, $9.990000120e-01;
	vm3 =	vgt.f32 v34, $9.990000120e-01;
	v12 =	vmovc v8;
	v18 =	vld [tilespmem:s12+$0xFFFFFFC0];
	(erf) = vrcp.f32 v24;
	[tilespmem:s28+$0xFFFFFF90] =	vst v23;
	s28 =	smov.u32 s26  }
0x235: {  	vm4 =	vgt.f32 v11, $9.990000120e-01;
	vm5 =	vgt.f32 v13, $9.990000120e-01;
	v15 =	vadd.f32 v9, v2;
	[tilespmem:s26+$0xFFFFFFA0] =	vst v10;
	v8 =	vpop (erf)  }
0x236: {  	vm2 =	vgt.f32 v7, $9.990000120e-01;
	v10 =	vmul.f32 v28, v28;
	v7 =	vld [tilespmem:s12+$0xFFFFFFD0];
	v16 =	vsel vm5, v8, v3;
	v20 =	vpop (erf)  }
0x237: {  	v13 =	vmovc v22;
	v19 =	vmul.f32 v21, v21;
	v11 =	vmovc v21;
	vm5 =	vgt.f32 v35, $9.990000120e-01;
	v8 =	vmul.f32 v29, v29  }
0x238: {  	v22 =	vmul.f32 v22, v13;
	(erf) = vrcp.f32 v15;
	v15 =	vsel vm4, v20, v3;
	v30 =	vpop (erf)  }
.Ltmp15:
0x239: {  	v31 =	vadd.f32 v19, v2;
	v23 =	vmul.f32 v17, v17;
	v34 =	vmul.f32 v15, v36;
	v24 =	vpop (erf);
	(pc) =	sbr.rel @p0 .LBB2_26-.Ltmp15, $4  }
0x23a: {  	v27 =	vadd.f32 v22, v2;
	v32 =	vmul.f32 v16, v37;
	v21 =	vmul.f32 v18, v18;
	v16 =	vpop (erf)  }
0x23b: {  	v33 =	vsel vm3, v24, v3;
	v20 =	vmul.f32 v7, v7;
	v26 =	vsel vm5, v16, v3;
	[tilespmem:s26+$0xFFFFFFF0] =	vst v34;
	v25 =	vpop (erf)  }
0x23c: {  	v24 =	vadd.f32 v8, v2;
	v16 =	vmovc v28;
	v15 =	vmovc v29;
	(erf) = vrcp.f32 v27;
	v27 =	vmul.f32 v33, v38  }
0x23d: {  	s12 =	sadd.s32 $0x80, s12;
	v28 =	vsel vm2, v30, v3;
	v29 =	vadd.f32 v20, v2;
	(erf) = vrcp.f32 v31;
	[tilespmem:s26+$0x0] =	vst v32;
	v30 =	vpop (erf)  }
0x23e: {  	v31 =	vadd.f32 v23, v2  }
0x23f: {  	v32 =	vadd.f32 v21, v2;
	(erf) = vrcp.f32 v29  }
0x240: {  	(erf) = vrcp.f32 v31  }
0x241: {  	v29 =	vadd.f32 v10, v2;
	(erf) = vrcp.f32 v32  }
0x242: {  	v5 =	vmul.f32 v26, v5  }
0x243: {  	v4 =	vmul.f32 v28, v4;
	v25 =	vsel vm0, v25, v3;
	(erf) = vrcp.f32 v29  }
0x244: {  	vm0 =	vgt.f32 v14, $9.990000120e-01;
	[tilespmem:s28+$0xFFFFFFC0] =	vst v5;
	v5 =	vmul.f32 v25, v6;
	(erf) = vrcp.f32 v24;
	v24 =	vpop (erf)  }
0x245: {  	v14 =	vsel vm0, v24, v3  }
0x246: {  	v6 =	vpop (erf);
	v9 =	vmul.f32 v14, v9  }
0x247: {  	v26 =	vsel vm1, v30, v3;
	[tilespmem:s28+$0xFFFFFFD0] =	vst v4;
	v4 =	vpop (erf)  }
0x248: {  	vm1 =	vgt.f32 v13, $9.990000120e-01;
	v12 =	vmul.f32 v26, v12;
	[tilespmem:s28+$0xFFFFFFE0] =	vst v5;
	vm0 =	vgt.f32 v11, $9.990000120e-01;
	v5 =	vpop (erf)  }
0x249: {  	[tilespmem:s28+$0xFFFFFFB0] =	vst v27;
	s12 =	sadd.s32 $0x80, s26;
	v6 =	vsel vm1, v6, v3;
	vm1 =	vgt.f32 v18, $9.990000120e-01;
	v4 =	vsel vm0, v4, v3;
	v11 =	vpop (erf)  }
0x24a: {  	vm0 =	vgt.f32 v17, $9.990000120e-01;
	[tilespmem:s12+$0xFFFFFFA0] =	vst v9;
	v6 =	vmul.f32 v6, v22;
	v4 =	vmul.f32 v4, v19;
	v9 =	vpop (erf)  }
0x24b: {  	[tilespmem:s28+$0xFFFFFF90] =	vst v12;
	v11 =	vsel vm0, v11, v3;
	vm0 =	vgt.f32 v7, $9.990000120e-01;
	v7 =	vsel vm1, v9, v3  }
0x24c: {  	[tilespmem:s12+$0xFFFFFFF0] =	vst v4;
	v4 =	vmul.f32 v11, v23  }
0x24d: {  	[tilespmem:s12+$0x0] =	vst v6;
	vm1 =	vgt.f32 v16, $9.990000120e-01;
	v9 =	vpop (erf);
	v5 =	vsel vm0, v5, v3;
	v6 =	vmul.f32 v7, v21  }
0x24e: {  	vm0 =	vgt.f32 v15, $9.990000120e-01;
	[tilespmem:s12+$0xFFFFFFB0] =	vst v4;
	v4 =	vmul.f32 v5, v20;
	v5 =	vsel vm1, v9, v3;
	v7 =	vpop (erf)  }
0x24f: {  	[tilespmem:s12+$0xFFFFFFC0] =	vst v6;
	v5 =	vmul.f32 v5, v10;
	v7 =	vsel vm0, v7, v3  }
0x250: {  	[tilespmem:s12+$0xFFFFFFD0] =	vst v4;
	v6 =	vmul.f32 v7, v8  }
0x251: {  	[tilespmem:s12+$0xFFFFFFE0] =	vst v5  }
0x252: {  	[tilespmem:s12+$0xFFFFFF90] =	vst v6  }
0x253: {  	s13 =	simm.s32 $0x9000;
	s12 =	rddreg [dreg:$0x3]  }
0x254: {  	[hbm4b:s12+s20] =	stream.strided.scatter [tilespmem:s13], [sflag:$0xA], $0x1000, s21, s20, $0x38;
	[tilespmem:$0x10000] =	vst v63  }
0x255: {  	s13 =	simm.s32 $0x2070  }
0x256: {  	v7 =	vld [tilespmem:s13+$0xFFFFFFA0]  }
0x257: {  	v8 =	vld [tilespmem:s13+$0x0]  }
0x258: {  	v19 =	vld [tilespmem:s13+$0xFFFFFFF0];
	_ =	sdelay $0x1  }
0x259: {  	v20 =	vld [tilespmem:s13+$0xFFFFFFD0]  }
0x25a: {  	v18 =	vld [tilespmem:s13+$0xFFFFFFB0];
	v10 =	vmul.f32 v7, v7  }
0x25b: {  	v21 =	vld [tilespmem:s13+$0xFFFFFFC0];
	v24 =	vmul.f32 v8, v8  }
0x25c: {  	v17 =	vld [tilespmem:s13+$0xFFFFFFE0];
	v25 =	vmul.f32 v19, v19;
	v4 =	vadd.f32 v10, v2  }
0x25d: {  	v22 =	vld [tilespmem:s13+$0xFFFFFF90];
	v5 =	vadd.f32 v24, v2  }
0x25e: {  	v9 =	vadd.f32 v25, v2;
	(erf) = vrcp.f32 v4  }
0x25f: {  	v4 =	vmul.f32 v20, v20;
	(erf) = vrcp.f32 v5  }
0x260: {  	s26 =	simm.s32 $0x20F0;
	v27 =	vmul.f32 v18, v18;
	(erf) = vrcp.f32 v9  }
0x261: {  	v14 =	vld [tilespmem:s26+$0xFFFFFFA0];
	v5 =	vmul.f32 v21, v21;
	v11 =	vadd.f32 v4, v2  }
0x262: {  	v6 =	vmul.f32 v17, v17;
	v12 =	vmul.f32 v22, v22;
	v9 =	vadd.f32 v27, v2  }
0x263: {  	v16 =	vld [tilespmem:s26+$0xFFFFFFE0];
	vm0 =	vgt.f32 v7, $9.990000120e-01;
	v13 =	vadd.f32 v5, v2;
	(erf) = vrcp.f32 v11  }
0x264: {  	vm1 =	vgt.f32 v22, $9.990000120e-01;
	v23 =	vadd.f32 v6, v2;
	v11 =	vld [tilespmem:s26+$0xFFFFFFF0];
	(erf) = vrcp.f32 v9  }
0x265: {  	vm2 =	vgt.f32 v18, $9.990000120e-01;
	v26 =	vadd.f32 v12, v2;
	(erf) = vrcp.f32 v13;
	v13 =	vld [tilespmem:s26+$0x0]  }
0x266: {  	v15 =	vld [tilespmem:s26+$0xFFFFFF90];
	vm3 =	vgt.f32 v19, $9.990000120e-01;
	v9 =	vmul.f32 v14, v14;
	(erf) = vrcp.f32 v23  }
0x267: {  	v18 =	vld [tilespmem:s26+$0xFFFFFFC0];
	vm4 =	vgt.f32 v8, $9.990000120e-01;
	vm5 =	vgt.f32 v20, $9.990000120e-01;
	v7 =	vpop (erf);
	(erf) = vrcp.f32 v26  }
0x268: {  	v23 =	vadd.f32 v9, v2;
	v7 =	vsel vm0, v7, v3;
	vm0 =	vgt.f32 v17, $9.990000120e-01;
	v17 =	vld [tilespmem:s26+$0xFFFFFFB0];
	v8 =	vpop (erf)  }
0x269: {  	vm15 =	vgt.f32 v21, $9.990000120e-01;
	v19 =	vmul.f32 v11, v11;
	v28 =	vmul.f32 v7, v10;
	v7 =	vld [tilespmem:s26+$0xFFFFFFD0];
	v26 =	vpop (erf)  }
0x26a: {  	(erf) = vrcp.f32 v23;
	v22 =	vmul.f32 v13, v13;
	v21 =	vsel vm3, v26, v3  }
0x26b: {  	v10 =	vmul.f32 v16, v16;
	v20 =	vsel vm4, v8, v3;
	v25 =	vmul.f32 v21, v25  }
0x26c: {  	v8 =	vmul.f32 v15, v15;
	v63 =	vmul.f32 v20, v24;
	v30 =	vpop (erf);
	v29 =	vadd.f32 v22, v2  }
0x26d: {  	v31 =	vadd.f32 v19, v2;
	s26 =	simm.s32 $0xA070;
	v21 =	vmul.f32 v18, v18;
	v26 =	vpop (erf);
	v23 =	vmul.f32 v17, v17  }
0x26e: {  	[tilespmem:s26+$0xFFFFFFA0] =	vst v28;
	v24 =	vpop (erf);
	v28 =	vsel vm2, v26, v3;
	(erf) = vrcp.f32 v29;
	v20 =	vmul.f32 v7, v7  }
0x26f: {  	[tilespmem:s26+$0xFFFFFFF0] =	vst v25;
	v26 =	vsel vm15, v24, v3;
	v24 =	vadd.f32 v8, v2;
	v27 =	vmul.f32 v28, v27;
	v25 =	vpop (erf)  }
0x270: {  	s29 =	simm.s32 $0x208;
	s28 =	simm.s32 $0xA070;
	s12 =	simm.s32 $0x2170;
	[tilespmem:s26+$0x0] =	vst v63;
	(erf) = vrcp.f32 v31;
	v28 =	vsel vm5, v30, v3;
	v29 =	vadd.f32 v20, v2;
	v30 =	vpop (erf)  }
.LBB2_28:
0x271: {  	v32 =	vadd.f32 v23, v2;
	v33 =	vadd.f32 v21, v2;
	v30 =	vsel vm1, v30, v3  }
0x272: {  	v31 =	vld [tilespmem:s12+$0xFFFFFFA0];
	s29 =	sadd.s32 $0x8, s29;
	s26 =	sadd.s32 $0x80, s26;
	v34 =	vmovc v17;
	v35 =	vmovc v18;
	v36 =	vmov v19;
	v37 =	vmov v22;
	v38 =	vmov v23  }
0x273: {  	v17 =	vadd.f32 v10, v2;
	v18 =	vmul.f32 v26, v5;
	v5 =	vmovc v21;
	v22 =	vld [tilespmem:s12+$0x0];
	p0 =	slt.u32 s29, $0x2F8;
	(erf) = vrcp.f32 v29  }
0x274: {  	v19 =	vmul.f32 v28, v4;
	v23 =	vsel vm0, v25, v3;
	v4 =	vmovc v20;
	v21 =	vld [tilespmem:s12+$0xFFFFFFF0];
	(erf) = vrcp.f32 v32;
	[tilespmem:s28+$0xFFFFFFB0] =	vst v27  }
0x275: {  	vm0 =	vgt.f32 v14, $9.990000120e-01;
	v28 =	vld [tilespmem:s12+$0xFFFFFFE0];
	v14 =	vpop (erf);
	(erf) = vrcp.f32 v33;
	[tilespmem:s28+$0xFFFFFFC0] =	vst v18;
	v18 =	vmul.f32 v23, v6  }
0x276: {  	v23 =	vmul.f32 v30, v12;
	v6 =	vmovc v10;
	v29 =	vld [tilespmem:s12+$0xFFFFFF90];
	v20 =	vsel vm0, v14, v3;
	(erf) = vrcp.f32 v17;
	[tilespmem:s28+$0xFFFFFFD0] =	vst v19  }
0x277: {  	vm0 =	vgt.f32 v16, $9.990000120e-01;
	v17 =	vld [tilespmem:s12+$0xFFFFFFB0];
	v10 =	vmul.f32 v20, v9;
	v9 =	vmul.f32 v31, v31;
	[tilespmem:s28+$0xFFFFFFE0] =	vst v18;
	v14 =	vmovc v31  }
0x278: {  	vm1 =	vgt.f32 v15, $9.990000120e-01;
	vm3 =	vgt.f32 v34, $9.990000120e-01;
	v12 =	vmovc v8;
	v18 =	vld [tilespmem:s12+$0xFFFFFFC0];
	(erf) = vrcp.f32 v24;
	[tilespmem:s28+$0xFFFFFF90] =	vst v23;
	s28 =	smov.u32 s26  }
0x279: {  	vm4 =	vgt.f32 v11, $9.990000120e-01;
	vm5 =	vgt.f32 v13, $9.990000120e-01;
	v15 =	vadd.f32 v9, v2;
	[tilespmem:s26+$0xFFFFFFA0] =	vst v10;
	v8 =	vpop (erf)  }
0x27a: {  	vm2 =	vgt.f32 v7, $9.990000120e-01;
	v10 =	vmul.f32 v28, v28;
	v7 =	vld [tilespmem:s12+$0xFFFFFFD0];
	v16 =	vsel vm5, v8, v3;
	v20 =	vpop (erf)  }
0x27b: {  	v13 =	vmovc v22;
	v19 =	vmul.f32 v21, v21;
	v11 =	vmovc v21;
	vm5 =	vgt.f32 v35, $9.990000120e-01;
	v8 =	vmul.f32 v29, v29  }
0x27c: {  	v22 =	vmul.f32 v22, v13;
	(erf) = vrcp.f32 v15;
	v15 =	vsel vm4, v20, v3;
	v30 =	vpop (erf)  }
.Ltmp16:
0x27d: {  	v31 =	vadd.f32 v19, v2;
	v23 =	vmul.f32 v17, v17;
	v34 =	vmul.f32 v15, v36;
	v24 =	vpop (erf);
	(pc) =	sbr.rel @p0 .LBB2_28-.Ltmp16, $4  }
0x27e: {  	v27 =	vadd.f32 v22, v2;
	v32 =	vmul.f32 v16, v37;
	v21 =	vmul.f32 v18, v18;
	v16 =	vpop (erf)  }
0x27f: {  	v33 =	vsel vm3, v24, v3;
	v20 =	vmul.f32 v7, v7;
	v26 =	vsel vm5, v16, v3;
	[tilespmem:s26+$0xFFFFFFF0] =	vst v34;
	v25 =	vpop (erf)  }
0x280: {  	v24 =	vadd.f32 v8, v2;
	v16 =	vmovc v28;
	v15 =	vmovc v29;
	(erf) = vrcp.f32 v27;
	v27 =	vmul.f32 v33, v38  }
0x281: {  	s12 =	sadd.s32 $0x80, s12;
	v28 =	vsel vm2, v30, v3;
	v29 =	vadd.f32 v20, v2;
	(erf) = vrcp.f32 v31;
	[tilespmem:s26+$0x0] =	vst v32;
	v30 =	vpop (erf)  }
0x282: {  	v31 =	vadd.f32 v23, v2  }
0x283: {  	v32 =	vadd.f32 v21, v2;
	(erf) = vrcp.f32 v29  }
0x284: {  	(erf) = vrcp.f32 v31  }
0x285: {  	v29 =	vadd.f32 v10, v2;
	(erf) = vrcp.f32 v32  }
0x286: {  	v5 =	vmul.f32 v26, v5  }
0x287: {  	v4 =	vmul.f32 v28, v4;
	v25 =	vsel vm0, v25, v3;
	(erf) = vrcp.f32 v29  }
0x288: {  	vm0 =	vgt.f32 v14, $9.990000120e-01;
	[tilespmem:s28+$0xFFFFFFC0] =	vst v5;
	v5 =	vmul.f32 v25, v6;
	(erf) = vrcp.f32 v24;
	v24 =	vpop (erf)  }
0x289: {  	v14 =	vsel vm0, v24, v3  }
0x28a: {  	v6 =	vpop (erf);
	v9 =	vmul.f32 v14, v9  }
0x28b: {  	v26 =	vsel vm1, v30, v3;
	[tilespmem:s28+$0xFFFFFFD0] =	vst v4;
	v4 =	vpop (erf)  }
0x28c: {  	vm1 =	vgt.f32 v13, $9.990000120e-01;
	v12 =	vmul.f32 v26, v12;
	[tilespmem:s28+$0xFFFFFFE0] =	vst v5;
	vm0 =	vgt.f32 v11, $9.990000120e-01;
	v5 =	vpop (erf)  }
0x28d: {  	[tilespmem:s28+$0xFFFFFFB0] =	vst v27;
	s12 =	sadd.s32 $0x80, s26;
	v6 =	vsel vm1, v6, v3;
	vm1 =	vgt.f32 v18, $9.990000120e-01;
	v4 =	vsel vm0, v4, v3;
	v11 =	vpop (erf)  }
0x28e: {  	vm0 =	vgt.f32 v17, $9.990000120e-01;
	[tilespmem:s12+$0xFFFFFFA0] =	vst v9;
	v6 =	vmul.f32 v6, v22;
	v4 =	vmul.f32 v4, v19;
	v9 =	vpop (erf)  }
0x28f: {  	[tilespmem:s28+$0xFFFFFF90] =	vst v12;
	v11 =	vsel vm0, v11, v3;
	vm0 =	vgt.f32 v7, $9.990000120e-01;
	v7 =	vsel vm1, v9, v3  }
0x290: {  	[tilespmem:s12+$0xFFFFFFF0] =	vst v4;
	v4 =	vmul.f32 v11, v23  }
0x291: {  	[tilespmem:s12+$0x0] =	vst v6;
	vm1 =	vgt.f32 v16, $9.990000120e-01;
	v9 =	vpop (erf);
	v5 =	vsel vm0, v5, v3;
	v6 =	vmul.f32 v7, v21  }
0x292: {  	vm0 =	vgt.f32 v15, $9.990000120e-01;
	[tilespmem:s12+$0xFFFFFFB0] =	vst v4;
	v4 =	vmul.f32 v5, v20;
	v5 =	vsel vm1, v9, v3;
	v7 =	vpop (erf)  }
0x293: {  	[tilespmem:s12+$0xFFFFFFC0] =	vst v6;
	v5 =	vmul.f32 v5, v10;
	v7 =	vsel vm0, v7, v3  }
0x294: {  	[tilespmem:s12+$0xFFFFFFD0] =	vst v4;
	v6 =	vmul.f32 v7, v8  }
0x295: {  	[tilespmem:s12+$0xFFFFFFE0] =	vst v5  }
0x296: {  	[tilespmem:s12+$0xFFFFFF90] =	vst v6  }
0x297: {  	s13 =	simm.s32 $0xA000;
	s12 =	rddreg [dreg:$0x4]  }
0x298: {  	[hbm4b:s12+s20] =	stream.strided.scatter [tilespmem:s13], [sflag:$0xB], $0x1000, s21, s20, $0x38;
	[tilespmem:$0x10000] =	vst v63  }
0x299: {  	s13 =	simm.s32 $0x3070  }
0x29a: {  	v7 =	vld [tilespmem:s13+$0xFFFFFFA0]  }
0x29b: {  	v8 =	vld [tilespmem:s13+$0x0]  }
0x29c: {  	v19 =	vld [tilespmem:s13+$0xFFFFFFF0];
	_ =	sdelay $0x1  }
0x29d: {  	v20 =	vld [tilespmem:s13+$0xFFFFFFD0]  }
0x29e: {  	v18 =	vld [tilespmem:s13+$0xFFFFFFB0];
	v10 =	vmul.f32 v7, v7  }
0x29f: {  	v21 =	vld [tilespmem:s13+$0xFFFFFFC0];
	v24 =	vmul.f32 v8, v8  }
0x2a0: {  	v17 =	vld [tilespmem:s13+$0xFFFFFFE0];
	v25 =	vmul.f32 v19, v19;
	v4 =	vadd.f32 v10, v2  }
0x2a1: {  	v22 =	vld [tilespmem:s13+$0xFFFFFF90];
	v5 =	vadd.f32 v24, v2  }
0x2a2: {  	v9 =	vadd.f32 v25, v2;
	(erf) = vrcp.f32 v4  }
0x2a3: {  	v4 =	vmul.f32 v20, v20;
	(erf) = vrcp.f32 v5  }
0x2a4: {  	s26 =	simm.s32 $0x30F0;
	v27 =	vmul.f32 v18, v18;
	(erf) = vrcp.f32 v9  }
0x2a5: {  	v14 =	vld [tilespmem:s26+$0xFFFFFFA0];
	v5 =	vmul.f32 v21, v21;
	v11 =	vadd.f32 v4, v2  }
0x2a6: {  	v6 =	vmul.f32 v17, v17;
	v12 =	vmul.f32 v22, v22;
	v9 =	vadd.f32 v27, v2  }
0x2a7: {  	v16 =	vld [tilespmem:s26+$0xFFFFFFE0];
	vm0 =	vgt.f32 v7, $9.990000120e-01;
	v13 =	vadd.f32 v5, v2;
	(erf) = vrcp.f32 v11  }
0x2a8: {  	vm1 =	vgt.f32 v22, $9.990000120e-01;
	v23 =	vadd.f32 v6, v2;
	v11 =	vld [tilespmem:s26+$0xFFFFFFF0];
	(erf) = vrcp.f32 v9  }
0x2a9: {  	vm2 =	vgt.f32 v18, $9.990000120e-01;
	v26 =	vadd.f32 v12, v2;
	(erf) = vrcp.f32 v13;
	v13 =	vld [tilespmem:s26+$0x0]  }
0x2aa: {  	v15 =	vld [tilespmem:s26+$0xFFFFFF90];
	vm3 =	vgt.f32 v19, $9.990000120e-01;
	v9 =	vmul.f32 v14, v14;
	(erf) = vrcp.f32 v23  }
0x2ab: {  	v18 =	vld [tilespmem:s26+$0xFFFFFFC0];
	vm4 =	vgt.f32 v8, $9.990000120e-01;
	vm5 =	vgt.f32 v20, $9.990000120e-01;
	v7 =	vpop (erf);
	(erf) = vrcp.f32 v26  }
0x2ac: {  	v23 =	vadd.f32 v9, v2;
	v7 =	vsel vm0, v7, v3;
	vm0 =	vgt.f32 v17, $9.990000120e-01;
	v17 =	vld [tilespmem:s26+$0xFFFFFFB0];
	v8 =	vpop (erf)  }
0x2ad: {  	vm15 =	vgt.f32 v21, $9.990000120e-01;
	v19 =	vmul.f32 v11, v11;
	v28 =	vmul.f32 v7, v10;
	v7 =	vld [tilespmem:s26+$0xFFFFFFD0];
	v26 =	vpop (erf)  }
0x2ae: {  	(erf) = vrcp.f32 v23;
	v22 =	vmul.f32 v13, v13;
	v21 =	vsel vm3, v26, v3  }
0x2af: {  	v10 =	vmul.f32 v16, v16;
	v20 =	vsel vm4, v8, v3;
	v25 =	vmul.f32 v21, v25  }
0x2b0: {  	v8 =	vmul.f32 v15, v15;
	v63 =	vmul.f32 v20, v24;
	v30 =	vpop (erf);
	v29 =	vadd.f32 v22, v2  }
0x2b1: {  	v31 =	vadd.f32 v19, v2;
	s26 =	simm.s32 $0xB070;
	v21 =	vmul.f32 v18, v18;
	v26 =	vpop (erf);
	v23 =	vmul.f32 v17, v17  }
0x2b2: {  	[tilespmem:s26+$0xFFFFFFA0] =	vst v28;
	v24 =	vpop (erf);
	v28 =	vsel vm2, v26, v3;
	(erf) = vrcp.f32 v29;
	v20 =	vmul.f32 v7, v7  }
0x2b3: {  	[tilespmem:s26+$0xFFFFFFF0] =	vst v25;
	v26 =	vsel vm15, v24, v3;
	v24 =	vadd.f32 v8, v2;
	v27 =	vmul.f32 v28, v27;
	v25 =	vpop (erf)  }
0x2b4: {  	s29 =	simm.s32 $0x308;
	s28 =	simm.s32 $0xB070;
	s12 =	simm.s32 $0x3170;
	[tilespmem:s26+$0x0] =	vst v63;
	(erf) = vrcp.f32 v31;
	v28 =	vsel vm5, v30, v3;
	v29 =	vadd.f32 v20, v2;
	v30 =	vpop (erf)  }
.LBB2_30:
0x2b5: {  	v32 =	vadd.f32 v23, v2;
	v33 =	vadd.f32 v21, v2;
	v30 =	vsel vm1, v30, v3  }
0x2b6: {  	v31 =	vld [tilespmem:s12+$0xFFFFFFA0];
	s29 =	sadd.s32 $0x8, s29;
	s26 =	sadd.s32 $0x80, s26;
	v34 =	vmovc v17;
	v35 =	vmovc v18;
	v36 =	vmov v19;
	v37 =	vmov v22;
	v38 =	vmov v23  }
0x2b7: {  	v17 =	vadd.f32 v10, v2;
	v18 =	vmul.f32 v26, v5;
	v5 =	vmovc v21;
	v22 =	vld [tilespmem:s12+$0x0];
	p0 =	slt.u32 s29, $0x3F8;
	(erf) = vrcp.f32 v29  }
0x2b8: {  	v19 =	vmul.f32 v28, v4;
	v23 =	vsel vm0, v25, v3;
	v4 =	vmovc v20;
	v21 =	vld [tilespmem:s12+$0xFFFFFFF0];
	(erf) = vrcp.f32 v32;
	[tilespmem:s28+$0xFFFFFFB0] =	vst v27  }
0x2b9: {  	vm0 =	vgt.f32 v14, $9.990000120e-01;
	v28 =	vld [tilespmem:s12+$0xFFFFFFE0];
	v14 =	vpop (erf);
	(erf) = vrcp.f32 v33;
	[tilespmem:s28+$0xFFFFFFC0] =	vst v18;
	v18 =	vmul.f32 v23, v6  }
0x2ba: {  	v23 =	vmul.f32 v30, v12;
	v6 =	vmovc v10;
	v29 =	vld [tilespmem:s12+$0xFFFFFF90];
	v20 =	vsel vm0, v14, v3;
	(erf) = vrcp.f32 v17;
	[tilespmem:s28+$0xFFFFFFD0] =	vst v19  }
0x2bb: {  	vm0 =	vgt.f32 v16, $9.990000120e-01;
	v17 =	vld [tilespmem:s12+$0xFFFFFFB0];
	v10 =	vmul.f32 v20, v9;
	v9 =	vmul.f32 v31, v31;
	[tilespmem:s28+$0xFFFFFFE0] =	vst v18;
	v14 =	vmovc v31  }
0x2bc: {  	vm1 =	vgt.f32 v15, $9.990000120e-01;
	vm3 =	vgt.f32 v34, $9.990000120e-01;
	v12 =	vmovc v8;
	v18 =	vld [tilespmem:s12+$0xFFFFFFC0];
	(erf) = vrcp.f32 v24;
	[tilespmem:s28+$0xFFFFFF90] =	vst v23;
	s28 =	smov.u32 s26  }
0x2bd: {  	vm4 =	vgt.f32 v11, $9.990000120e-01;
	vm5 =	vgt.f32 v13, $9.990000120e-01;
	v15 =	vadd.f32 v9, v2;
	[tilespmem:s26+$0xFFFFFFA0] =	vst v10;
	v8 =	vpop (erf)  }
0x2be: {  	vm2 =	vgt.f32 v7, $9.990000120e-01;
	v10 =	vmul.f32 v28, v28;
	v7 =	vld [tilespmem:s12+$0xFFFFFFD0];
	v16 =	vsel vm5, v8, v3;
	v20 =	vpop (erf)  }
0x2bf: {  	v13 =	vmovc v22;
	v19 =	vmul.f32 v21, v21;
	v11 =	vmovc v21;
	vm5 =	vgt.f32 v35, $9.990000120e-01;
	v8 =	vmul.f32 v29, v29  }
0x2c0: {  	v22 =	vmul.f32 v22, v13;
	(erf) = vrcp.f32 v15;
	v15 =	vsel vm4, v20, v3;
	v30 =	vpop (erf)  }
.Ltmp17:
0x2c1: {  	v31 =	vadd.f32 v19, v2;
	v23 =	vmul.f32 v17, v17;
	v34 =	vmul.f32 v15, v36;
	v24 =	vpop (erf);
	(pc) =	sbr.rel @p0 .LBB2_30-.Ltmp17, $4  }
0x2c2: {  	v27 =	vadd.f32 v22, v2;
	v32 =	vmul.f32 v16, v37;
	v21 =	vmul.f32 v18, v18;
	v16 =	vpop (erf)  }
0x2c3: {  	v33 =	vsel vm3, v24, v3;
	v20 =	vmul.f32 v7, v7;
	v26 =	vsel vm5, v16, v3;
	[tilespmem:s26+$0xFFFFFFF0] =	vst v34;
	v25 =	vpop (erf)  }
0x2c4: {  	v24 =	vadd.f32 v8, v2;
	v16 =	vmovc v28;
	v15 =	vmovc v29;
	(erf) = vrcp.f32 v27;
	v27 =	vmul.f32 v33, v38  }
0x2c5: {  	s12 =	sadd.s32 $0x80, s12;
	v28 =	vsel vm2, v30, v3;
	v29 =	vadd.f32 v20, v2;
	(erf) = vrcp.f32 v31;
	[tilespmem:s26+$0x0] =	vst v32;
	v30 =	vpop (erf)  }
0x2c6: {  	v31 =	vadd.f32 v23, v2  }
0x2c7: {  	v32 =	vadd.f32 v21, v2;
	(erf) = vrcp.f32 v29  }
0x2c8: {  	(erf) = vrcp.f32 v31  }
0x2c9: {  	v61 =	vadd.f32 v10, v2;
	(erf) = vrcp.f32 v32  }
0x2ca: {  	v5 =	vmul.f32 v26, v5  }
0x2cb: {  	v4 =	vmul.f32 v28, v4;
	v25 =	vsel vm0, v25, v3;
	(erf) = vrcp.f32 v61  }
0x2cc: {  	vm0 =	vgt.f32 v14, $9.990000120e-01;
	[tilespmem:s28+$0xFFFFFFC0] =	vst v5;
	v5 =	vmul.f32 v25, v6;
	(erf) = vrcp.f32 v24;
	v24 =	vpop (erf)  }
0x2cd: {  	v14 =	vsel vm0, v24, v3  }
0x2ce: {  	v6 =	vpop (erf);
	v9 =	vmul.f32 v14, v9  }
0x2cf: {  	v26 =	vsel vm1, v30, v3;
	[tilespmem:s28+$0xFFFFFFD0] =	vst v4;
	v4 =	vpop (erf)  }
0x2d0: {  	vm1 =	vgt.f32 v13, $9.990000120e-01;
	v12 =	vmul.f32 v26, v12;
	[tilespmem:s28+$0xFFFFFFE0] =	vst v5;
	vm0 =	vgt.f32 v11, $9.990000120e-01;
	v5 =	vpop (erf)  }
0x2d1: {  	[tilespmem:s28+$0xFFFFFFB0] =	vst v27;
	s12 =	sadd.s32 $0x80, s26;
	v6 =	vsel vm1, v6, v3;
	vm1 =	vgt.f32 v18, $9.990000120e-01;
	v4 =	vsel vm0, v4, v3;
	v11 =	vpop (erf)  }
0x2d2: {  	vm0 =	vgt.f32 v17, $9.990000120e-01;
	[tilespmem:s12+$0xFFFFFFA0] =	vst v9;
	v6 =	vmul.f32 v6, v22;
	v4 =	vmul.f32 v4, v19;
	v9 =	vpop (erf)  }
0x2d3: {  	[tilespmem:s28+$0xFFFFFF90] =	vst v12;
	v11 =	vsel vm0, v11, v3;
	vm0 =	vgt.f32 v7, $9.990000120e-01;
	v7 =	vsel vm1, v9, v3  }
0x2d4: {  	[tilespmem:s12+$0xFFFFFFF0] =	vst v4;
	v4 =	vmul.f32 v11, v23  }
0x2d5: {  	[tilespmem:s12+$0x0] =	vst v6;
	vm1 =	vgt.f32 v16, $9.990000120e-01;
	v9 =	vpop (erf);
	v5 =	vsel vm0, v5, v3;
	v6 =	vmul.f32 v7, v21  }
0x2d6: {  	vm0 =	vgt.f32 v15, $9.990000120e-01;
	[tilespmem:s12+$0xFFFFFFB0] =	vst v4;
	v4 =	vmul.f32 v5, v20;
	v5 =	vsel vm1, v9, v3;
	v7 =	vpop (erf)  }
0x2d7: {  	[tilespmem:s12+$0xFFFFFFC0] =	vst v6;
	v5 =	vmul.f32 v5, v10;
	v7 =	vsel vm0, v7, v3  }
0x2d8: {  	[tilespmem:s12+$0xFFFFFFD0] =	vst v4;
	v6 =	vmul.f32 v7, v8  }
0x2d9: {  	[tilespmem:s12+$0xFFFFFFE0] =	vst v5  }
0x2da: {  	[tilespmem:s12+$0xFFFFFF90] =	vst v6  }
0x2db: {  	s13 =	simm.s32 $0xB000;
	s28 =	simm.s32 $0x0;
	s12 =	rddreg [dreg:$0x5]  }
0x2dc: {  	[hbm4b:s12+s20] =	stream.strided.scatter [tilespmem:s13], [sflag:$0xC], $0x1000, s21, s20, $0x38;
	[tilespmem:$0x10000] =	vst v63  }
0x2dd: {  	v6 =	vld [tilespmem:s28+$0x4040]  }
0x2de: {  	v7 =	vld [tilespmem:s28+$0x4060]  }
0x2df: {  	v11 =	vld [tilespmem:s28+$0x4070]  }
0x2e0: {  	v12 =	vld [tilespmem:s28+$0x4000];
	_ =	sdelay $0x1  }
0x2e1: {  	v13 =	vmul.f32 v6, v6  }
0x2e2: {  	v17 =	vmul.f32 v7, v7  }
0x2e3: {  	v19 =	vld [tilespmem:s28+$0x4030];
	v21 =	vmul.f32 v11, v11;
	v4 =	vadd.f32 v13, v2  }
0x2e4: {  	v14 =	vld [tilespmem:s28+$0x4010];
	v22 =	vmul.f32 v12, v12;
	v5 =	vadd.f32 v17, v2  }
0x2e5: {  	v16 =	vld [tilespmem:s28+$0x4050];
	v9 =	vadd.f32 v21, v2;
	(erf) = vrcp.f32 v4  }
0x2e6: {  	v4 =	vadd.f32 v22, v2;
	(erf) = vrcp.f32 v5  }
0x2e7: {  	v20 =	vld [tilespmem:s28+$0x4020];
	(erf) = vrcp.f32 v9  }
0x2e8: {  	(erf) = vrcp.f32 v4  }
0x2e9: {  	v8 =	vmul.f32 v19, v19  }
0x2ea: {  	v9 =	vmul.f32 v14, v14;
	v4 =	vmul.f32 v16, v16  }
0x2eb: {  	s26 =	simm.s32 $0x80;
	v5 =	vadd.f32 v8, v2  }
0x2ec: {  	v15 =	vld [tilespmem:s26+$0x4040];
	v18 =	vmul.f32 v20, v20;
	v10 =	vadd.f32 v9, v2;
	v23 =	vadd.f32 v4, v2  }
0x2ed: {  	vm2 =	vgt.f32 v14, $9.990000120e-01;
	(erf) = vrcp.f32 v5  }
0x2ee: {  	vm3 =	vgt.f32 v6, $9.990000120e-01;
	v14 =	vadd.f32 v18, v2;
	(erf) = vrcp.f32 v10;
	v10 =	vld [tilespmem:s26+$0x4060];
	v6 =	vpop (erf)  }
0x2ef: {  	v5 =	vld [tilespmem:s26+$0x4070];
	(erf) = vrcp.f32 v23;
	v6 =	vsel vm3, v6, v3;
	vm3 =	vgt.f32 v7, $9.990000120e-01;
	v7 =	vpop (erf)  }
0x2f0: {  	vm1 =	vgt.f32 v16, $9.990000120e-01;
	vm4 =	vgt.f32 v11, $9.990000120e-01;
	v16 =	vld [tilespmem:s26+$0x4000];
	(erf) = vrcp.f32 v14;
	v23 =	vpop (erf)  }
0x2f1: {  	vm5 =	vgt.f32 v12, $9.990000120e-01;
	v11 =	vmul.f32 v6, v13;
	v6 =	vmul.f32 v15, v15;
	v24 =	vpop (erf)  }
0x2f2: {  	vm0 =	vgt.f32 v20, $9.990000120e-01;
	v13 =	vld [tilespmem:s26+$0x4030];
	v7 =	vsel vm3, v7, v3;
	v24 =	vsel vm5, v24, v3  }
0x2f3: {  	v20 =	vld [tilespmem:s26+$0x4010];
	v14 =	vmul.f32 v10, v10;
	v25 =	vadd.f32 v6, v2;
	v22 =	vmul.f32 v24, v22  }
0x2f4: {  	v12 =	vmul.f32 v5, v5;
	v23 =	vsel vm4, v23, v3;
	v26 =	vmul.f32 v7, v17  }
0x2f5: {  	v7 =	vmul.f32 v16, v16;
	v24 =	vadd.f32 v14, v2;
	[tilespmem:s28+$0xC000] =	vst v22;
	v22 =	vmul.f32 v23, v21;
	v21 =	vld [tilespmem:s26+$0x4050]  }
0x2f6: {  	v27 =	vadd.f32 v12, v2;
	vm3 =	vgt.f32 v19, $9.990000120e-01;
	(erf) = vrcp.f32 v25  }
0x2f7: {  	v62 =	vadd.f32 v7, v2;
	v19 =	vmul.f32 v13, v13;
	(erf) = vrcp.f32 v24;
	v25 =	vpop (erf)  }
0x2f8: {  	v17 =	vmul.f32 v20, v20;
	[tilespmem:s28+$0xC040] =	vst v11;
	v11 =	vld [tilespmem:s26+$0x4020];
	(erf) = vrcp.f32 v27;
	v63 =	vpop (erf);
	v24 =	vsel vm3, v25, v3  }
0x2f9: {  	s29 =	simm.s32 $0x408;
	s12 =	simm.s32 $0x400;
	[tilespmem:s28+$0xC060] =	vst v26;
	v25 =	vadd.f32 v19, v2;
	(erf) = vrcp.f32 v62;
	v23 =	vpop (erf);
	v26 =	vsel vm2, v63, v3  }
.LBB2_32:
0x2fa: {  	s13 =	sshra.s32 s12, $0x2;
	s29 =	sadd.s32 $0x8, s29;
	v27 =	vadd.f32 v17, v2;
	v28 =	vmul.f32 v21, v21;
	v9 =	vmul.f32 v26, v9;
	v26 =	vpop (erf)  }
0x2fb: {  	v32 =	vmul.f32 v24, v8;
	v24 =	vmovc v13;
	v29 =	vld [tilespmem:s13+$0x4060];
	p0 =	slt.u32 s29, $0x4F8;
	(erf) = vrcp.f32 v25;
	v25 =	vsel vm0, v26, v3;
	v26 =	vmovc v12  }
0x2fc: {  	v13 =	vsel vm1, v23, v3;
	v23 =	vmovc v14;
	v30 =	vld [tilespmem:s13+$0x4070];
	v12 =	vadd.f32 v28, v2;
	(erf) = vrcp.f32 v27;
	[tilespmem:s28+$0xC010] =	vst v9  }
0x2fd: {  	v31 =	vmul.f32 v11, v11;
	vm0 =	vgt.f32 v11, $9.990000120e-01;
	v11 =	vmul.f32 v13, v4;
	v4 =	vmovc v28;
	v27 =	vld [tilespmem:s13+$0x4040];
	[tilespmem:s28+$0xC030] =	vst v32  }
0x2fe: {  	vm1 =	vgt.f32 v21, $9.990000120e-01;
	v8 =	vmovc v19;
	v28 =	vld [tilespmem:s13+$0x4010];
	(erf) = vrcp.f32 v12;
	v12 =	vmul.f32 v25, v18;
	[tilespmem:s28+$0xC070] =	vst v22;
	v9 =	vmovc v17  }
0x2ff: {  	vm2 =	vgt.f32 v20, $9.990000120e-01;
	vm3 =	vgt.f32 v15, $9.990000120e-01;
	v13 =	vadd.f32 v31, v2;
	v32 =	vld [tilespmem:s13+$0x4000];
	v14 =	vpop (erf);
	[tilespmem:s28+$0xC050] =	vst v11  }
0x300: {  	vm4 =	vgt.f32 v5, $9.990000120e-01;
	v11 =	vld [tilespmem:s13+$0x4020];
	v14 =	vsel vm3, v14, v3;
	vm3 =	vgt.f32 v10, $9.990000120e-01;
	v5 =	vpop (erf);
	[tilespmem:s28+$0xC020] =	vst v12;
	s28 =	smov.u32 s26;
	s26 =	smov.u32 s13  }
0x301: {  	vm5 =	vgt.f32 v16, $9.990000120e-01;
	v10 =	vmul.f32 v14, v6;
	(erf) = vrcp.f32 v13;
	v15 =	vpop (erf)  }
0x302: {  	v12 =	vmul.f32 v30, v30;
	v5 =	vsel vm3, v5, v3;
	v13 =	vld [tilespmem:s26+$0x4030];
	v6 =	vmul.f32 v27, v27;
	v16 =	vpop (erf)  }
0x303: {  	v14 =	vmul.f32 v29, v29;
	v15 =	vsel vm4, v15, v3;
	v16 =	vsel vm5, v16, v3;
	[tilespmem:s28+$0xC040] =	vst v10  }
0x304: {  	v18 =	vmul.f32 v5, v23;
	v19 =	vadd.f32 v6, v2;
	v16 =	vmul.f32 v16, v7;
	v20 =	vpop (erf)  }
.Ltmp18:
0x305: {  	v22 =	vadd.f32 v14, v2;
	v25 =	vadd.f32 v12, v2;
	v7 =	vmul.f32 v32, v32;
	v21 =	vld [tilespmem:s26+$0x4050];
	v33 =	vpop (erf);
	(pc) =	sbr.rel @p0 .LBB2_32-.Ltmp18, $4  }
0x306: {  	vm3 =	vgt.f32 v24, $9.990000120e-01;
	v17 =	vmul.f32 v28, v28;
	v5 =	vmovc v30;
	v10 =	vmovc v29;
	(erf) = vrcp.f32 v19;
	[tilespmem:s28+$0xC000] =	vst v16  }
0x307: {  	v29 =	vadd.f32 v7, v2;
	v19 =	vmul.f32 v13, v13;
	(erf) = vrcp.f32 v22;
	[tilespmem:s28+$0xC060] =	vst v18;
	v23 =	vpop (erf)  }
0x308: {  	v24 =	vsel vm3, v20, v3;
	v22 =	vmul.f32 v15, v26;
	v15 =	vmovc v27;
	v18 =	vmovc v31;
	(erf) = vrcp.f32 v25  }
0x309: {  	s12 =	sadd.s32 $0x200, s12;
	v20 =	vmovc v28;
	v26 =	vsel vm2, v33, v3;
	v16 =	vmovc v32;
	v25 =	vadd.f32 v19, v2;
	(erf) = vrcp.f32 v29  }
0x30a: {  	v27 =	vadd.f32 v17, v2  }
0x30b: {  	v28 =	vmul.f32 v21, v21;
	(erf) = vrcp.f32 v25  }
0x30c: {  	v25 =	vmul.f32 v11, v11;
	(erf) = vrcp.f32 v27  }
0x30d: {  	v9 =	vmul.f32 v26, v9;
	v27 =	vadd.f32 v28, v2  }
0x30e: {  	v26 =	vpop (erf);
	v8 =	vmul.f32 v24, v8;
	v29 =	vadd.f32 v25, v2  }
0x30f: {  	v26 =	vsel vm0, v26, v3;
	[tilespmem:s28+$0xC010] =	vst v9;
	v9 =	vsel vm1, v23, v3;
	(erf) = vrcp.f32 v27  }
0x310: {  	vm0 =	vgt.f32 v15, $9.990000120e-01;
	v4 =	vmul.f32 v9, v4;
	v24 =	vpop (erf);
	(erf) = vrcp.f32 v29  }
0x311: {  	[tilespmem:s28+$0xC030] =	vst v8;
	v9 =	vmul.f32 v26, v18;
	v23 =	vpop (erf);
	v15 =	vsel vm0, v24, v3  }
0x312: {  	vm1 =	vgt.f32 v10, $9.990000120e-01;
	[tilespmem:s28+$0xC050] =	vst v4;
	v8 =	vpop (erf);
	v4 =	vmul.f32 v15, v6  }
0x313: {  	[tilespmem:s28+$0xC020] =	vst v9;
	vm0 =	vgt.f32 v16, $9.990000120e-01;
	v9 =	vsel vm1, v23, v3;
	v16 =	vpop (erf)  }
0x314: {  	v6 =	vsel vm0, v16, v3;
	[tilespmem:s26+$0xC040] =	vst v4;
	v4 =	vmul.f32 v9, v14;
	v10 =	vpop (erf)  }
0x315: {  	vm0 =	vgt.f32 v20, $9.990000120e-01;
	v6 =	vmul.f32 v6, v7;
	v7 =	vpop (erf)  }
0x316: {  	[tilespmem:s28+$0xC070] =	vst v22;
	vm1 =	vgt.f32 v13, $9.990000120e-01;
	v7 =	vsel vm0, v7, v3  }
0x317: {  	vm0 =	vgt.f32 v5, $9.990000120e-01;
	[tilespmem:s26+$0xC000] =	vst v6;
	v5 =	vsel vm1, v10, v3;
	v6 =	vmul.f32 v7, v17  }
0x318: {  	[tilespmem:s26+$0xC060] =	vst v4;
	vm1 =	vgt.f32 v21, $9.990000120e-01;
	v7 =	vsel vm0, v8, v3;
	v4 =	vpop (erf);
	v5 =	vmul.f32 v5, v19  }
0x319: {  	vm0 =	vgt.f32 v11, $9.990000120e-01;
	v7 =	vmul.f32 v7, v12;
	v8 =	vpop (erf);
	v4 =	vsel vm1, v4, v3;
	[tilespmem:s26+$0xC010] =	vst v6  }
0x31a: {  	v6 =	vsel vm0, v8, v3;
	[tilespmem:s26+$0xC030] =	vst v5;
	v4 =	vmul.f32 v4, v28  }
0x31b: {  	v5 =	vmul.f32 v6, v25;
	[tilespmem:s26+$0xC070] =	vst v7  }
0x31c: {  	[tilespmem:s26+$0xC050] =	vst v4  }
0x31d: {  	[tilespmem:s26+$0xC020] =	vst v5  }
0x31e: {  	s13 =	simm.s32 $0xC000;
	s28 =	simm.s32 $0x0;
	s12 =	rddreg [dreg:$0x6]  }
0x31f: {  	[hbm4b:s12+s20] =	stream.strided.scatter [tilespmem:s13], [sflag:$0xD], $0x1000, s21, s20, $0x38;
	[tilespmem:$0x10000] =	vst v63  }
0x320: {  	v6 =	vld [tilespmem:s28+$0x5040]  }
0x321: {  	v7 =	vld [tilespmem:s28+$0x5060]  }
0x322: {  	v11 =	vld [tilespmem:s28+$0x5070]  }
0x323: {  	v12 =	vld [tilespmem:s28+$0x5000];
	_ =	sdelay $0x1  }
0x324: {  	v13 =	vmul.f32 v6, v6  }
0x325: {  	v17 =	vmul.f32 v7, v7  }
0x326: {  	v19 =	vld [tilespmem:s28+$0x5030];
	v21 =	vmul.f32 v11, v11;
	v4 =	vadd.f32 v13, v2  }
0x327: {  	v14 =	vld [tilespmem:s28+$0x5010];
	v22 =	vmul.f32 v12, v12;
	v5 =	vadd.f32 v17, v2  }
0x328: {  	v16 =	vld [tilespmem:s28+$0x5050];
	v9 =	vadd.f32 v21, v2;
	(erf) = vrcp.f32 v4  }
0x329: {  	v4 =	vadd.f32 v22, v2;
	(erf) = vrcp.f32 v5  }
0x32a: {  	v20 =	vld [tilespmem:s28+$0x5020];
	(erf) = vrcp.f32 v9  }
0x32b: {  	(erf) = vrcp.f32 v4  }
0x32c: {  	v8 =	vmul.f32 v19, v19  }
0x32d: {  	v9 =	vmul.f32 v14, v14;
	v4 =	vmul.f32 v16, v16  }
0x32e: {  	s26 =	simm.s32 $0x80;
	v5 =	vadd.f32 v8, v2  }
0x32f: {  	v15 =	vld [tilespmem:s26+$0x5040];
	v18 =	vmul.f32 v20, v20;
	v10 =	vadd.f32 v9, v2;
	v23 =	vadd.f32 v4, v2  }
0x330: {  	vm2 =	vgt.f32 v14, $9.990000120e-01;
	(erf) = vrcp.f32 v5  }
0x331: {  	vm3 =	vgt.f32 v6, $9.990000120e-01;
	v14 =	vadd.f32 v18, v2;
	(erf) = vrcp.f32 v10;
	v10 =	vld [tilespmem:s26+$0x5060];
	v6 =	vpop (erf)  }
0x332: {  	v5 =	vld [tilespmem:s26+$0x5070];
	(erf) = vrcp.f32 v23;
	v6 =	vsel vm3, v6, v3;
	vm3 =	vgt.f32 v7, $9.990000120e-01;
	v7 =	vpop (erf)  }
0x333: {  	vm1 =	vgt.f32 v16, $9.990000120e-01;
	vm4 =	vgt.f32 v11, $9.990000120e-01;
	v16 =	vld [tilespmem:s26+$0x5000];
	(erf) = vrcp.f32 v14;
	v23 =	vpop (erf)  }
0x334: {  	vm5 =	vgt.f32 v12, $9.990000120e-01;
	v11 =	vmul.f32 v6, v13;
	v6 =	vmul.f32 v15, v15;
	v24 =	vpop (erf)  }
0x335: {  	vm0 =	vgt.f32 v20, $9.990000120e-01;
	v13 =	vld [tilespmem:s26+$0x5030];
	v7 =	vsel vm3, v7, v3;
	v24 =	vsel vm5, v24, v3  }
0x336: {  	v20 =	vld [tilespmem:s26+$0x5010];
	v14 =	vmul.f32 v10, v10;
	v25 =	vadd.f32 v6, v2;
	v22 =	vmul.f32 v24, v22  }
0x337: {  	v12 =	vmul.f32 v5, v5;
	v23 =	vsel vm4, v23, v3;
	v26 =	vmul.f32 v7, v17  }
0x338: {  	v7 =	vmul.f32 v16, v16;
	v24 =	vadd.f32 v14, v2;
	[tilespmem:s28+$0xD000] =	vst v22;
	v22 =	vmul.f32 v23, v21;
	v21 =	vld [tilespmem:s26+$0x5050]  }
0x339: {  	v27 =	vadd.f32 v12, v2;
	vm3 =	vgt.f32 v19, $9.990000120e-01;
	(erf) = vrcp.f32 v25  }
0x33a: {  	v62 =	vadd.f32 v7, v2;
	v19 =	vmul.f32 v13, v13;
	(erf) = vrcp.f32 v24;
	v25 =	vpop (erf)  }
0x33b: {  	v17 =	vmul.f32 v20, v20;
	[tilespmem:s28+$0xD040] =	vst v11;
	v11 =	vld [tilespmem:s26+$0x5020];
	(erf) = vrcp.f32 v27;
	v63 =	vpop (erf);
	v24 =	vsel vm3, v25, v3  }
0x33c: {  	s29 =	simm.s32 $0x508;
	s12 =	simm.s32 $0x400;
	[tilespmem:s28+$0xD060] =	vst v26;
	v25 =	vadd.f32 v19, v2;
	(erf) = vrcp.f32 v62;
	v23 =	vpop (erf);
	v26 =	vsel vm2, v63, v3  }
.LBB2_34:
0x33d: {  	s13 =	sshra.s32 s12, $0x2;
	s29 =	sadd.s32 $0x8, s29;
	v27 =	vadd.f32 v17, v2;
	v28 =	vmul.f32 v21, v21;
	v9 =	vmul.f32 v26, v9;
	v26 =	vpop (erf)  }
0x33e: {  	v32 =	vmul.f32 v24, v8;
	v24 =	vmovc v13;
	v29 =	vld [tilespmem:s13+$0x5060];
	p0 =	slt.u32 s29, $0x5F8;
	(erf) = vrcp.f32 v25;
	v25 =	vsel vm0, v26, v3;
	v26 =	vmovc v12  }
0x33f: {  	v13 =	vsel vm1, v23, v3;
	v23 =	vmovc v14;
	v30 =	vld [tilespmem:s13+$0x5070];
	v12 =	vadd.f32 v28, v2;
	(erf) = vrcp.f32 v27;
	[tilespmem:s28+$0xD010] =	vst v9  }
0x340: {  	v31 =	vmul.f32 v11, v11;
	vm0 =	vgt.f32 v11, $9.990000120e-01;
	v11 =	vmul.f32 v13, v4;
	v4 =	vmovc v28;
	v27 =	vld [tilespmem:s13+$0x5040];
	[tilespmem:s28+$0xD030] =	vst v32  }
0x341: {  	vm1 =	vgt.f32 v21, $9.990000120e-01;
	v8 =	vmovc v19;
	v28 =	vld [tilespmem:s13+$0x5010];
	(erf) = vrcp.f32 v12;
	v12 =	vmul.f32 v25, v18;
	[tilespmem:s28+$0xD070] =	vst v22;
	v9 =	vmovc v17  }
0x342: {  	vm2 =	vgt.f32 v20, $9.990000120e-01;
	vm3 =	vgt.f32 v15, $9.990000120e-01;
	v13 =	vadd.f32 v31, v2;
	v32 =	vld [tilespmem:s13+$0x5000];
	v14 =	vpop (erf);
	[tilespmem:s28+$0xD050] =	vst v11  }
0x343: {  	vm4 =	vgt.f32 v5, $9.990000120e-01;
	v11 =	vld [tilespmem:s13+$0x5020];
	v14 =	vsel vm3, v14, v3;
	vm3 =	vgt.f32 v10, $9.990000120e-01;
	v5 =	vpop (erf);
	[tilespmem:s28+$0xD020] =	vst v12;
	s28 =	smov.u32 s26;
	s26 =	smov.u32 s13  }
0x344: {  	vm5 =	vgt.f32 v16, $9.990000120e-01;
	v10 =	vmul.f32 v14, v6;
	(erf) = vrcp.f32 v13;
	v15 =	vpop (erf)  }
0x345: {  	v12 =	vmul.f32 v30, v30;
	v5 =	vsel vm3, v5, v3;
	v13 =	vld [tilespmem:s26+$0x5030];
	v6 =	vmul.f32 v27, v27;
	v16 =	vpop (erf)  }
0x346: {  	v14 =	vmul.f32 v29, v29;
	v15 =	vsel vm4, v15, v3;
	v16 =	vsel vm5, v16, v3;
	[tilespmem:s28+$0xD040] =	vst v10  }
0x347: {  	v18 =	vmul.f32 v5, v23;
	v19 =	vadd.f32 v6, v2;
	v16 =	vmul.f32 v16, v7;
	v20 =	vpop (erf)  }
.Ltmp19:
0x348: {  	v22 =	vadd.f32 v14, v2;
	v25 =	vadd.f32 v12, v2;
	v7 =	vmul.f32 v32, v32;
	v21 =	vld [tilespmem:s26+$0x5050];
	v33 =	vpop (erf);
	(pc) =	sbr.rel @p0 .LBB2_34-.Ltmp19, $4  }
0x349: {  	vm3 =	vgt.f32 v24, $9.990000120e-01;
	v17 =	vmul.f32 v28, v28;
	v5 =	vmovc v30;
	v10 =	vmovc v29;
	(erf) = vrcp.f32 v19;
	[tilespmem:s28+$0xD000] =	vst v16  }
0x34a: {  	v29 =	vadd.f32 v7, v2;
	v19 =	vmul.f32 v13, v13;
	(erf) = vrcp.f32 v22;
	[tilespmem:s28+$0xD060] =	vst v18;
	v23 =	vpop (erf)  }
0x34b: {  	v24 =	vsel vm3, v20, v3;
	v22 =	vmul.f32 v15, v26;
	v15 =	vmovc v27;
	v18 =	vmovc v31;
	(erf) = vrcp.f32 v25  }
0x34c: {  	s12 =	sadd.s32 $0x200, s12;
	v20 =	vmovc v28;
	v26 =	vsel vm2, v33, v3;
	v16 =	vmovc v32;
	v25 =	vadd.f32 v19, v2;
	(erf) = vrcp.f32 v29  }
0x34d: {  	v27 =	vadd.f32 v17, v2  }
0x34e: {  	v28 =	vmul.f32 v21, v21;
	(erf) = vrcp.f32 v25  }
0x34f: {  	v25 =	vmul.f32 v11, v11;
	(erf) = vrcp.f32 v27  }
0x350: {  	v9 =	vmul.f32 v26, v9;
	v27 =	vadd.f32 v28, v2  }
0x351: {  	v26 =	vpop (erf);
	v8 =	vmul.f32 v24, v8;
	v29 =	vadd.f32 v25, v2  }
0x352: {  	v26 =	vsel vm0, v26, v3;
	[tilespmem:s28+$0xD010] =	vst v9;
	v9 =	vsel vm1, v23, v3;
	(erf) = vrcp.f32 v27  }
0x353: {  	vm0 =	vgt.f32 v15, $9.990000120e-01;
	v4 =	vmul.f32 v9, v4;
	v24 =	vpop (erf);
	(erf) = vrcp.f32 v29  }
0x354: {  	[tilespmem:s28+$0xD030] =	vst v8;
	v9 =	vmul.f32 v26, v18;
	v23 =	vpop (erf);
	v15 =	vsel vm0, v24, v3  }
0x355: {  	vm1 =	vgt.f32 v10, $9.990000120e-01;
	[tilespmem:s28+$0xD050] =	vst v4;
	v8 =	vpop (erf);
	v4 =	vmul.f32 v15, v6  }
0x356: {  	[tilespmem:s28+$0xD020] =	vst v9;
	vm0 =	vgt.f32 v16, $9.990000120e-01;
	v9 =	vsel vm1, v23, v3;
	v16 =	vpop (erf)  }
0x357: {  	v6 =	vsel vm0, v16, v3;
	[tilespmem:s26+$0xD040] =	vst v4;
	v4 =	vmul.f32 v9, v14;
	v10 =	vpop (erf)  }
0x358: {  	vm0 =	vgt.f32 v20, $9.990000120e-01;
	v6 =	vmul.f32 v6, v7;
	v7 =	vpop (erf)  }
0x359: {  	[tilespmem:s28+$0xD070] =	vst v22;
	vm1 =	vgt.f32 v13, $9.990000120e-01;
	v7 =	vsel vm0, v7, v3  }
0x35a: {  	vm0 =	vgt.f32 v5, $9.990000120e-01;
	[tilespmem:s26+$0xD000] =	vst v6;
	v5 =	vsel vm1, v10, v3;
	v6 =	vmul.f32 v7, v17  }
0x35b: {  	[tilespmem:s26+$0xD060] =	vst v4;
	vm1 =	vgt.f32 v21, $9.990000120e-01;
	v7 =	vsel vm0, v8, v3;
	v4 =	vpop (erf);
	v5 =	vmul.f32 v5, v19  }
0x35c: {  	vm0 =	vgt.f32 v11, $9.990000120e-01;
	v7 =	vmul.f32 v7, v12;
	v8 =	vpop (erf);
	v4 =	vsel vm1, v4, v3;
	[tilespmem:s26+$0xD010] =	vst v6  }
0x35d: {  	v6 =	vsel vm0, v8, v3;
	[tilespmem:s26+$0xD030] =	vst v5;
	v4 =	vmul.f32 v4, v28  }
0x35e: {  	v5 =	vmul.f32 v6, v25;
	[tilespmem:s26+$0xD070] =	vst v7  }
0x35f: {  	[tilespmem:s26+$0xD050] =	vst v4  }
0x360: {  	[tilespmem:s26+$0xD020] =	vst v5  }
0x361: {  	s13 =	simm.s32 $0xD000;
	s28 =	simm.s32 $0x0;
	s12 =	rddreg [dreg:$0x7]  }
0x362: {  	[hbm4b:s12+s20] =	stream.strided.scatter [tilespmem:s13], [sflag:$0xE], $0x1000, s21, s20, $0x38;
	[tilespmem:$0x10000] =	vst v63  }
0x363: {  	v6 =	vld [tilespmem:s28+$0x6040]  }
0x364: {  	v7 =	vld [tilespmem:s28+$0x6060]  }
0x365: {  	v11 =	vld [tilespmem:s28+$0x6070]  }
0x366: {  	v12 =	vld [tilespmem:s28+$0x6000];
	_ =	sdelay $0x1  }
0x367: {  	v13 =	vmul.f32 v6, v6  }
0x368: {  	v17 =	vmul.f32 v7, v7  }
0x369: {  	v19 =	vld [tilespmem:s28+$0x6030];
	v21 =	vmul.f32 v11, v11;
	v4 =	vadd.f32 v13, v2  }
0x36a: {  	v14 =	vld [tilespmem:s28+$0x6010];
	v22 =	vmul.f32 v12, v12;
	v5 =	vadd.f32 v17, v2  }
0x36b: {  	v16 =	vld [tilespmem:s28+$0x6050];
	v9 =	vadd.f32 v21, v2;
	(erf) = vrcp.f32 v4  }
0x36c: {  	v4 =	vadd.f32 v22, v2;
	(erf) = vrcp.f32 v5  }
0x36d: {  	v20 =	vld [tilespmem:s28+$0x6020];
	(erf) = vrcp.f32 v9  }
0x36e: {  	(erf) = vrcp.f32 v4  }
0x36f: {  	v8 =	vmul.f32 v19, v19  }
0x370: {  	v9 =	vmul.f32 v14, v14;
	v4 =	vmul.f32 v16, v16  }
0x371: {  	s26 =	simm.s32 $0x80;
	v5 =	vadd.f32 v8, v2  }
0x372: {  	v15 =	vld [tilespmem:s26+$0x6040];
	v18 =	vmul.f32 v20, v20;
	v10 =	vadd.f32 v9, v2;
	v23 =	vadd.f32 v4, v2  }
0x373: {  	vm2 =	vgt.f32 v14, $9.990000120e-01;
	(erf) = vrcp.f32 v5  }
0x374: {  	vm3 =	vgt.f32 v6, $9.990000120e-01;
	v14 =	vadd.f32 v18, v2;
	(erf) = vrcp.f32 v10;
	v10 =	vld [tilespmem:s26+$0x6060];
	v6 =	vpop (erf)  }
0x375: {  	v5 =	vld [tilespmem:s26+$0x6070];
	(erf) = vrcp.f32 v23;
	v6 =	vsel vm3, v6, v3;
	vm3 =	vgt.f32 v7, $9.990000120e-01;
	v7 =	vpop (erf)  }
0x376: {  	vm1 =	vgt.f32 v16, $9.990000120e-01;
	vm4 =	vgt.f32 v11, $9.990000120e-01;
	v16 =	vld [tilespmem:s26+$0x6000];
	(erf) = vrcp.f32 v14;
	v23 =	vpop (erf)  }
0x377: {  	vm5 =	vgt.f32 v12, $9.990000120e-01;
	v11 =	vmul.f32 v6, v13;
	v6 =	vmul.f32 v15, v15;
	v24 =	vpop (erf)  }
0x378: {  	vm0 =	vgt.f32 v20, $9.990000120e-01;
	v13 =	vld [tilespmem:s26+$0x6030];
	v7 =	vsel vm3, v7, v3;
	v24 =	vsel vm5, v24, v3  }
0x379: {  	v20 =	vld [tilespmem:s26+$0x6010];
	v14 =	vmul.f32 v10, v10;
	v25 =	vadd.f32 v6, v2;
	v22 =	vmul.f32 v24, v22  }
0x37a: {  	v12 =	vmul.f32 v5, v5;
	v23 =	vsel vm4, v23, v3;
	v26 =	vmul.f32 v7, v17  }
0x37b: {  	v7 =	vmul.f32 v16, v16;
	v24 =	vadd.f32 v14, v2;
	[tilespmem:s28+$0xE000] =	vst v22;
	v22 =	vmul.f32 v23, v21;
	v21 =	vld [tilespmem:s26+$0x6050]  }
0x37c: {  	v27 =	vadd.f32 v12, v2;
	vm3 =	vgt.f32 v19, $9.990000120e-01;
	(erf) = vrcp.f32 v25  }
0x37d: {  	v62 =	vadd.f32 v7, v2;
	v19 =	vmul.f32 v13, v13;
	(erf) = vrcp.f32 v24;
	v25 =	vpop (erf)  }
0x37e: {  	v17 =	vmul.f32 v20, v20;
	[tilespmem:s28+$0xE040] =	vst v11;
	v11 =	vld [tilespmem:s26+$0x6020];
	(erf) = vrcp.f32 v27;
	v63 =	vpop (erf);
	v24 =	vsel vm3, v25, v3  }
0x37f: {  	s29 =	simm.s32 $0x608;
	s12 =	simm.s32 $0x400;
	[tilespmem:s28+$0xE060] =	vst v26;
	v25 =	vadd.f32 v19, v2;
	(erf) = vrcp.f32 v62;
	v23 =	vpop (erf);
	v26 =	vsel vm2, v63, v3  }
.LBB2_36:
0x380: {  	s13 =	sshra.s32 s12, $0x2;
	s29 =	sadd.s32 $0x8, s29;
	v27 =	vadd.f32 v17, v2;
	v28 =	vmul.f32 v21, v21;
	v9 =	vmul.f32 v26, v9;
	v26 =	vpop (erf)  }
0x381: {  	v32 =	vmul.f32 v24, v8;
	v24 =	vmovc v13;
	v29 =	vld [tilespmem:s13+$0x6060];
	p0 =	slt.u32 s29, $0x6F8;
	(erf) = vrcp.f32 v25;
	v25 =	vsel vm0, v26, v3;
	v26 =	vmovc v12  }
0x382: {  	v13 =	vsel vm1, v23, v3;
	v23 =	vmovc v14;
	v30 =	vld [tilespmem:s13+$0x6070];
	v12 =	vadd.f32 v28, v2;
	(erf) = vrcp.f32 v27;
	[tilespmem:s28+$0xE010] =	vst v9  }
0x383: {  	v31 =	vmul.f32 v11, v11;
	vm0 =	vgt.f32 v11, $9.990000120e-01;
	v11 =	vmul.f32 v13, v4;
	v4 =	vmovc v28;
	v27 =	vld [tilespmem:s13+$0x6040];
	[tilespmem:s28+$0xE030] =	vst v32  }
0x384: {  	vm1 =	vgt.f32 v21, $9.990000120e-01;
	v8 =	vmovc v19;
	v28 =	vld [tilespmem:s13+$0x6010];
	(erf) = vrcp.f32 v12;
	v12 =	vmul.f32 v25, v18;
	[tilespmem:s28+$0xE070] =	vst v22;
	v9 =	vmovc v17  }
0x385: {  	vm2 =	vgt.f32 v20, $9.990000120e-01;
	vm3 =	vgt.f32 v15, $9.990000120e-01;
	v13 =	vadd.f32 v31, v2;
	v32 =	vld [tilespmem:s13+$0x6000];
	v14 =	vpop (erf);
	[tilespmem:s28+$0xE050] =	vst v11  }
0x386: {  	vm4 =	vgt.f32 v5, $9.990000120e-01;
	v11 =	vld [tilespmem:s13+$0x6020];
	v14 =	vsel vm3, v14, v3;
	vm3 =	vgt.f32 v10, $9.990000120e-01;
	v5 =	vpop (erf);
	[tilespmem:s28+$0xE020] =	vst v12;
	s28 =	smov.u32 s26;
	s26 =	smov.u32 s13  }
0x387: {  	vm5 =	vgt.f32 v16, $9.990000120e-01;
	v10 =	vmul.f32 v14, v6;
	(erf) = vrcp.f32 v13;
	v15 =	vpop (erf)  }
0x388: {  	v12 =	vmul.f32 v30, v30;
	v5 =	vsel vm3, v5, v3;
	v13 =	vld [tilespmem:s26+$0x6030];
	v6 =	vmul.f32 v27, v27;
	v16 =	vpop (erf)  }
0x389: {  	v14 =	vmul.f32 v29, v29;
	v15 =	vsel vm4, v15, v3;
	v16 =	vsel vm5, v16, v3;
	[tilespmem:s28+$0xE040] =	vst v10  }
0x38a: {  	v18 =	vmul.f32 v5, v23;
	v19 =	vadd.f32 v6, v2;
	v16 =	vmul.f32 v16, v7;
	v20 =	vpop (erf)  }
.Ltmp20:
0x38b: {  	v22 =	vadd.f32 v14, v2;
	v25 =	vadd.f32 v12, v2;
	v7 =	vmul.f32 v32, v32;
	v21 =	vld [tilespmem:s26+$0x6050];
	v33 =	vpop (erf);
	(pc) =	sbr.rel @p0 .LBB2_36-.Ltmp20, $4  }
0x38c: {  	vm3 =	vgt.f32 v24, $9.990000120e-01;
	v17 =	vmul.f32 v28, v28;
	v5 =	vmovc v30;
	v10 =	vmovc v29;
	(erf) = vrcp.f32 v19;
	[tilespmem:s28+$0xE000] =	vst v16  }
0x38d: {  	v29 =	vadd.f32 v7, v2;
	v19 =	vmul.f32 v13, v13;
	(erf) = vrcp.f32 v22;
	[tilespmem:s28+$0xE060] =	vst v18;
	v23 =	vpop (erf)  }
0x38e: {  	v24 =	vsel vm3, v20, v3;
	v22 =	vmul.f32 v15, v26;
	v15 =	vmovc v27;
	v18 =	vmovc v31;
	(erf) = vrcp.f32 v25  }
0x38f: {  	s12 =	sadd.s32 $0x200, s12;
	v20 =	vmovc v28;
	v26 =	vsel vm2, v33, v3;
	v16 =	vmovc v32;
	v25 =	vadd.f32 v19, v2;
	(erf) = vrcp.f32 v29  }
0x390: {  	v27 =	vadd.f32 v17, v2  }
0x391: {  	v28 =	vmul.f32 v21, v21;
	(erf) = vrcp.f32 v25  }
0x392: {  	v25 =	vmul.f32 v11, v11;
	(erf) = vrcp.f32 v27  }
0x393: {  	v9 =	vmul.f32 v26, v9;
	v27 =	vadd.f32 v28, v2  }
0x394: {  	v26 =	vpop (erf);
	v8 =	vmul.f32 v24, v8;
	v29 =	vadd.f32 v25, v2  }
0x395: {  	v26 =	vsel vm0, v26, v3;
	[tilespmem:s28+$0xE010] =	vst v9;
	v9 =	vsel vm1, v23, v3;
	(erf) = vrcp.f32 v27  }
0x396: {  	vm0 =	vgt.f32 v15, $9.990000120e-01;
	v4 =	vmul.f32 v9, v4;
	v24 =	vpop (erf);
	(erf) = vrcp.f32 v29  }
0x397: {  	[tilespmem:s28+$0xE030] =	vst v8;
	v9 =	vmul.f32 v26, v18;
	v23 =	vpop (erf);
	v15 =	vsel vm0, v24, v3  }
0x398: {  	vm1 =	vgt.f32 v10, $9.990000120e-01;
	[tilespmem:s28+$0xE050] =	vst v4;
	v8 =	vpop (erf);
	v4 =	vmul.f32 v15, v6  }
0x399: {  	[tilespmem:s28+$0xE020] =	vst v9;
	vm0 =	vgt.f32 v16, $9.990000120e-01;
	v9 =	vsel vm1, v23, v3;
	v16 =	vpop (erf)  }
0x39a: {  	v6 =	vsel vm0, v16, v3;
	[tilespmem:s26+$0xE040] =	vst v4;
	v4 =	vmul.f32 v9, v14;
	v10 =	vpop (erf)  }
0x39b: {  	vm0 =	vgt.f32 v20, $9.990000120e-01;
	v6 =	vmul.f32 v6, v7;
	v7 =	vpop (erf)  }
0x39c: {  	[tilespmem:s28+$0xE070] =	vst v22;
	vm1 =	vgt.f32 v13, $9.990000120e-01;
	v7 =	vsel vm0, v7, v3  }
0x39d: {  	vm0 =	vgt.f32 v5, $9.990000120e-01;
	[tilespmem:s26+$0xE000] =	vst v6;
	v5 =	vsel vm1, v10, v3;
	v6 =	vmul.f32 v7, v17  }
0x39e: {  	[tilespmem:s26+$0xE060] =	vst v4;
	vm1 =	vgt.f32 v21, $9.990000120e-01;
	v7 =	vsel vm0, v8, v3;
	v4 =	vpop (erf);
	v5 =	vmul.f32 v5, v19  }
0x39f: {  	vm0 =	vgt.f32 v11, $9.990000120e-01;
	v7 =	vmul.f32 v7, v12;
	v8 =	vpop (erf);
	v4 =	vsel vm1, v4, v3;
	[tilespmem:s26+$0xE010] =	vst v6  }
0x3a0: {  	v6 =	vsel vm0, v8, v3;
	[tilespmem:s26+$0xE030] =	vst v5;
	v4 =	vmul.f32 v4, v28  }
0x3a1: {  	v5 =	vmul.f32 v6, v25;
	[tilespmem:s26+$0xE070] =	vst v7  }
0x3a2: {  	[tilespmem:s26+$0xE050] =	vst v4  }
0x3a3: {  	[tilespmem:s26+$0xE020] =	vst v5  }
0x3a4: {  	s13 =	simm.s32 $0xE000;
	s28 =	simm.s32 $0x0;
	s12 =	rddreg [dreg:$0x8]  }
0x3a5: {  	[hbm4b:s12+s20] =	stream.strided.scatter [tilespmem:s13], [sflag:$0xF], $0x1000, s21, s20, $0x38;
	[tilespmem:$0x10000] =	vst v63  }
0x3a6: {  	v6 =	vld [tilespmem:s28+$0x7040]  }
0x3a7: {  	v7 =	vld [tilespmem:s28+$0x7060]  }
0x3a8: {  	v11 =	vld [tilespmem:s28+$0x7070]  }
0x3a9: {  	v12 =	vld [tilespmem:s28+$0x7000];
	_ =	sdelay $0x1  }
0x3aa: {  	v13 =	vmul.f32 v6, v6  }
0x3ab: {  	v17 =	vmul.f32 v7, v7  }
0x3ac: {  	v19 =	vld [tilespmem:s28+$0x7030];
	v21 =	vmul.f32 v11, v11;
	v4 =	vadd.f32 v13, v2  }
0x3ad: {  	v14 =	vld [tilespmem:s28+$0x7010];
	v22 =	vmul.f32 v12, v12;
	v5 =	vadd.f32 v17, v2  }
0x3ae: {  	v16 =	vld [tilespmem:s28+$0x7050];
	v9 =	vadd.f32 v21, v2;
	(erf) = vrcp.f32 v4  }
0x3af: {  	v4 =	vadd.f32 v22, v2;
	(erf) = vrcp.f32 v5  }
0x3b0: {  	v20 =	vld [tilespmem:s28+$0x7020];
	(erf) = vrcp.f32 v9  }
0x3b1: {  	(erf) = vrcp.f32 v4  }
0x3b2: {  	v8 =	vmul.f32 v19, v19  }
0x3b3: {  	v9 =	vmul.f32 v14, v14;
	v4 =	vmul.f32 v16, v16  }
0x3b4: {  	s26 =	simm.s32 $0x80;
	v5 =	vadd.f32 v8, v2  }
0x3b5: {  	v15 =	vld [tilespmem:s26+$0x7040];
	v18 =	vmul.f32 v20, v20;
	v10 =	vadd.f32 v9, v2;
	v23 =	vadd.f32 v4, v2  }
0x3b6: {  	vm2 =	vgt.f32 v14, $9.990000120e-01;
	(erf) = vrcp.f32 v5  }
0x3b7: {  	vm3 =	vgt.f32 v6, $9.990000120e-01;
	v14 =	vadd.f32 v18, v2;
	(erf) = vrcp.f32 v10;
	v10 =	vld [tilespmem:s26+$0x7060];
	v6 =	vpop (erf)  }
0x3b8: {  	v5 =	vld [tilespmem:s26+$0x7070];
	(erf) = vrcp.f32 v23;
	v6 =	vsel vm3, v6, v3;
	vm3 =	vgt.f32 v7, $9.990000120e-01;
	v7 =	vpop (erf)  }
0x3b9: {  	vm1 =	vgt.f32 v16, $9.990000120e-01;
	vm4 =	vgt.f32 v11, $9.990000120e-01;
	v16 =	vld [tilespmem:s26+$0x7000];
	(erf) = vrcp.f32 v14;
	v23 =	vpop (erf)  }
0x3ba: {  	vm5 =	vgt.f32 v12, $9.990000120e-01;
	v11 =	vmul.f32 v6, v13;
	v6 =	vmul.f32 v15, v15;
	v24 =	vpop (erf)  }
0x3bb: {  	vm0 =	vgt.f32 v20, $9.990000120e-01;
	v13 =	vld [tilespmem:s26+$0x7030];
	v7 =	vsel vm3, v7, v3;
	v24 =	vsel vm5, v24, v3  }
0x3bc: {  	v20 =	vld [tilespmem:s26+$0x7010];
	v14 =	vmul.f32 v10, v10;
	v25 =	vadd.f32 v6, v2;
	v22 =	vmul.f32 v24, v22  }
0x3bd: {  	v12 =	vmul.f32 v5, v5;
	v23 =	vsel vm4, v23, v3;
	v26 =	vmul.f32 v7, v17  }
0x3be: {  	v7 =	vmul.f32 v16, v16;
	v24 =	vadd.f32 v14, v2;
	[tilespmem:s28+$0xF000] =	vst v22;
	v22 =	vmul.f32 v23, v21;
	v21 =	vld [tilespmem:s26+$0x7050]  }
0x3bf: {  	v27 =	vadd.f32 v12, v2;
	vm3 =	vgt.f32 v19, $9.990000120e-01;
	(erf) = vrcp.f32 v25  }
0x3c0: {  	v62 =	vadd.f32 v7, v2;
	v19 =	vmul.f32 v13, v13;
	(erf) = vrcp.f32 v24;
	v25 =	vpop (erf)  }
0x3c1: {  	v17 =	vmul.f32 v20, v20;
	[tilespmem:s28+$0xF040] =	vst v11;
	v11 =	vld [tilespmem:s26+$0x7020];
	(erf) = vrcp.f32 v27;
	v63 =	vpop (erf);
	v24 =	vsel vm3, v25, v3  }
0x3c2: {  	s29 =	simm.s32 $0x708;
	s12 =	simm.s32 $0x400;
	[tilespmem:s28+$0xF060] =	vst v26;
	v25 =	vadd.f32 v19, v2;
	(erf) = vrcp.f32 v62;
	v23 =	vpop (erf);
	v26 =	vsel vm2, v63, v3  }
.LBB2_38:
0x3c3: {  	s13 =	sshra.s32 s12, $0x2;
	s29 =	sadd.s32 $0x8, s29;
	v27 =	vadd.f32 v17, v2;
	v28 =	vmul.f32 v21, v21;
	v9 =	vmul.f32 v26, v9;
	v26 =	vpop (erf)  }
0x3c4: {  	v32 =	vmul.f32 v24, v8;
	v24 =	vmovc v13;
	v29 =	vld [tilespmem:s13+$0x7060];
	p0 =	slt.u32 s29, $0x7F8;
	(erf) = vrcp.f32 v25;
	v25 =	vsel vm0, v26, v3;
	v26 =	vmovc v12  }
0x3c5: {  	v13 =	vsel vm1, v23, v3;
	v23 =	vmovc v14;
	v30 =	vld [tilespmem:s13+$0x7070];
	v12 =	vadd.f32 v28, v2;
	(erf) = vrcp.f32 v27;
	[tilespmem:s28+$0xF010] =	vst v9  }
0x3c6: {  	v31 =	vmul.f32 v11, v11;
	vm0 =	vgt.f32 v11, $9.990000120e-01;
	v11 =	vmul.f32 v13, v4;
	v4 =	vmovc v28;
	v27 =	vld [tilespmem:s13+$0x7040];
	[tilespmem:s28+$0xF030] =	vst v32  }
0x3c7: {  	vm1 =	vgt.f32 v21, $9.990000120e-01;
	v8 =	vmovc v19;
	v28 =	vld [tilespmem:s13+$0x7010];
	(erf) = vrcp.f32 v12;
	v12 =	vmul.f32 v25, v18;
	[tilespmem:s28+$0xF070] =	vst v22;
	v9 =	vmovc v17  }
0x3c8: {  	vm2 =	vgt.f32 v20, $9.990000120e-01;
	vm3 =	vgt.f32 v15, $9.990000120e-01;
	v13 =	vadd.f32 v31, v2;
	v32 =	vld [tilespmem:s13+$0x7000];
	v14 =	vpop (erf);
	[tilespmem:s28+$0xF050] =	vst v11  }
0x3c9: {  	vm4 =	vgt.f32 v5, $9.990000120e-01;
	v11 =	vld [tilespmem:s13+$0x7020];
	v14 =	vsel vm3, v14, v3;
	vm3 =	vgt.f32 v10, $9.990000120e-01;
	v5 =	vpop (erf);
	[tilespmem:s28+$0xF020] =	vst v12;
	s28 =	smov.u32 s26;
	s26 =	smov.u32 s13  }
0x3ca: {  	vm5 =	vgt.f32 v16, $9.990000120e-01;
	v10 =	vmul.f32 v14, v6;
	(erf) = vrcp.f32 v13;
	v15 =	vpop (erf)  }
0x3cb: {  	v12 =	vmul.f32 v30, v30;
	v5 =	vsel vm3, v5, v3;
	v13 =	vld [tilespmem:s26+$0x7030];
	v6 =	vmul.f32 v27, v27;
	v16 =	vpop (erf)  }
0x3cc: {  	v14 =	vmul.f32 v29, v29;
	v15 =	vsel vm4, v15, v3;
	v16 =	vsel vm5, v16, v3;
	[tilespmem:s28+$0xF040] =	vst v10  }
0x3cd: {  	v18 =	vmul.f32 v5, v23;
	v19 =	vadd.f32 v6, v2;
	v16 =	vmul.f32 v16, v7;
	v20 =	vpop (erf)  }
.Ltmp21:
0x3ce: {  	v22 =	vadd.f32 v14, v2;
	v25 =	vadd.f32 v12, v2;
	v7 =	vmul.f32 v32, v32;
	v21 =	vld [tilespmem:s26+$0x7050];
	v33 =	vpop (erf);
	(pc) =	sbr.rel @p0 .LBB2_38-.Ltmp21, $4  }
0x3cf: {  	vm3 =	vgt.f32 v24, $9.990000120e-01;
	v17 =	vmul.f32 v28, v28;
	v5 =	vmovc v30;
	v10 =	vmovc v29;
	(erf) = vrcp.f32 v19;
	[tilespmem:s28+$0xF000] =	vst v16  }
0x3d0: {  	v29 =	vadd.f32 v7, v2;
	v19 =	vmul.f32 v13, v13;
	(erf) = vrcp.f32 v22;
	[tilespmem:s28+$0xF060] =	vst v18;
	v23 =	vpop (erf)  }
0x3d1: {  	v24 =	vsel vm3, v20, v3;
	v22 =	vmul.f32 v15, v26;
	v15 =	vmovc v27;
	v18 =	vmovc v31;
	(erf) = vrcp.f32 v25  }
0x3d2: {  	s12 =	sadd.s32 $0x200, s12;
	v20 =	vmovc v28;
	v26 =	vsel vm2, v33, v3;
	v16 =	vmovc v32;
	v25 =	vadd.f32 v19, v2;
	(erf) = vrcp.f32 v29  }
0x3d3: {  	v28 =	vmul.f32 v21, v21  }
0x3d4: {  	v27 =	vadd.f32 v17, v2;
	v48 =	vmul.f32 v11, v11  }
0x3d5: {  	(erf) = vrcp.f32 v25;
	v49 =	vadd.f32 v28, v2  }
0x3d6: {  	(erf) = vrcp.f32 v27;
	v2 =	vadd.f32 v48, v2  }
0x3d7: {  	v50 =	vpop (erf);
	(erf) = vrcp.f32 v49  }
0x3d8: {  	v51 =	vpop (erf);
	(erf) = vrcp.f32 v2;
	v2 =	vsel vm1, v23, v3  }
0x3d9: {  	vm8 =	vgt.f32 v15, $9.990000120e-01;
	v2 =	vmul.f32 v2, v4  }
0x3da: {  	v9 =	vmul.f32 v26, v9;
	[tilespmem:s28+$0xF070] =	vst v22;
	v15 =	vsel vm8, v51, v3  }
0x3db: {  	v8 =	vmul.f32 v24, v8;
	vm10 =	vgt.f32 v10, $9.990000120e-01;
	v52 =	vpop (erf);
	[tilespmem:s28+$0xF050] =	vst v2;
	v2 =	vmul.f32 v15, v6  }
0x3dc: {  	vm13 =	vgt.f32 v5, $9.990000120e-01;
	v53 =	vsel vm0, v50, v3;
	[tilespmem:s28+$0xF010] =	vst v9;
	v54 =	vpop (erf);
	v59 =	vsel vm10, v52, v3  }
0x3dd: {  	v55 =	vmul.f32 v53, v18;
	v4 =	vsel vm13, v54, v3;
	[tilespmem:s26+$0xF040] =	vst v2;
	v2 =	vmul.f32 v59, v14  }
0x3de: {  	vm9 =	vgt.f32 v16, $9.990000120e-01;
	[tilespmem:s28+$0xF030] =	vst v8;
	v56 =	vpop (erf);
	v4 =	vmul.f32 v4, v12  }
0x3df: {  	vm12 =	vgt.f32 v13, $9.990000120e-01;
	[tilespmem:s28+$0xF020] =	vst v55;
	v57 =	vsel vm9, v56, v3;
	v58 =	vpop (erf)  }
0x3e0: {  	vm11 =	vgt.f32 v20, $9.990000120e-01;
	v6 =	vmul.f32 v57, v7;
	v60 =	vpop (erf);
	v61 =	vsel vm12, v58, v3;
	[tilespmem:s26+$0xF070] =	vst v4  }
0x3e1: {  	vm14 =	vgt.f32 v21, $9.990000120e-01;
	v7 =	vsel vm11, v60, v3;
	[tilespmem:s26+$0xF060] =	vst v2;
	v5 =	vmul.f32 v61, v19;
	v2 =	vpop (erf)  }
0x3e2: {  	vm15 =	vgt.f32 v11, $9.990000120e-01;
	[tilespmem:s26+$0xF000] =	vst v6;
	v62 =	vmul.f32 v7, v17;
	v63 =	vpop (erf);
	v2 =	vsel vm14, v2, v3  }
0x3e3: {  	[tilespmem:s26+$0xF030] =	vst v5;
	v3 =	vsel vm15, v63, v3;
	v2 =	vmul.f32 v2, v28  }
0x3e4: {  	[tilespmem:s26+$0xF010] =	vst v62;
	v3 =	vmul.f32 v3, v48  }
0x3e5: {  	[tilespmem:s26+$0xF050] =	vst v2  }
0x3e6: {  	[tilespmem:s26+$0xF020] =	vst v3  }
0x3e7: {  	s13 =	simm.s32 $0xF000;
	s12 =	rddreg [dreg:$0x9]  }
0x3e8: {  	[hbm4b:s12+s20] =	stream.strided.scatter [tilespmem:s13], [sflag:$0x10], $0x1000, s21, s20, $0x38;
	[tilespmem:$0x10000] =	vst v63  }
0x3e9: {  	s13 =	simm.s32 $0x9  }
0x3ea: {  	_ =	swait.ge [sflag:s13], $0x1000  }
0x3eb: {  	[sflag:s13] =	ssyncset.done $0x0  }
0x3ec: {  	s26 =	simm.s32 $0xA;
	[sflag:s13] =	ssyncadd.s32 $0xFFFFF000  }
0x3ed: {  	_ =	swait.ge [sflag:s26], $0x1000  }
0x3ee: {  	[sflag:s26] =	ssyncset.done $0x0  }
0x3ef: {  	s13 =	simm.s32 $0xB;
	[sflag:s26] =	ssyncadd.s32 $0xFFFFF000  }
0x3f0: {  	_ =	swait.ge [sflag:s13], $0x1000  }
0x3f1: {  	[sflag:s13] =	ssyncset.done $0x0  }
0x3f2: {  	s26 =	simm.s32 $0xC;
	[sflag:s13] =	ssyncadd.s32 $0xFFFFF000  }
0x3f3: {  	_ =	swait.ge [sflag:s26], $0x1000  }
0x3f4: {  	[sflag:s26] =	ssyncset.done $0x0  }
0x3f5: {  	[sflag:s26] =	ssyncadd.s32 $0xFFFFF000  }
0x3f6: {  	_ =	swait.ge [sflag:s14], $0x1000  }
0x3f7: {  	[sflag:s14] =	ssyncset.done $0x0  }
0x3f8: {  	[sflag:s14] =	ssyncadd.s32 $0xFFFFF000  }
0x3f9: {  	_ =	swait.ge [sflag:s15], $0x1000  }
0x3fa: {  	[sflag:s15] =	ssyncset.done $0x0  }
0x3fb: {  	[sflag:s15] =	ssyncadd.s32 $0xFFFFF000  }
0x3fc: {  	_ =	swait.ge [sflag:s16], $0x1000  }
.Ltmp22:
0x3fd: {  	[sflag:s16] =	ssyncset.done $0x0;
	(pc) =	sbr.rel .LBB2_41-.Ltmp22, $4  }
0x3fe: {  	[sflag:s16] =	ssyncadd.s32 $0xFFFFF000  }
0x3ff: {  	_ =	swait.ge [sflag:s17], $0x1000  }
0x400: {  	s29 =	simm.s32 $0x3000;
	[sflag:s17] =	ssyncset.done $0x0  }
0x401: {  	s28 =	simm.s32 $0x2000;
	s13 =	simm.s32 $0x1000;
	[sflag:s17] =	ssyncadd.s32 $0xFFFFF000  }
.LBB2_42:
0x402: {  	_ =	sfence.sel $0x180000  }
0x403: {  	[bflag:$0x0] =	sbarrier.arrive $0xFFFF  }
0x404: {  	_ =	strace $0x90000047  }
0x405: {  	s0 =	stileid.u32;
	[bflag:$0x2] =	sbarrier.arrive $0xFFFF  }
0x406: {  	p0 =	sne.s32 s0, $0x0;
	s0 =	rddreg [dreg:$0x2]  }
0x407: {  	s0 =	sadd.s32 @!p0 $0x100000, s0  }
0x408: {  	[sflag:s0] =	ssyncadd.tile.s32 @!p0 $0x1;
	_ =	shalt  }
.Lfunc_end2:
_tile_overlayer_lowered:
.L_overlay_start_2:
0x409: {  	(tag) =	ssettag $0x2  }
0x40a: {  	s0 =	rddreg [dreg:$0x0];
	s2 =	stileid.u32  }
0x40b: {  	s1 =	rddreg [dreg:$0x1];
	p0 =	sne.s32 s2, $0x0  }
0x40c: {  	s3 =	rddreg [dreg:$0x2];
	[bflag:$0x3] =	sbarrier.arrive $0xFFFF;
	s2 =	simm.s32 @!p0 $0x1C11  }
0x40d: {  	[timem:s3], [sflag:s2] =	dma.local @!p0 [hbm:s0], s1  }
0x40e: {  	s0 =	simm.s32 @!p0 $0x11  }
0x40f: {  	_ =	swait.ge @!p0 [sflag:s0], s1  }
0x410: {  	s1 =	ssub.s32 @!p0 $0x0, s1;
	[sflag:s0] =	ssyncset.done @!p0 $0x0  }
0x411: {  	[sflag:s0] =	ssyncadd.s32 @!p0 s1  }
0x412: {  	[bflag:$0x3] =	sbarrier.arrive $0xFFFF  }
0x413: {  	_ =	shalt  }

</sc_bundles>
